<compile_context>
chip_gen: v7x
topology: tpu7x:2x2x1
jax: 0.10.2.dev20260603
libtpu: 0.0.44.dev20260713+nightly
codegen_flags: <defaults>
</compile_context>

<pallas_src>
import functools

import jax
import jax.numpy as jnp
from jax import lax
from jax.experimental import pallas as pl
from jax.experimental.pallas import tpu as pltpu
from jax.experimental.pallas import tpu_sc as plsc

NUM_ITEMS = 1000000
DIM = 64
BATCH = 16384

_info = plsc.get_sparse_core_info()
NC, NS, L = _info.num_cores, _info.num_subcores, _info.num_lanes
NW = NC * NS

NREQ = 2 * BATCH
CW = 512
NCH = (NUM_ITEMS - 64) // CW
TAIL0 = NCH * CW
TAILB = NUM_ITEMS - 128
NBUK = 64
BCAP = 96
NST = 8

_mesh = plsc.VectorSubcoreMesh(core_axis_name="c", subcore_axis_name="s")
_IMIN = -2147483648


@functools.partial(
    pl.kernel,
    mesh=_mesh,
    out_type=jax.ShapeDtypeStruct((NREQ * DIM,), jnp.float32),
    compiler_params=pltpu.CompilerParams(
        needs_layout_passes=False, use_tc_tiling_on_sc=True),
    scratch_types=[
        pltpu.VMEM((NREQ,), jnp.int32),
        pltpu.VMEM((NBUK * BCAP,), jnp.int32),
        pltpu.VMEM((NBUK * BCAP,), jnp.int32),
        pltpu.VMEM((NBUK,), jnp.int32),
        pltpu.VMEM((2, DIM, CW), jnp.float32),
        pltpu.VMEM((NST * DIM,), jnp.float32),
        pltpu.SMEM((4,), jnp.int32),
        pltpu.SemaphoreType.DMA((2,)),
        pltpu.SemaphoreType.DMA((NST,)),
    ],
)
def _sc_harvest(row_hbm, col_hbm, tab_hbm, tail_hbm, out_hbm,
                req_v, bk_item, bk_dst, bk_cnt, slab_v, st_v, cnt_s,
                csem, ssem):
    wid = lax.axis_index("s") * NC + lax.axis_index("c")
    lane = lax.iota(jnp.int32, L)
    ones = jnp.zeros((L,), jnp.int32) + 1

    cstart = (NCH * wid) // NW
    cend = (NCH * (wid + 1)) // NW
    lo_own = cstart * CW
    hi_own = jnp.where(wid == NW - 1, NUM_ITEMS, cend * CW)

    pltpu.async_copy(tab_hbm.at[:, pl.ds(cstart * CW, CW)], slab_v.at[0],
                     csem.at[0])
    pltpu.async_copy(tab_hbm.at[:, pl.ds((cstart + 1) * CW, CW)], slab_v.at[1],
                     csem.at[1])

    pltpu.sync_copy(row_hbm, req_v.at[pl.ds(0, BATCH)])
    pltpu.sync_copy(col_hbm, req_v.at[pl.ds(BATCH, BATCH)])

    def zero_body(v, carry):
        bk_cnt[pl.ds(v * L, L)] = jnp.zeros((L,), jnp.int32)
        return carry
    lax.fori_loop(0, NBUK // L, zero_body, 0)
    cnt_s[0] = 0

    def bcast(vec, f_splat):
        return jnp.take_along_axis(vec, f_splat, axis=0,
                                   mode="promise_in_bounds")

    def route_one(v):
        x = req_v[pl.ds(v * L, L)]
        m = (x >= lo_own) & (x < hi_own)

        def cond(state):
            return jnp.any(state[0])

        def take(state):
            m_cur, _ = state
            f = plsc.all_reduce_ffs(m_cur)
            sel = lane == f
            item = bcast(x, f)
            buk = lax.shift_right_logical(item - lo_own, 9)
            pos = plsc.load_gather(bk_cnt, [buk])
            m0 = sel & (pos < BCAP)
            slot = buk * BCAP + pos
            plsc.store_scatter(bk_item, [slot], item, mask=m0)
            plsc.store_scatter(bk_dst, [slot], lane + v * L, mask=m0)
            plsc.addupdate_scatter(bk_cnt, [buk], ones, mask=m0)
            return (m_cur & jnp.logical_not(sel), 0)

        lax.while_loop(cond, take, (m, 0))

    def route_body(u, carry):
        for j in range(4):
            route_one(u * 4 + j)
        return carry

    lax.fori_loop(0, NREQ // L // 4, route_body, 0)

    dimq = [lane + q * L for q in range(DIM // L)]

    def process_bucket(buf, buk, origin):
        nb = plsc.load_gather(bk_cnt, [jnp.zeros((L,), jnp.int32) + buk])

        def scan_body(v, carry):
            base = buk * BCAP + v * L
            x = bk_item[pl.ds(base, L)]
            d = bk_dst[pl.ds(base, L)]
            m = (v * L + lane) < nb

            def cond(state):
                return jnp.any(state[0])

            def take(state):
                m_cur, _ = state
                f = plsc.all_reduce_ffs(m_cur)
                sel = lane == f
                lc = bcast(x, f) - origin
                dst = jnp.max(jnp.where(sel, d, jnp.int32(_IMIN)))
                mc = cnt_s[0]
                slot = lax.rem(mc, NST)

                @pl.when(mc >= NST)
                def _():
                    pltpu.make_async_copy(
                        out_hbm.at[pl.ds(0, DIM)],
                        st_v.at[pl.ds(0, DIM)],
                        ssem.at[slot]).wait()
                for q in range(DIM // L):
                    g = plsc.load_gather(slab_v.at[buf], [dimq[q], lc])
                    st_v[pl.ds(slot * DIM + q * L, L)] = g
                pltpu.async_copy(
                    st_v.at[pl.ds(slot * DIM, DIM)],
                    out_hbm.at[pl.ds(dst * DIM, DIM)],
                    ssem.at[slot])
                cnt_s[0] = mc + 1
                return (m_cur & jnp.logical_not(sel), 0)

            lax.while_loop(cond, take, (m, 0))
            return carry

        lax.fori_loop(0, BCAP // L, scan_body, 0)

    def fire_slab(k, buf):
        pltpu.async_copy(tab_hbm.at[:, pl.ds(k * CW, CW)], slab_v.at[buf],
                         csem.at[buf])

    def wait_slab(buf):
        pltpu.make_async_copy(
            tab_hbm.at[:, pl.ds(0, CW)], slab_v.at[buf],
            csem.at[buf]).wait()

    nslab = cend - cstart

    def slab_body(i, carry):
        buf = lax.rem(i, 2)
        wait_slab(buf)
        process_bucket(buf, i, (cstart + i) * CW)

        @pl.when(i + 2 < nslab)
        def _():
            fire_slab(cstart + i + 2, buf)
        return carry

    lax.fori_loop(0, nslab, slab_body, 0)

    @pl.when(wid == NW - 1)
    def _():
        pltpu.sync_copy(tail_hbm, slab_v.at[0, :, pl.ds(0, 128)])
        process_bucket(0, nslab, TAILB)

    total = cnt_s[0]

    def drain_body(s, carry):
        @pl.when(s < total)
        def _():
            pltpu.make_async_copy(
                out_hbm.at[pl.ds(0, DIM)],
                st_v.at[pl.ds(0, DIM)],
                ssem.at[lax.rem(s, NST)]).wait()
        return carry

    lax.fori_loop(0, NST, drain_body, 0)


@functools.partial(
    pl.kernel,
    mesh=_mesh,
    out_type=jax.ShapeDtypeStruct((BATCH,), jnp.float32),
    compiler_params=pltpu.CompilerParams(
        needs_layout_passes=False, use_tc_tiling_on_sc=False),
    scratch_types=[
        pltpu.VMEM((BATCH // NW, DIM), jnp.float32),
        pltpu.VMEM((BATCH // NW, DIM), jnp.float32),
        pltpu.VMEM((BATCH // NW,), jnp.float32),
        pltpu.SemaphoreType.DMA,
    ],
)
def _sc_dot(gath_hbm, out_hbm, rows_v, cols_v, out_v, sem):
    wid = lax.axis_index("s") * NC + lax.axis_index("c")
    bpw = BATCH // NW
    base = wid * bpw
    c1 = pltpu.async_copy(gath_hbm.at[pl.ds(base, bpw)], rows_v, sem)
    c2 = pltpu.async_copy(gath_hbm.at[pl.ds(BATCH + base, bpw)], cols_v, sem)
    c1.wait()
    c2.wait()

    lane = lax.iota(jnp.int32, L)

    def group_body(g, carry):
        row_ids = g * L + lane
        acc = jnp.zeros((L,), jnp.float32)
        dcol = jnp.zeros((L,), jnp.int32)
        for _ in range(DIM):
            r = plsc.load_gather(rows_v, [row_ids, dcol])
            c = plsc.load_gather(cols_v, [row_ids, dcol])
            acc = acc + r * c
            dcol = dcol + 1
        out_v[pl.ds(g * L, L)] = acc
        return carry

    lax.fori_loop(0, BATCH // NW // L, group_body, 0)

    pltpu.sync_copy(out_v, out_hbm.at[pl.ds(base, bpw)])


def kernel(rowIndex, colIndex, outEmbs):
    tabT = outEmbs.T
    tailT = lax.slice(outEmbs, (TAILB, 0), (NUM_ITEMS, DIM)).T
    gath = _sc_harvest(rowIndex.astype(jnp.int32), colIndex.astype(jnp.int32),
                       tabT, tailT)
    return _sc_dot(gath.reshape(NREQ, DIM))

# --- scband reference (transcript-rebuilt; emitter-appended) ---
"""Pipeline reference for scband-fac-tor-2997887172612 (READ-ONLY COPY).

The authoritative reference and input builder live on the scoring server;
editing this copy changes nothing except your own understanding.
"""

import jax, jax.numpy as jnp
import numpy as np

NUM_ITEMS = 1000000
DIM = 64
BATCH = 16384

def setup_inputs(seed=0) -> dict:
    key = jax.random.key(seed)
    k1, k2, k3 = jax.random.split(key, 3)
    rowIndex = jax.random.randint(k1, (BATCH,), 0, NUM_ITEMS, dtype=jnp.int64 if jax.config.jax_enable_x64 else jnp.int32)
    colIndex = jax.random.randint(k2, (BATCH,), 0, NUM_ITEMS, dtype=jnp.int64 if jax.config.jax_enable_x64 else jnp.int32)
    outEmbs = jax.random.normal(k3, (NUM_ITEMS, DIM), dtype=jnp.float32)
    return {"rowIndex": rowIndex, "colIndex": colIndex, "outEmbs": outEmbs}

def reference(rowIndex, colIndex, outEmbs):
    # rows = self.outEmbs(rowIndex); cols = self.outEmbs(colIndex)
    rows = jnp.take(outEmbs, rowIndex, axis=0)
    cols = jnp.take(outEmbs, colIndex, axis=0)
    # res = (rows * cols).sum(-1)
    res = (rows * cols).sum(-1)
    return res

if __name__ == "__main__":
    import jax
    _d = setup_inputs()
    print(jax.jit(kernel)(*tuple(_d.values())))

</pallas_src>

<mosaic_0001>
#map = affine_map<(d0, d1) -> (0)>
#map1 = affine_map<(d0, d1) -> (0, 0)>
module attributes {stable_mosaic.version = 14 : i64} {
  func.func @_sc_harvest(%arg0: i32, %arg1: i32, %arg2: memref<16384xi32, #tpu.memory_space<hbm>>, %arg3: memref<16384xi32, #tpu.memory_space<hbm>>, %arg4: memref<64x1000000xf32, #tpu.memory_space<hbm>>, %arg5: memref<64x128xf32, #tpu.memory_space<hbm>>, %arg6: memref<2097152xf32, #tpu.memory_space<hbm>>, %arg7: memref<32768xi32, #tpu.memory_space<vmem>>, %arg8: memref<6144xi32, #tpu.memory_space<vmem>>, %arg9: memref<6144xi32, #tpu.memory_space<vmem>>, %arg10: memref<64xi32, #tpu.memory_space<vmem>>, %arg11: memref<2x64x512xf32, #tpu.memory_space<vmem>>, %arg12: memref<512xf32, #tpu.memory_space<vmem>>, %arg13: memref<4xi32, #tpu.memory_space<smem>>, %arg14: memref<2x!tpu.dma_semaphore, #tpu.memory_space<semaphore_mem>>, %arg15: memref<8x!tpu.dma_semaphore, #tpu.memory_space<semaphore_mem>>) attributes {dimension_semantics = [#tpu.dimension_semantics<core_parallel>, #tpu.dimension_semantics<subcore_parallel>], iteration_bounds = array<i64: 2, 16>, scalar_prefetch = 0 : i64, scratch_operands = 9 : i64, tpu.core_type = #tpu.core_type<sc_vector_subcore>, window_params = [{transform_indices = #map}, {transform_indices = #map}, {transform_indices = #map1}, {transform_indices = #map1}, {transform_indices = #map}]} {
    %mul3A = arith.constant 2 : i32
    %mul3A_0 = arith.muli %arg1, %mul3A : i32
    %add3A = arith.addi %mul3A_0, %arg0 : i32
    %iota3A = tpu.iota {dimensions = array<i32: 0>} : vector<16xi32>
    %broadcast_in_dim3A = arith.constant 0 : i32
    %broadcast_in_dim3A_1 = vector.broadcast %broadcast_in_dim3A : i32 to vector<16xi32>
    %add3A_2 = arith.constant 1 : i32
    %add3A_3 = vector.broadcast %add3A_2 : i32 to vector<16xi32>
    %add3A_4 = arith.addi %broadcast_in_dim3A_1, %add3A_3 : vector<16xi32>
    %mul3A_5 = arith.constant 1953 : i32
    %mul3A_6 = arith.muli %mul3A_5, %add3A : i32
    %jit3A = arith.constant 32 : i32
    %div3A = arith.divsi %mul3A_6, %jit3A : i32
    %sign3A = arith.constant 0 : i32
    %sign3A_7 = arith.cmpi sgt, %mul3A_6, %sign3A : i32
    %sign3A_8 = arith.extui %sign3A_7 : i1 to i32
    %sign3A_9 = arith.constant 0 : i32
    %sign3A_10 = arith.cmpi slt, %mul3A_6, %sign3A_9 : i32
    %sign3A_11 = arith.extui %sign3A_10 : i1 to i32
    %sign3A_12 = arith.subi %sign3A_8, %sign3A_11 : i32
    %sign3A_13 = arith.constant 0 : i32
    %sign3A_14 = arith.cmpi sgt, %jit3A, %sign3A_13 : i32
    %sign3A_15 = arith.extui %sign3A_14 : i1 to i32
    %sign3A_16 = arith.constant 0 : i32
    %sign3A_17 = arith.cmpi slt, %jit3A, %sign3A_16 : i32
    %sign3A_18 = arith.extui %sign3A_17 : i1 to i32
    %sign3A_19 = arith.subi %sign3A_15, %sign3A_18 : i32
    %ne3A = arith.cmpi ne, %sign3A_12, %sign3A_19 : i32
    %rem3A = arith.remsi %mul3A_6, %jit3A : i32
    %ne3A_20 = arith.constant 0 : i32
    %ne3A_21 = arith.cmpi ne, %rem3A, %ne3A_20 : i32
    %and3A = arith.andi %ne3A, %ne3A_21 : i1
    %sub3A = arith.constant 1 : i32
    %sub3A_22 = arith.subi %div3A, %sub3A : i32
    %select_n3A = arith.select %and3A, %sub3A_22, %div3A : i32
    %add3A_23 = arith.constant 1 : i32
    %add3A_24 = arith.addi %add3A, %add3A_23 : i32
    %mul3A_25 = arith.constant 1953 : i32
    %mul3A_26 = arith.muli %mul3A_25, %add3A_24 : i32
    %jit3A_27 = arith.constant 32 : i32
    %div3A_28 = arith.divsi %mul3A_26, %jit3A_27 : i32
    %sign3A_29 = arith.constant 0 : i32
    %sign3A_30 = arith.cmpi sgt, %mul3A_26, %sign3A_29 : i32
    %sign3A_31 = arith.extui %sign3A_30 : i1 to i32
    %sign3A_32 = arith.constant 0 : i32
    %sign3A_33 = arith.cmpi slt, %mul3A_26, %sign3A_32 : i32
    %sign3A_34 = arith.extui %sign3A_33 : i1 to i32
    %sign3A_35 = arith.subi %sign3A_31, %sign3A_34 : i32
    %sign3A_36 = arith.constant 0 : i32
    %sign3A_37 = arith.cmpi sgt, %jit3A_27, %sign3A_36 : i32
    %sign3A_38 = arith.extui %sign3A_37 : i1 to i32
    %sign3A_39 = arith.constant 0 : i32
    %sign3A_40 = arith.cmpi slt, %jit3A_27, %sign3A_39 : i32
    %sign3A_41 = arith.extui %sign3A_40 : i1 to i32
    %sign3A_42 = arith.subi %sign3A_38, %sign3A_41 : i32
    %ne3A_43 = arith.cmpi ne, %sign3A_35, %sign3A_42 : i32
    %rem3A_44 = arith.remsi %mul3A_26, %jit3A_27 : i32
    %ne3A_45 = arith.constant 0 : i32
    %ne3A_46 = arith.cmpi ne, %rem3A_44, %ne3A_45 : i32
    %and3A_47 = arith.andi %ne3A_43, %ne3A_46 : i1
    %sub3A_48 = arith.constant 1 : i32
    %sub3A_49 = arith.subi %div3A_28, %sub3A_48 : i32
    %select_n3A_50 = arith.select %and3A_47, %sub3A_49, %div3A_28 : i32
    %mul3A_51 = arith.constant 512 : i32
    %mul3A_52 = arith.muli %select_n3A, %mul3A_51 : i32
    %eq3A = arith.constant 31 : i32
    %eq3A_53 = arith.cmpi eq, %add3A, %eq3A : i32
    %mul3A_54 = arith.constant 512 : i32
    %mul3A_55 = arith.muli %select_n3A_50, %mul3A_54 : i32
    %jit3A_56 = arith.constant 1000000 : i32
    %select_n3A_57 = arith.select %eq3A_53, %jit3A_56, %mul3A_55 : i32
    %mul3A_58 = arith.constant 512 : i32
    %mul3A_59 = arith.muli %select_n3A, %mul3A_58 : i32
    %dma_start3A = arith.constant 0 : i32
    %dma_start3A_60 = arith.constant 0 : i32
    %dma_start3A_61 = arith.constant 0 : i32
    %dma_start3A_62 = arith.constant 0 : i32
    %dma_start3A_63 = tpu.memref_slice %arg11[%dma_start3A, %dma_start3A_61, %dma_start3A_62] : memref<2x64x512xf32, #tpu.memory_space<vmem>> -> memref<1x64x512xf32, #tpu.memory_space<vmem>>
    %dma_start3A_64 = tpu.memref_squeeze %dma_start3A_63 : memref<1x64x512xf32, #tpu.memory_space<vmem>> -> memref<64x512xf32, #tpu.memory_space<vmem>>
    %dma_start3A_65 = arith.constant 0 : i32
    %dma_start3A_66 = tpu.memref_slice %arg4[%dma_start3A_65, %mul3A_59] : memref<64x1000000xf32, #tpu.memory_space<hbm>> -> memref<64x512xf32, #tpu.memory_space<hbm>>
    %dma_start3A_67 = tpu.memref_slice %arg14[%dma_start3A_60] : memref<2x!tpu.dma_semaphore, #tpu.memory_space<semaphore_mem>> -> memref<1x!tpu.dma_semaphore, #tpu.memory_space<semaphore_mem>>
    %dma_start3A_68 = tpu.memref_squeeze %dma_start3A_67 : memref<1x!tpu.dma_semaphore, #tpu.memory_space<semaphore_mem>> -> memref<!tpu.dma_semaphore, #tpu.memory_space<semaphore_mem>>
    %dma_start3A_69 = arith.constant 0 : i32
    %dma_start3A_70 = arith.constant 0 : i32
    %dma_start3A_71 = tpu.memref_slice %arg11[%dma_start3A, %dma_start3A_69, %dma_start3A_70] : memref<2x64x512xf32, #tpu.memory_space<vmem>> -> memref<1x64x512xf32, #tpu.memory_space<vmem>>
    %dma_start3A_72 = tpu.memref_squeeze %dma_start3A_71 : memref<1x64x512xf32, #tpu.memory_space<vmem>> -> memref<64x512xf32, #tpu.memory_space<vmem>>
    %dma_start3A_73 = arith.constant 0 : i32
    %dma_start3A_74 = tpu.memref_slice %arg4[%dma_start3A_73, %mul3A_59] : memref<64x1000000xf32, #tpu.memory_space<hbm>> -> memref<64x512xf32, #tpu.memory_space<hbm>>
    tpu.enqueue_dma source(%dma_start3A_74 : memref<64x512xf32, #tpu.memory_space<hbm>>) target(%dma_start3A_72 : memref<64x512xf32, #tpu.memory_space<vmem>>) target_semaphore(%dma_start3A_68 : memref<!tpu.dma_semaphore, #tpu.memory_space<semaphore_mem>>)
    %add3A_75 = arith.constant 1 : i32
    %add3A_76 = arith.addi %select_n3A, %add3A_75 : i32
    %mul3A_77 = arith.constant 512 : i32
    %mul3A_78 = arith.muli %add3A_76, %mul3A_77 : i32
    %dma_start3A_79 = arith.constant 1 : i32
    %dma_start3A_80 = arith.constant 1 : i32
    %dma_start3A_81 = arith.constant 0 : i32
    %dma_start3A_82 = arith.constant 0 : i32
    %dma_start3A_83 = tpu.memref_slice %arg11[%dma_start3A_79, %dma_start3A_81, %dma_start3A_82] : memref<2x64x512xf32, #tpu.memory_space<vmem>> -> memref<1x64x512xf32, #tpu.memory_space<vmem>>
    %dma_start3A_84 = tpu.memref_squeeze %dma_start3A_83 : memref<1x64x512xf32, #tpu.memory_space<vmem>> -> memref<64x512xf32, #tpu.memory_space<vmem>>
    %dma_start3A_85 = arith.constant 0 : i32
    %dma_start3A_86 = tpu.memref_slice %arg4[%dma_start3A_85, %mul3A_78] : memref<64x1000000xf32, #tpu.memory_space<hbm>> -> memref<64x512xf32, #tpu.memory_space<hbm>>
    %dma_start3A_87 = tpu.memref_slice %arg14[%dma_start3A_80] : memref<2x!tpu.dma_semaphore, #tpu.memory_space<semaphore_mem>> -> memref<1x!tpu.dma_semaphore, #tpu.memory_space<semaphore_mem>>
    %dma_start3A_88 = tpu.memref_squeeze %dma_start3A_87 : memref<1x!tpu.dma_semaphore, #tpu.memory_space<semaphore_mem>> -> memref<!tpu.dma_semaphore, #tpu.memory_space<semaphore_mem>>
    %dma_start3A_89 = arith.constant 0 : i32
    %dma_start3A_90 = arith.constant 0 : i32
    %dma_start3A_91 = tpu.memref_slice %arg11[%dma_start3A_79, %dma_start3A_89, %dma_start3A_90] : memref<2x64x512xf32, #tpu.memory_space<vmem>> -> memref<1x64x512xf32, #tpu.memory_space<vmem>>
    %dma_start3A_92 = tpu.memref_squeeze %dma_start3A_91 : memref<1x64x512xf32, #tpu.memory_space<vmem>> -> memref<64x512xf32, #tpu.memory_space<vmem>>
    %dma_start3A_93 = arith.constant 0 : i32
    %dma_start3A_94 = tpu.memref_slice %arg4[%dma_start3A_93, %mul3A_78] : memref<64x1000000xf32, #tpu.memory_space<hbm>> -> memref<64x512xf32, #tpu.memory_space<hbm>>
    tpu.enqueue_dma source(%dma_start3A_94 : memref<64x512xf32, #tpu.memory_space<hbm>>) target(%dma_start3A_92 : memref<64x512xf32, #tpu.memory_space<vmem>>) target_semaphore(%dma_start3A_88 : memref<!tpu.dma_semaphore, #tpu.memory_space<semaphore_mem>>)
    "tpu.region"() ({
      %run_scoped3A = tpu.sem_alloc : memref<!tpu.dma_semaphore, #tpu.memory_space<semaphore_mem>>
      %dma_start3A_142 = arith.constant 0 : i32
      %dma_start3A_143 = tpu.memref_slice %arg7[%dma_start3A_142] : memref<32768xi32, #tpu.memory_space<vmem>> -> memref<16384xi32, #tpu.memory_space<vmem>>
      %dma_start3A_144 = arith.constant 0 : i32
      %dma_start3A_145 = tpu.memref_slice %arg7[%dma_start3A_144] : memref<32768xi32, #tpu.memory_space<vmem>> -> memref<16384xi32, #tpu.memory_space<vmem>>
      tpu.enqueue_dma source(%arg2 : memref<16384xi32, #tpu.memory_space<hbm>>) target(%dma_start3A_145 : memref<16384xi32, #tpu.memory_space<vmem>>) target_semaphore(%run_scoped3A : memref<!tpu.dma_semaphore, #tpu.memory_space<semaphore_mem>>)
      %dma_wait3A = arith.constant 0 : i32
      %dma_wait3A_146 = tpu.memref_slice %arg7[%dma_wait3A] : memref<32768xi32, #tpu.memory_space<vmem>> -> memref<16384xi32, #tpu.memory_space<vmem>>
      %dma_wait3A_147 = arith.constant 0 : i32
      %dma_wait3A_148 = tpu.memref_slice %arg7[%dma_wait3A_147] : memref<32768xi32, #tpu.memory_space<vmem>> -> memref<16384xi32, #tpu.memory_space<vmem>>
      tpu.wait_dma2 semaphore(%run_scoped3A : memref<!tpu.dma_semaphore, #tpu.memory_space<semaphore_mem>>) src(%arg2 : memref<16384xi32, #tpu.memory_space<hbm>>) dst(%dma_wait3A_148 : memref<16384xi32, #tpu.memory_space<vmem>>)
      tpu.yield
    }) : () -> ()
    "tpu.region"() ({
      %run_scoped3A = tpu.sem_alloc : memref<!tpu.dma_semaphore, #tpu.memory_space<semaphore_mem>>
      %dma_start3A_142 = arith.constant 16384 : i32
      %dma_start3A_143 = tpu.memref_slice %arg7[%dma_start3A_142] : memref<32768xi32, #tpu.memory_space<vmem>> -> memref<16384xi32, #tpu.memory_space<vmem>>
      %dma_start3A_144 = arith.constant 16384 : i32
      %dma_start3A_145 = tpu.memref_slice %arg7[%dma_start3A_144] : memref<32768xi32, #tpu.memory_space<vmem>> -> memref<16384xi32, #tpu.memory_space<vmem>>
      tpu.enqueue_dma source(%arg3 : memref<16384xi32, #tpu.memory_space<hbm>>) target(%dma_start3A_145 : memref<16384xi32, #tpu.memory_space<vmem>>) target_semaphore(%run_scoped3A : memref<!tpu.dma_semaphore, #tpu.memory_space<semaphore_mem>>)
      %dma_wait3A = arith.constant 16384 : i32
      %dma_wait3A_146 = tpu.memref_slice %arg7[%dma_wait3A] : memref<32768xi32, #tpu.memory_space<vmem>> -> memref<16384xi32, #tpu.memory_space<vmem>>
      %dma_wait3A_147 = arith.constant 16384 : i32
      %dma_wait3A_148 = tpu.memref_slice %arg7[%dma_wait3A_147] : memref<32768xi32, #tpu.memory_space<vmem>> -> memref<16384xi32, #tpu.memory_space<vmem>>
      tpu.wait_dma2 semaphore(%run_scoped3A : memref<!tpu.dma_semaphore, #tpu.memory_space<semaphore_mem>>) src(%arg3 : memref<16384xi32, #tpu.memory_space<hbm>>) dst(%dma_wait3A_148 : memref<16384xi32, #tpu.memory_space<vmem>>)
      tpu.yield
    }) : () -> ()
    %scan3A = arith.constant 0 : i32
    %scan3A_95 = arith.constant 0 : i32
    %scan3A_96 = arith.constant 4 : i32
    %scan3A_97 = arith.addi %scan3A_95, %scan3A_96 : i32
    %scan3A_98 = arith.constant 1 : i32
    scf.for %scan3A_142 = %scan3A_95 to %scan3A_97 step %scan3A_98  : i32 {
      %broadcast_in_dim3A_143 = arith.constant 0 : i32
      %broadcast_in_dim3A_144 = vector.broadcast %broadcast_in_dim3A_143 : i32 to vector<16xi32>
      %mul3A_145 = arith.constant 16 : i32
      %mul3A_146 = arith.muli %scan3A_142, %mul3A_145 : i32
      %swap3A_147 = arith.index_cast %mul3A_146 : i32 to index
      %swap3A_148 = tpu.vector_load %arg10[%swap3A_147] {strides = array<i32>} : memref<64xi32, #tpu.memory_space<vmem>>, vector<16xi32>,
      tpu.vector_store %arg10[%swap3A_147], %broadcast_in_dim3A_144 {strides = array<i32>} : memref<64xi32, #tpu.memory_space<vmem>>, vector<16xi32>,
    }
    %scan3A_99 = arith.constant 4 : i32
    %swap3A = arith.constant 0 : i32
    %swap3A_100 = arith.constant 0 : i32
    %swap3A_101 = arith.index_cast %swap3A_100 : i32 to index
    %swap3A_102 = memref.load %arg13[%swap3A_101] : memref<4xi32, #tpu.memory_space<smem>>
    memref.store %swap3A, %arg13[%swap3A_101] : memref<4xi32, #tpu.memory_space<smem>>
    %scan3A_103 = arith.constant 0 : i32
    %scan3A_104 = arith.constant 0 : i32
    %scan3A_105 = arith.constant 512 : i32
    %scan3A_106 = arith.addi %scan3A_104, %scan3A_105 : i32
    %scan3A_107 = arith.constant 1 : i32
    scf.for %scan3A_142 = %scan3A_104 to %scan3A_106 step %scan3A_107  : i32 {
      %mul3A_143 = arith.constant 4 : i32
      %mul3A_144 = arith.muli %scan3A_142, %mul3A_143 : i32
      %add3A_145 = arith.constant 0 : i32
      %add3A_146 = arith.addi %mul3A_144, %add3A_145 : i32
      %mul3A_147 = arith.constant 16 : i32
      %mul3A_148 = arith.muli %add3A_146, %mul3A_147 : i32
      %get3A_149 = arith.index_cast %mul3A_148 : i32 to index
      %get3A_150 = tpu.vector_load %arg7[%get3A_149] {strides = array<i32>} : memref<32768xi32, #tpu.memory_space<vmem>>, vector<16xi32>,
      %ge3A = vector.broadcast %mul3A_52 : i32 to vector<16xi32>
      %ge3A_151 = arith.cmpi sge, %get3A_150, %ge3A : vector<16xi32>
      %lt3A = vector.broadcast %select_n3A_57 : i32 to vector<16xi32>
      %lt3A_152 = arith.cmpi slt, %get3A_150, %lt3A : vector<16xi32>
      %and3A_153 = arith.andi %ge3A_151, %lt3A_152 : vector<16xi1>
      %while3A_154 = arith.constant 0 : i32
      %while3A_155:2 = scf.while (%while3A_201 = %and3A_153, %while3A_202 = %while3A_154) : (vector<16xi1>, i32) -> (vector<16xi1>, i32) {
        %reduce_or3A = arith.constant 1.000000e+00 : f32
        %reduce_or3A_203 = arith.constant 0.000000e+00 : f32
        %reduce_or3A_204 = vector.broadcast %reduce_or3A : f32 to vector<16xf32>
        %reduce_or3A_205 = vector.broadcast %reduce_or3A_203 : f32 to vector<16xf32>
        %reduce_or3A_206 = arith.select %while3A_201, %reduce_or3A_204, %reduce_or3A_205 : vector<16xi1>, vector<16xf32>
        %reduce_or3A_207 = arith.constant true
        %reduce_or3A_208 = vector.broadcast %reduce_or3A_207 : i1 to vector<16xi1>
        %reduce_or3A_209 = tpu.scan <max>, %reduce_or3A_206 masked %reduce_or3A_208 : vector<16xf32>, vector<16xi1> -> vector<16xf32>
        %reduce_or3A_210 = vector.extract %reduce_or3A_209[15] : f32 from vector<16xf32>
        %reduce_or3A_211 = arith.constant 0.000000e+00 : f32
        %reduce_or3A_212 = arith.cmpf ogt, %reduce_or3A_210, %reduce_or3A_211 : f32
        scf.condition(%reduce_or3A_212) %while3A_201, %while3A_202 : vector<16xi1>, i32
      } do {
      ^bb0(%while3A_201: vector<16xi1>, %while3A_202: i32):
        %all_reduce_ffs3A = tpu.all_reduce %while3A_201 {dim = 0 : i64, kind = #tpu.reduction_kind<find_first_set>} : vector<16xi1> -> vector<16xi32>
        %eq3A_203 = arith.cmpi eq, %iota3A, %all_reduce_ffs3A : vector<16xi32>
        %reshape3A = vector.shape_cast %all_reduce_ffs3A : vector<16xi32> to vector<16x1xi32>
        %gather3A = vector.shape_cast %reshape3A : vector<16x1xi32> to vector<16xi32>
        %gather3A_204 = tpu.dynamic_gather %get3A_150[%gather3A] in [0] : vector<16xi32>, vector<16xi32> -> vector<16xi32>
        %sub3A_205 = vector.broadcast %mul3A_52 : i32 to vector<16xi32>
        %sub3A_206 = arith.subi %gather3A_204, %sub3A_205 : vector<16xi32>
        %shift_right_logical3A = arith.constant 9 : i32
        %shift_right_logical3A_207 = vector.broadcast %shift_right_logical3A : i32 to vector<16xi32>
        %shift_right_logical3A_208 = arith.shrui %sub3A_206, %shift_right_logical3A_207 : vector<16xi32>
        %gather3A_209 = tpu.vector_load_idx %arg10[%shift_right_logical3A_208] : memref<64xi32, #tpu.memory_space<vmem>>[vector<16xi32>], vector<16xi32>,
        %lt3A_210 = arith.constant 96 : i32
        %lt3A_211 = vector.broadcast %lt3A_210 : i32 to vector<16xi32>
        %lt3A_212 = arith.cmpi slt, %gather3A_209, %lt3A_211 : vector<16xi32>
        %and3A_213 = arith.andi %eq3A_203, %lt3A_212 : vector<16xi1>
        %mul3A_214 = arith.constant 96 : i32
        %mul3A_215 = vector.broadcast %mul3A_214 : i32 to vector<16xi32>
        %mul3A_216 = arith.muli %shift_right_logical3A_208, %mul3A_215 : vector<16xi32>
        %add3A_217 = arith.addi %mul3A_216, %gather3A_209 : vector<16xi32>
        tpu.vector_store_idx %arg8[%add3A_217], %gather3A_204 masked %and3A_213 : memref<6144xi32, #tpu.memory_space<vmem>>[vector<16xi32>], vector<16xi32>, vector<16xi1>
        %mul3A_218 = arith.constant 16 : i32
        %mul3A_219 = arith.muli %add3A_146, %mul3A_218 : i32
        %add3A_220 = vector.broadcast %mul3A_219 : i32 to vector<16xi32>
        %add3A_221 = arith.addi %iota3A, %add3A_220 : vector<16xi32>
        tpu.vector_store_idx %arg9[%add3A_217], %add3A_221 masked %and3A_213 : memref<6144xi32, #tpu.memory_space<vmem>>[vector<16xi32>], vector<16xi32>, vector<16xi1>
        tpu.vector_store_idx %arg10[%shift_right_logical3A_208], %add3A_4 masked %and3A_213 {add = true} : memref<64xi32, #tpu.memory_space<vmem>>[vector<16xi32>], vector<16xi32>, vector<16xi1>
        %not3A = arith.constant dense<true> : vector<16xi1>
        %not3A_222 = arith.xori %eq3A_203, %not3A : vector<16xi1>
        %and3A_223 = arith.andi %while3A_201, %not3A_222 : vector<16xi1>
        %while3A_224 = arith.constant 0 : i32
        scf.yield %and3A_223, %while3A_224 : vector<16xi1>, i32
      }
      %mul3A_156 = arith.constant 4 : i32
      %mul3A_157 = arith.muli %scan3A_142, %mul3A_156 : i32
      %add3A_158 = arith.constant 1 : i32
      %add3A_159 = arith.addi %mul3A_157, %add3A_158 : i32
      %mul3A_160 = arith.constant 16 : i32
      %mul3A_161 = arith.muli %add3A_159, %mul3A_160 : i32
      %get3A_162 = arith.index_cast %mul3A_161 : i32 to index
      %get3A_163 = tpu.vector_load %arg7[%get3A_162] {strides = array<i32>} : memref<32768xi32, #tpu.memory_space<vmem>>, vector<16xi32>,
      %ge3A_164 = vector.broadcast %mul3A_52 : i32 to vector<16xi32>
      %ge3A_165 = arith.cmpi sge, %get3A_163, %ge3A_164 : vector<16xi32>
      %lt3A_166 = vector.broadcast %select_n3A_57 : i32 to vector<16xi32>
      %lt3A_167 = arith.cmpi slt, %get3A_163, %lt3A_166 : vector<16xi32>
      %and3A_168 = arith.andi %ge3A_165, %lt3A_167 : vector<16xi1>
      %while3A_169 = arith.constant 0 : i32
      %while3A_170:2 = scf.while (%while3A_201 = %and3A_168, %while3A_202 = %while3A_169) : (vector<16xi1>, i32) -> (vector<16xi1>, i32) {
        %reduce_or3A = arith.constant 1.000000e+00 : f32
        %reduce_or3A_203 = arith.constant 0.000000e+00 : f32
        %reduce_or3A_204 = vector.broadcast %reduce_or3A : f32 to vector<16xf32>
        %reduce_or3A_205 = vector.broadcast %reduce_or3A_203 : f32 to vector<16xf32>
        %reduce_or3A_206 = arith.select %while3A_201, %reduce_or3A_204, %reduce_or3A_205 : vector<16xi1>, vector<16xf32>
        %reduce_or3A_207 = arith.constant true
        %reduce_or3A_208 = vector.broadcast %reduce_or3A_207 : i1 to vector<16xi1>
        %reduce_or3A_209 = tpu.scan <max>, %reduce_or3A_206 masked %reduce_or3A_208 : vector<16xf32>, vector<16xi1> -> vector<16xf32>
        %reduce_or3A_210 = vector.extract %reduce_or3A_209[15] : f32 from vector<16xf32>
        %reduce_or3A_211 = arith.constant 0.000000e+00 : f32
        %reduce_or3A_212 = arith.cmpf ogt, %reduce_or3A_210, %reduce_or3A_211 : f32
        scf.condition(%reduce_or3A_212) %while3A_201, %while3A_202 : vector<16xi1>, i32
      } do {
      ^bb0(%while3A_201: vector<16xi1>, %while3A_202: i32):
        %all_reduce_ffs3A = tpu.all_reduce %while3A_201 {dim = 0 : i64, kind = #tpu.reduction_kind<find_first_set>} : vector<16xi1> -> vector<16xi32>
        %eq3A_203 = arith.cmpi eq, %iota3A, %all_reduce_ffs3A : vector<16xi32>
        %reshape3A = vector.shape_cast %all_reduce_ffs3A : vector<16xi32> to vector<16x1xi32>
        %gather3A = vector.shape_cast %reshape3A : vector<16x1xi32> to vector<16xi32>
        %gather3A_204 = tpu.dynamic_gather %get3A_163[%gather3A] in [0] : vector<16xi32>, vector<16xi32> -> vector<16xi32>
        %sub3A_205 = vector.broadcast %mul3A_52 : i32 to vector<16xi32>
        %sub3A_206 = arith.subi %gather3A_204, %sub3A_205 : vector<16xi32>
        %shift_right_logical3A = arith.constant 9 : i32
        %shift_right_logical3A_207 = vector.broadcast %shift_right_logical3A : i32 to vector<16xi32>
        %shift_right_logical3A_208 = arith.shrui %sub3A_206, %shift_right_logical3A_207 : vector<16xi32>
        %gather3A_209 = tpu.vector_load_idx %arg10[%shift_right_logical3A_208] : memref<64xi32, #tpu.memory_space<vmem>>[vector<16xi32>], vector<16xi32>,
        %lt3A_210 = arith.constant 96 : i32
        %lt3A_211 = vector.broadcast %lt3A_210 : i32 to vector<16xi32>
        %lt3A_212 = arith.cmpi slt, %gather3A_209, %lt3A_211 : vector<16xi32>
        %and3A_213 = arith.andi %eq3A_203, %lt3A_212 : vector<16xi1>
        %mul3A_214 = arith.constant 96 : i32
        %mul3A_215 = vector.broadcast %mul3A_214 : i32 to vector<16xi32>
        %mul3A_216 = arith.muli %shift_right_logical3A_208, %mul3A_215 : vector<16xi32>
        %add3A_217 = arith.addi %mul3A_216, %gather3A_209 : vector<16xi32>
        tpu.vector_store_idx %arg8[%add3A_217], %gather3A_204 masked %and3A_213 : memref<6144xi32, #tpu.memory_space<vmem>>[vector<16xi32>], vector<16xi32>, vector<16xi1>
        %mul3A_218 = arith.constant 16 : i32
        %mul3A_219 = arith.muli %add3A_159, %mul3A_218 : i32
        %add3A_220 = vector.broadcast %mul3A_219 : i32 to vector<16xi32>
        %add3A_221 = arith.addi %iota3A, %add3A_220 : vector<16xi32>
        tpu.vector_store_idx %arg9[%add3A_217], %add3A_221 masked %and3A_213 : memref<6144xi32, #tpu.memory_space<vmem>>[vector<16xi32>], vector<16xi32>, vector<16xi1>
        tpu.vector_store_idx %arg10[%shift_right_logical3A_208], %add3A_4 masked %and3A_213 {add = true} : memref<64xi32, #tpu.memory_space<vmem>>[vector<16xi32>], vector<16xi32>, vector<16xi1>
        %not3A = arith.constant dense<true> : vector<16xi1>
        %not3A_222 = arith.xori %eq3A_203, %not3A : vector<16xi1>
        %and3A_223 = arith.andi %while3A_201, %not3A_222 : vector<16xi1>
        %while3A_224 = arith.constant 0 : i32
        scf.yield %and3A_223, %while3A_224 : vector<16xi1>, i32
      }
      %mul3A_171 = arith.constant 4 : i32
      %mul3A_172 = arith.muli %scan3A_142, %mul3A_171 : i32
      %add3A_173 = arith.constant 2 : i32
      %add3A_174 = arith.addi %mul3A_172, %add3A_173 : i32
      %mul3A_175 = arith.constant 16 : i32
      %mul3A_176 = arith.muli %add3A_174, %mul3A_175 : i32
      %get3A_177 = arith.index_cast %mul3A_176 : i32 to index
      %get3A_178 = tpu.vector_load %arg7[%get3A_177] {strides = array<i32>} : memref<32768xi32, #tpu.memory_space<vmem>>, vector<16xi32>,
      %ge3A_179 = vector.broadcast %mul3A_52 : i32 to vector<16xi32>
      %ge3A_180 = arith.cmpi sge, %get3A_178, %ge3A_179 : vector<16xi32>
      %lt3A_181 = vector.broadcast %select_n3A_57 : i32 to vector<16xi32>
      %lt3A_182 = arith.cmpi slt, %get3A_178, %lt3A_181 : vector<16xi32>
      %and3A_183 = arith.andi %ge3A_180, %lt3A_182 : vector<16xi1>
      %while3A_184 = arith.constant 0 : i32
      %while3A_185:2 = scf.while (%while3A_201 = %and3A_183, %while3A_202 = %while3A_184) : (vector<16xi1>, i32) -> (vector<16xi1>, i32) {
        %reduce_or3A = arith.constant 1.000000e+00 : f32
        %reduce_or3A_203 = arith.constant 0.000000e+00 : f32
        %reduce_or3A_204 = vector.broadcast %reduce_or3A : f32 to vector<16xf32>
        %reduce_or3A_205 = vector.broadcast %reduce_or3A_203 : f32 to vector<16xf32>
        %reduce_or3A_206 = arith.select %while3A_201, %reduce_or3A_204, %reduce_or3A_205 : vector<16xi1>, vector<16xf32>
        %reduce_or3A_207 = arith.constant true
        %reduce_or3A_208 = vector.broadcast %reduce_or3A_207 : i1 to vector<16xi1>
        %reduce_or3A_209 = tpu.scan <max>, %reduce_or3A_206 masked %reduce_or3A_208 : vector<16xf32>, vector<16xi1> -> vector<16xf32>
        %reduce_or3A_210 = vector.extract %reduce_or3A_209[15] : f32 from vector<16xf32>
        %reduce_or3A_211 = arith.constant 0.000000e+00 : f32
        %reduce_or3A_212 = arith.cmpf ogt, %reduce_or3A_210, %reduce_or3A_211 : f32
        scf.condition(%reduce_or3A_212) %while3A_201, %while3A_202 : vector<16xi1>, i32
      } do {
      ^bb0(%while3A_201: vector<16xi1>, %while3A_202: i32):
        %all_reduce_ffs3A = tpu.all_reduce %while3A_201 {dim = 0 : i64, kind = #tpu.reduction_kind<find_first_set>} : vector<16xi1> -> vector<16xi32>
        %eq3A_203 = arith.cmpi eq, %iota3A, %all_reduce_ffs3A : vector<16xi32>
        %reshape3A = vector.shape_cast %all_reduce_ffs3A : vector<16xi32> to vector<16x1xi32>
        %gather3A = vector.shape_cast %reshape3A : vector<16x1xi32> to vector<16xi32>
        %gather3A_204 = tpu.dynamic_gather %get3A_178[%gather3A] in [0] : vector<16xi32>, vector<16xi32> -> vector<16xi32>
        %sub3A_205 = vector.broadcast %mul3A_52 : i32 to vector<16xi32>
        %sub3A_206 = arith.subi %gather3A_204, %sub3A_205 : vector<16xi32>
        %shift_right_logical3A = arith.constant 9 : i32
        %shift_right_logical3A_207 = vector.broadcast %shift_right_logical3A : i32 to vector<16xi32>
        %shift_right_logical3A_208 = arith.shrui %sub3A_206, %shift_right_logical3A_207 : vector<16xi32>
        %gather3A_209 = tpu.vector_load_idx %arg10[%shift_right_logical3A_208] : memref<64xi32, #tpu.memory_space<vmem>>[vector<16xi32>], vector<16xi32>,
        %lt3A_210 = arith.constant 96 : i32
        %lt3A_211 = vector.broadcast %lt3A_210 : i32 to vector<16xi32>
        %lt3A_212 = arith.cmpi slt, %gather3A_209, %lt3A_211 : vector<16xi32>
        %and3A_213 = arith.andi %eq3A_203, %lt3A_212 : vector<16xi1>
        %mul3A_214 = arith.constant 96 : i32
        %mul3A_215 = vector.broadcast %mul3A_214 : i32 to vector<16xi32>
        %mul3A_216 = arith.muli %shift_right_logical3A_208, %mul3A_215 : vector<16xi32>
        %add3A_217 = arith.addi %mul3A_216, %gather3A_209 : vector<16xi32>
        tpu.vector_store_idx %arg8[%add3A_217], %gather3A_204 masked %and3A_213 : memref<6144xi32, #tpu.memory_space<vmem>>[vector<16xi32>], vector<16xi32>, vector<16xi1>
        %mul3A_218 = arith.constant 16 : i32
        %mul3A_219 = arith.muli %add3A_174, %mul3A_218 : i32
        %add3A_220 = vector.broadcast %mul3A_219 : i32 to vector<16xi32>
        %add3A_221 = arith.addi %iota3A, %add3A_220 : vector<16xi32>
        tpu.vector_store_idx %arg9[%add3A_217], %add3A_221 masked %and3A_213 : memref<6144xi32, #tpu.memory_space<vmem>>[vector<16xi32>], vector<16xi32>, vector<16xi1>
        tpu.vector_store_idx %arg10[%shift_right_logical3A_208], %add3A_4 masked %and3A_213 {add = true} : memref<64xi32, #tpu.memory_space<vmem>>[vector<16xi32>], vector<16xi32>, vector<16xi1>
        %not3A = arith.constant dense<true> : vector<16xi1>
        %not3A_222 = arith.xori %eq3A_203, %not3A : vector<16xi1>
        %and3A_223 = arith.andi %while3A_201, %not3A_222 : vector<16xi1>
        %while3A_224 = arith.constant 0 : i32
        scf.yield %and3A_223, %while3A_224 : vector<16xi1>, i32
      }
      %mul3A_186 = arith.constant 4 : i32
      %mul3A_187 = arith.muli %scan3A_142, %mul3A_186 : i32
      %add3A_188 = arith.constant 3 : i32
      %add3A_189 = arith.addi %mul3A_187, %add3A_188 : i32
      %mul3A_190 = arith.constant 16 : i32
      %mul3A_191 = arith.muli %add3A_189, %mul3A_190 : i32
      %get3A_192 = arith.index_cast %mul3A_191 : i32 to index
      %get3A_193 = tpu.vector_load %arg7[%get3A_192] {strides = array<i32>} : memref<32768xi32, #tpu.memory_space<vmem>>, vector<16xi32>,
      %ge3A_194 = vector.broadcast %mul3A_52 : i32 to vector<16xi32>
      %ge3A_195 = arith.cmpi sge, %get3A_193, %ge3A_194 : vector<16xi32>
      %lt3A_196 = vector.broadcast %select_n3A_57 : i32 to vector<16xi32>
      %lt3A_197 = arith.cmpi slt, %get3A_193, %lt3A_196 : vector<16xi32>
      %and3A_198 = arith.andi %ge3A_195, %lt3A_197 : vector<16xi1>
      %while3A_199 = arith.constant 0 : i32
      %while3A_200:2 = scf.while (%while3A_201 = %and3A_198, %while3A_202 = %while3A_199) : (vector<16xi1>, i32) -> (vector<16xi1>, i32) {
        %reduce_or3A = arith.constant 1.000000e+00 : f32
        %reduce_or3A_203 = arith.constant 0.000000e+00 : f32
        %reduce_or3A_204 = vector.broadcast %reduce_or3A : f32 to vector<16xf32>
        %reduce_or3A_205 = vector.broadcast %reduce_or3A_203 : f32 to vector<16xf32>
        %reduce_or3A_206 = arith.select %while3A_201, %reduce_or3A_204, %reduce_or3A_205 : vector<16xi1>, vector<16xf32>
        %reduce_or3A_207 = arith.constant true
        %reduce_or3A_208 = vector.broadcast %reduce_or3A_207 : i1 to vector<16xi1>
        %reduce_or3A_209 = tpu.scan <max>, %reduce_or3A_206 masked %reduce_or3A_208 : vector<16xf32>, vector<16xi1> -> vector<16xf32>
        %reduce_or3A_210 = vector.extract %reduce_or3A_209[15] : f32 from vector<16xf32>
        %reduce_or3A_211 = arith.constant 0.000000e+00 : f32
        %reduce_or3A_212 = arith.cmpf ogt, %reduce_or3A_210, %reduce_or3A_211 : f32
        scf.condition(%reduce_or3A_212) %while3A_201, %while3A_202 : vector<16xi1>, i32
      } do {
      ^bb0(%while3A_201: vector<16xi1>, %while3A_202: i32):
        %all_reduce_ffs3A = tpu.all_reduce %while3A_201 {dim = 0 : i64, kind = #tpu.reduction_kind<find_first_set>} : vector<16xi1> -> vector<16xi32>
        %eq3A_203 = arith.cmpi eq, %iota3A, %all_reduce_ffs3A : vector<16xi32>
        %reshape3A = vector.shape_cast %all_reduce_ffs3A : vector<16xi32> to vector<16x1xi32>
        %gather3A = vector.shape_cast %reshape3A : vector<16x1xi32> to vector<16xi32>
        %gather3A_204 = tpu.dynamic_gather %get3A_193[%gather3A] in [0] : vector<16xi32>, vector<16xi32> -> vector<16xi32>
        %sub3A_205 = vector.broadcast %mul3A_52 : i32 to vector<16xi32>
        %sub3A_206 = arith.subi %gather3A_204, %sub3A_205 : vector<16xi32>
        %shift_right_logical3A = arith.constant 9 : i32
        %shift_right_logical3A_207 = vector.broadcast %shift_right_logical3A : i32 to vector<16xi32>
        %shift_right_logical3A_208 = arith.shrui %sub3A_206, %shift_right_logical3A_207 : vector<16xi32>
        %gather3A_209 = tpu.vector_load_idx %arg10[%shift_right_logical3A_208] : memref<64xi32, #tpu.memory_space<vmem>>[vector<16xi32>], vector<16xi32>,
        %lt3A_210 = arith.constant 96 : i32
        %lt3A_211 = vector.broadcast %lt3A_210 : i32 to vector<16xi32>
        %lt3A_212 = arith.cmpi slt, %gather3A_209, %lt3A_211 : vector<16xi32>
        %and3A_213 = arith.andi %eq3A_203, %lt3A_212 : vector<16xi1>
        %mul3A_214 = arith.constant 96 : i32
        %mul3A_215 = vector.broadcast %mul3A_214 : i32 to vector<16xi32>
        %mul3A_216 = arith.muli %shift_right_logical3A_208, %mul3A_215 : vector<16xi32>
        %add3A_217 = arith.addi %mul3A_216, %gather3A_209 : vector<16xi32>
        tpu.vector_store_idx %arg8[%add3A_217], %gather3A_204 masked %and3A_213 : memref<6144xi32, #tpu.memory_space<vmem>>[vector<16xi32>], vector<16xi32>, vector<16xi1>
        %mul3A_218 = arith.constant 16 : i32
        %mul3A_219 = arith.muli %add3A_189, %mul3A_218 : i32
        %add3A_220 = vector.broadcast %mul3A_219 : i32 to vector<16xi32>
        %add3A_221 = arith.addi %iota3A, %add3A_220 : vector<16xi32>
        tpu.vector_store_idx %arg9[%add3A_217], %add3A_221 masked %and3A_213 : memref<6144xi32, #tpu.memory_space<vmem>>[vector<16xi32>], vector<16xi32>, vector<16xi1>
        tpu.vector_store_idx %arg10[%shift_right_logical3A_208], %add3A_4 masked %and3A_213 {add = true} : memref<64xi32, #tpu.memory_space<vmem>>[vector<16xi32>], vector<16xi32>, vector<16xi1>
        %not3A = arith.constant dense<true> : vector<16xi1>
        %not3A_222 = arith.xori %eq3A_203, %not3A : vector<16xi1>
        %and3A_223 = arith.andi %while3A_201, %not3A_222 : vector<16xi1>
        %while3A_224 = arith.constant 0 : i32
        scf.yield %and3A_223, %while3A_224 : vector<16xi1>, i32
      }
    }
    %scan3A_108 = arith.constant 512 : i32
    %add3A_109 = arith.constant 0 : i32
    %add3A_110 = vector.broadcast %add3A_109 : i32 to vector<16xi32>
    %add3A_111 = arith.addi %iota3A, %add3A_110 : vector<16xi32>
    %add3A_112 = arith.constant 16 : i32
    %add3A_113 = vector.broadcast %add3A_112 : i32 to vector<16xi32>
    %add3A_114 = arith.addi %iota3A, %add3A_113 : vector<16xi32>
    %add3A_115 = arith.constant 32 : i32
    %add3A_116 = vector.broadcast %add3A_115 : i32 to vector<16xi32>
    %add3A_117 = arith.addi %iota3A, %add3A_116 : vector<16xi32>
    %add3A_118 = arith.constant 48 : i32
    %add3A_119 = vector.broadcast %add3A_118 : i32 to vector<16xi32>
    %add3A_120 = arith.addi %iota3A, %add3A_119 : vector<16xi32>
    %sub3A_121 = arith.subi %select_n3A_50, %select_n3A : i32
    %while3A = arith.constant 0 : i32
    %while3A_122 = arith.constant 0 : i32
    %while3A_123 = arith.subi %sub3A_121, %while3A_122 : i32
    %while3A_124 = arith.addi %while3A_122, %while3A_123 : i32
    %while3A_125 = arith.constant 1 : i32
    %while3A_126 = arith.divsi %while3A_123, %while3A_125 : i32
    %while3A_127 = arith.muli %while3A_126, %while3A_125 : i32
    %while3A_128 = arith.addi %while3A_122, %while3A_127 : i32
    %while3A_129 = arith.constant 1 : i32
    scf.for %while3A_142 = %while3A_122 to %while3A_128 step %while3A_129  : i32 {
      %rem3A_143 = arith.constant 2 : i32
      %rem3A_144 = arith.remsi %while3A_142, %rem3A_143 : i32
      %dma_wait3A = arith.constant 0 : i32
      %dma_wait3A_145 = arith.constant 0 : i32
      %dma_wait3A_146 = tpu.memref_slice %arg11[%rem3A_144, %dma_wait3A, %dma_wait3A_145] : memref<2x64x512xf32, #tpu.memory_space<vmem>> -> memref<1x64x512xf32, #tpu.memory_space<vmem>>
      %dma_wait3A_147 = tpu.memref_squeeze %dma_wait3A_146 : memref<1x64x512xf32, #tpu.memory_space<vmem>> -> memref<64x512xf32, #tpu.memory_space<vmem>>
      %dma_wait3A_148 = arith.constant 0 : i32
      %dma_wait3A_149 = arith.constant 0 : i32
      %dma_wait3A_150 = tpu.memref_slice %arg4[%dma_wait3A_148, %dma_wait3A_149] : memref<64x1000000xf32, #tpu.memory_space<hbm>> -> memref<64x512xf32, #tpu.memory_space<hbm>>
      %dma_wait3A_151 = tpu.memref_slice %arg14[%rem3A_144] : memref<2x!tpu.dma_semaphore, #tpu.memory_space<semaphore_mem>> -> memref<1x!tpu.dma_semaphore, #tpu.memory_space<semaphore_mem>>
      %dma_wait3A_152 = tpu.memref_squeeze %dma_wait3A_151 : memref<1x!tpu.dma_semaphore, #tpu.memory_space<semaphore_mem>> -> memref<!tpu.dma_semaphore, #tpu.memory_space<semaphore_mem>>
      %dma_wait3A_153 = arith.constant 0 : i32
      %dma_wait3A_154 = arith.constant 0 : i32
      %dma_wait3A_155 = tpu.memref_slice %arg11[%rem3A_144, %dma_wait3A_153, %dma_wait3A_154] : memref<2x64x512xf32, #tpu.memory_space<vmem>> -> memref<1x64x512xf32, #tpu.memory_space<vmem>>
      %dma_wait3A_156 = tpu.memref_squeeze %dma_wait3A_155 : memref<1x64x512xf32, #tpu.memory_space<vmem>> -> memref<64x512xf32, #tpu.memory_space<vmem>>
      %dma_wait3A_157 = arith.constant 0 : i32
      %dma_wait3A_158 = arith.constant 0 : i32
      %dma_wait3A_159 = tpu.memref_slice %arg4[%dma_wait3A_157, %dma_wait3A_158] : memref<64x1000000xf32, #tpu.memory_space<hbm>> -> memref<64x512xf32, #tpu.memory_space<hbm>>
      tpu.wait_dma2 semaphore(%dma_wait3A_152 : memref<!tpu.dma_semaphore, #tpu.memory_space<semaphore_mem>>) src(%dma_wait3A_159 : memref<64x512xf32, #tpu.memory_space<hbm>>) dst(%dma_wait3A_156 : memref<64x512xf32, #tpu.memory_space<vmem>>)
      %add3A_160 = arith.addi %select_n3A, %while3A_142 : i32
      %mul3A_161 = arith.constant 512 : i32
      %mul3A_162 = arith.muli %add3A_160, %mul3A_161 : i32
      %broadcast_in_dim3A_163 = arith.constant 0 : i32
      %broadcast_in_dim3A_164 = vector.broadcast %broadcast_in_dim3A_163 : i32 to vector<16xi32>
      %add3A_165 = vector.broadcast %while3A_142 : i32 to vector<16xi32>
      %add3A_166 = arith.addi %broadcast_in_dim3A_164, %add3A_165 : vector<16xi32>
      %gather3A = tpu.vector_load_idx %arg10[%add3A_166] : memref<64xi32, #tpu.memory_space<vmem>>[vector<16xi32>], vector<16xi32>,
      %scan3A_167 = arith.constant 0 : i32
      %scan3A_168 = arith.constant 0 : i32
      %scan3A_169 = arith.constant 6 : i32
      %scan3A_170 = arith.addi %scan3A_168, %scan3A_169 : i32
      %scan3A_171 = arith.constant 1 : i32
      scf.for %scan3A_178 = %scan3A_168 to %scan3A_170 step %scan3A_171  : i32 {
        %mul3A_179 = arith.constant 96 : i32
        %mul3A_180 = arith.muli %while3A_142, %mul3A_179 : i32
        %mul3A_181 = arith.constant 16 : i32
        %mul3A_182 = arith.muli %scan3A_178, %mul3A_181 : i32
        %add3A_183 = arith.addi %mul3A_180, %mul3A_182 : i32
        %get3A_184 = arith.index_cast %add3A_183 : i32 to index
        %get3A_185 = tpu.vector_load %arg8[%get3A_184] {strides = array<i32>} : memref<6144xi32, #tpu.memory_space<vmem>>, vector<16xi32>,
        %get3A_186 = arith.index_cast %add3A_183 : i32 to index
        %get3A_187 = tpu.vector_load %arg9[%get3A_186] {strides = array<i32>} : memref<6144xi32, #tpu.memory_space<vmem>>, vector<16xi32>,
        %mul3A_188 = arith.constant 16 : i32
        %mul3A_189 = arith.muli %scan3A_178, %mul3A_188 : i32
        %add3A_190 = vector.broadcast %mul3A_189 : i32 to vector<16xi32>
        %add3A_191 = arith.addi %add3A_190, %iota3A : vector<16xi32>
        %lt3A_192 = arith.cmpi slt, %add3A_191, %gather3A : vector<16xi32>
        %while3A_193 = arith.constant 0 : i32
        %while3A_194:2 = scf.while (%while3A_195 = %lt3A_192, %while3A_196 = %while3A_193) : (vector<16xi1>, i32) -> (vector<16xi1>, i32) {
          %reduce_or3A = arith.constant 1.000000e+00 : f32
          %reduce_or3A_197 = arith.constant 0.000000e+00 : f32
          %reduce_or3A_198 = vector.broadcast %reduce_or3A : f32 to vector<16xf32>
          %reduce_or3A_199 = vector.broadcast %reduce_or3A_197 : f32 to vector<16xf32>
          %reduce_or3A_200 = arith.select %while3A_195, %reduce_or3A_198, %reduce_or3A_199 : vector<16xi1>, vector<16xf32>
          %reduce_or3A_201 = arith.constant true
          %reduce_or3A_202 = vector.broadcast %reduce_or3A_201 : i1 to vector<16xi1>
          %reduce_or3A_203 = tpu.scan <max>, %reduce_or3A_200 masked %reduce_or3A_202 : vector<16xf32>, vector<16xi1> -> vector<16xf32>
          %reduce_or3A_204 = vector.extract %reduce_or3A_203[15] : f32 from vector<16xf32>
          %reduce_or3A_205 = arith.constant 0.000000e+00 : f32
          %reduce_or3A_206 = arith.cmpf ogt, %reduce_or3A_204, %reduce_or3A_205 : f32
          scf.condition(%reduce_or3A_206) %while3A_195, %while3A_196 : vector<16xi1>, i32
        } do {
        ^bb0(%while3A_195: vector<16xi1>, %while3A_196: i32):
          %all_reduce_ffs3A = tpu.all_reduce %while3A_195 {dim = 0 : i64, kind = #tpu.reduction_kind<find_first_set>} : vector<16xi1> -> vector<16xi32>
          %eq3A_197 = arith.cmpi eq, %iota3A, %all_reduce_ffs3A : vector<16xi32>
          %reshape3A = vector.shape_cast %all_reduce_ffs3A : vector<16xi32> to vector<16x1xi32>
          %gather3A_198 = vector.shape_cast %reshape3A : vector<16x1xi32> to vector<16xi32>
          %gather3A_199 = tpu.dynamic_gather %get3A_185[%gather3A_198] in [0] : vector<16xi32>, vector<16xi32> -> vector<16xi32>
          %sub3A_200 = vector.broadcast %mul3A_162 : i32 to vector<16xi32>
          %sub3A_201 = arith.subi %gather3A_199, %sub3A_200 : vector<16xi32>
          %jit3A_202 = arith.constant -2147483648 : i32
          %broadcast_in_dim3A_203 = vector.broadcast %jit3A_202 : i32 to vector<16xi32>
          %select_n3A_204 = arith.select %eq3A_197, %get3A_187, %broadcast_in_dim3A_203 : vector<16xi1>, vector<16xi32>
          %reduce_max3A = arith.constant true
          %reduce_max3A_205 = vector.broadcast %reduce_max3A : i1 to vector<16xi1>
          %reduce_max3A_206 = arith.constant -2147483648 : i32
          %reduce_max3A_207 = vector.broadcast %reduce_max3A_206 : i32 to vector<16xi32>
          %reduce_max3A_208 = arith.xori %select_n3A_204, %reduce_max3A_207 : vector<16xi32>
          %reduce_max3A_209 = tpu.scan <max>, %reduce_max3A_208 masked %reduce_max3A_205 : vector<16xi32>, vector<16xi1> -> vector<16xi32>
          %reduce_max3A_210 = arith.xori %reduce_max3A_209, %reduce_max3A_207 : vector<16xi32>
          %reduce_max3A_211 = vector.extract %reduce_max3A_210[15] : i32 from vector<16xi32>
          %get3A_212 = arith.constant 0 : i32
          %get3A_213 = arith.index_cast %get3A_212 : i32 to index
          %get3A_214 = memref.load %arg13[%get3A_213] : memref<4xi32, #tpu.memory_space<smem>>
          %rem3A_215 = arith.constant 8 : i32
          %rem3A_216 = arith.remsi %get3A_214, %rem3A_215 : i32
          %ge3A = arith.constant 8 : i32
          %ge3A_217 = arith.cmpi sge, %get3A_214, %ge3A : i32
          %convert_element_type3A_218 = arith.extui %ge3A_217 : i1 to i32
          %cond3A_219 = arith.constant 0 : i32
          %cond3A_220 = arith.cmpi ne, %convert_element_type3A_218, %cond3A_219 : i32
          scf.if %cond3A_220 {
            %dma_wait3A_283 = arith.constant 0 : i32
            %dma_wait3A_284 = tpu.memref_slice %arg12[%dma_wait3A_283] : memref<512xf32, #tpu.memory_space<vmem>> -> memref<64xf32, #tpu.memory_space<vmem>>
            %dma_wait3A_285 = arith.constant 0 : i32
            %dma_wait3A_286 = tpu.memref_slice %arg6[%dma_wait3A_285] : memref<2097152xf32, #tpu.memory_space<hbm>> -> memref<64xf32, #tpu.memory_space<hbm>>
            %dma_wait3A_287 = tpu.memref_slice %arg15[%rem3A_216] : memref<8x!tpu.dma_semaphore, #tpu.memory_space<semaphore_mem>> -> memref<1x!tpu.dma_semaphore, #tpu.memory_space<semaphore_mem>>
            %dma_wait3A_288 = tpu.memref_squeeze %dma_wait3A_287 : memref<1x!tpu.dma_semaphore, #tpu.memory_space<semaphore_mem>> -> memref<!tpu.dma_semaphore, #tpu.memory_space<semaphore_mem>>
            %dma_wait3A_289 = arith.constant 0 : i32
            %dma_wait3A_290 = tpu.memref_slice %arg12[%dma_wait3A_289] : memref<512xf32, #tpu.memory_space<vmem>> -> memref<64xf32, #tpu.memory_space<vmem>>
            %dma_wait3A_291 = arith.constant 0 : i32
            %dma_wait3A_292 = tpu.memref_slice %arg6[%dma_wait3A_291] : memref<2097152xf32, #tpu.memory_space<hbm>> -> memref<64xf32, #tpu.memory_space<hbm>>
            tpu.wait_dma2 semaphore(%dma_wait3A_288 : memref<!tpu.dma_semaphore, #tpu.memory_space<semaphore_mem>>) src(%dma_wait3A_292 : memref<64xf32, #tpu.memory_space<hbm>>) dst(%dma_wait3A_290 : memref<64xf32, #tpu.memory_space<vmem>>)
          } else {
          }
          %gather3A_221 = arith.constant 0 : i32
          %gather3A_222 = arith.constant 0 : i32
          %gather3A_223 = tpu.memref_slice %arg11[%rem3A_144, %gather3A_221, %gather3A_222] : memref<2x64x512xf32, #tpu.memory_space<vmem>> -> memref<1x64x512xf32, #tpu.memory_space<vmem>>
          %gather3A_224 = tpu.memref_squeeze %gather3A_223 : memref<1x64x512xf32, #tpu.memory_space<vmem>> -> memref<64x512xf32, #tpu.memory_space<vmem>>
          %gather3A_225 = tpu.vector_load_idx %gather3A_224[%add3A_111, %sub3A_201] : memref<64x512xf32, #tpu.memory_space<vmem>>[vector<16xi32>, vector<16xi32>], vector<16xf32>,
          %mul3A_226 = arith.constant 64 : i32
          %mul3A_227 = arith.muli %rem3A_216, %mul3A_226 : i32
          %add3A_228 = arith.constant 0 : i32
          %add3A_229 = arith.addi %mul3A_227, %add3A_228 : i32
          %swap3A_230 = arith.index_cast %add3A_229 : i32 to index
          %swap3A_231 = tpu.vector_load %arg12[%swap3A_230] {strides = array<i32>} : memref<512xf32, #tpu.memory_space<vmem>>, vector<16xf32>,
          tpu.vector_store %arg12[%swap3A_230], %gather3A_225 {strides = array<i32>} : memref<512xf32, #tpu.memory_space<vmem>>, vector<16xf32>,
          %gather3A_232 = arith.constant 0 : i32
          %gather3A_233 = arith.constant 0 : i32
          %gather3A_234 = tpu.memref_slice %arg11[%rem3A_144, %gather3A_232, %gather3A_233] : memref<2x64x512xf32, #tpu.memory_space<vmem>> -> memref<1x64x512xf32, #tpu.memory_space<vmem>>
          %gather3A_235 = tpu.memref_squeeze %gather3A_234 : memref<1x64x512xf32, #tpu.memory_space<vmem>> -> memref<64x512xf32, #tpu.memory_space<vmem>>
          %gather3A_236 = tpu.vector_load_idx %gather3A_235[%add3A_114, %sub3A_201] : memref<64x512xf32, #tpu.memory_space<vmem>>[vector<16xi32>, vector<16xi32>], vector<16xf32>,
          %mul3A_237 = arith.constant 64 : i32
          %mul3A_238 = arith.muli %rem3A_216, %mul3A_237 : i32
          %add3A_239 = arith.constant 16 : i32
          %add3A_240 = arith.addi %mul3A_238, %add3A_239 : i32
          %swap3A_241 = arith.index_cast %add3A_240 : i32 to index
          %swap3A_242 = tpu.vector_load %arg12[%swap3A_241] {strides = array<i32>} : memref<512xf32, #tpu.memory_space<vmem>>, vector<16xf32>,
          tpu.vector_store %arg12[%swap3A_241], %gather3A_236 {strides = array<i32>} : memref<512xf32, #tpu.memory_space<vmem>>, vector<16xf32>,
          %gather3A_243 = arith.constant 0 : i32
          %gather3A_244 = arith.constant 0 : i32
          %gather3A_245 = tpu.memref_slice %arg11[%rem3A_144, %gather3A_243, %gather3A_244] : memref<2x64x512xf32, #tpu.memory_space<vmem>> -> memref<1x64x512xf32, #tpu.memory_space<vmem>>
          %gather3A_246 = tpu.memref_squeeze %gather3A_245 : memref<1x64x512xf32, #tpu.memory_space<vmem>> -> memref<64x512xf32, #tpu.memory_space<vmem>>
          %gather3A_247 = tpu.vector_load_idx %gather3A_246[%add3A_117, %sub3A_201] : memref<64x512xf32, #tpu.memory_space<vmem>>[vector<16xi32>, vector<16xi32>], vector<16xf32>,
          %mul3A_248 = arith.constant 64 : i32
          %mul3A_249 = arith.muli %rem3A_216, %mul3A_248 : i32
          %add3A_250 = arith.constant 32 : i32
          %add3A_251 = arith.addi %mul3A_249, %add3A_250 : i32
          %swap3A_252 = arith.index_cast %add3A_251 : i32 to index
          %swap3A_253 = tpu.vector_load %arg12[%swap3A_252] {strides = array<i32>} : memref<512xf32, #tpu.memory_space<vmem>>, vector<16xf32>,
          tpu.vector_store %arg12[%swap3A_252], %gather3A_247 {strides = array<i32>} : memref<512xf32, #tpu.memory_space<vmem>>, vector<16xf32>,
          %gather3A_254 = arith.constant 0 : i32
          %gather3A_255 = arith.constant 0 : i32
          %gather3A_256 = tpu.memref_slice %arg11[%rem3A_144, %gather3A_254, %gather3A_255] : memref<2x64x512xf32, #tpu.memory_space<vmem>> -> memref<1x64x512xf32, #tpu.memory_space<vmem>>
          %gather3A_257 = tpu.memref_squeeze %gather3A_256 : memref<1x64x512xf32, #tpu.memory_space<vmem>> -> memref<64x512xf32, #tpu.memory_space<vmem>>
          %gather3A_258 = tpu.vector_load_idx %gather3A_257[%add3A_120, %sub3A_201] : memref<64x512xf32, #tpu.memory_space<vmem>>[vector<16xi32>, vector<16xi32>], vector<16xf32>,
          %mul3A_259 = arith.constant 64 : i32
          %mul3A_260 = arith.muli %rem3A_216, %mul3A_259 : i32
          %add3A_261 = arith.constant 48 : i32
          %add3A_262 = arith.addi %mul3A_260, %add3A_261 : i32
          %swap3A_263 = arith.index_cast %add3A_262 : i32 to index
          %swap3A_264 = tpu.vector_load %arg12[%swap3A_263] {strides = array<i32>} : memref<512xf32, #tpu.memory_space<vmem>>, vector<16xf32>,
          tpu.vector_store %arg12[%swap3A_263], %gather3A_258 {strides = array<i32>} : memref<512xf32, #tpu.memory_space<vmem>>, vector<16xf32>,
          %mul3A_265 = arith.constant 64 : i32
          %mul3A_266 = arith.muli %rem3A_216, %mul3A_265 : i32
          %mul3A_267 = arith.constant 64 : i32
          %mul3A_268 = arith.muli %reduce_max3A_211, %mul3A_267 : i32
          %dma_start3A_269 = tpu.memref_slice %arg12[%mul3A_266] : memref<512xf32, #tpu.memory_space<vmem>> -> memref<64xf32, #tpu.memory_space<vmem>>
          %dma_start3A_270 = tpu.memref_slice %arg6[%mul3A_268] : memref<2097152xf32, #tpu.memory_space<hbm>> -> memref<64xf32, #tpu.memory_space<hbm>>
          %dma_start3A_271 = tpu.memref_slice %arg15[%rem3A_216] : memref<8x!tpu.dma_semaphore, #tpu.memory_space<semaphore_mem>> -> memref<1x!tpu.dma_semaphore, #tpu.memory_space<semaphore_mem>>
          %dma_start3A_272 = tpu.memref_squeeze %dma_start3A_271 : memref<1x!tpu.dma_semaphore, #tpu.memory_space<semaphore_mem>> -> memref<!tpu.dma_semaphore, #tpu.memory_space<semaphore_mem>>
          %dma_start3A_273 = tpu.memref_slice %arg6[%mul3A_268] : memref<2097152xf32, #tpu.memory_space<hbm>> -> memref<64xf32, #tpu.memory_space<hbm>>
          %dma_start3A_274 = tpu.memref_slice %arg12[%mul3A_266] : memref<512xf32, #tpu.memory_space<vmem>> -> memref<64xf32, #tpu.memory_space<vmem>>
          tpu.enqueue_dma source(%dma_start3A_274 : memref<64xf32, #tpu.memory_space<vmem>>) target(%dma_start3A_273 : memref<64xf32, #tpu.memory_space<hbm>>) target_semaphore(%dma_start3A_272 : memref<!tpu.dma_semaphore, #tpu.memory_space<semaphore_mem>>)
          %add3A_275 = arith.constant 1 : i32
          %add3A_276 = arith.addi %get3A_214, %add3A_275 : i32
          %swap3A_277 = arith.constant 0 : i32
          %swap3A_278 = arith.index_cast %swap3A_277 : i32 to index
          %swap3A_279 = memref.load %arg13[%swap3A_278] : memref<4xi32, #tpu.memory_space<smem>>
          memref.store %add3A_276, %arg13[%swap3A_278] : memref<4xi32, #tpu.memory_space<smem>>
          %not3A = arith.constant dense<true> : vector<16xi1>
          %not3A_280 = arith.xori %eq3A_197, %not3A : vector<16xi1>
          %and3A_281 = arith.andi %while3A_195, %not3A_280 : vector<16xi1>
          %while3A_282 = arith.constant 0 : i32
          scf.yield %and3A_281, %while3A_282 : vector<16xi1>, i32
        }
      }
      %scan3A_172 = arith.constant 6 : i32
      %add3A_173 = arith.constant 2 : i32
      %add3A_174 = arith.addi %while3A_142, %add3A_173 : i32
      %lt3A = arith.cmpi slt, %add3A_174, %sub3A_121 : i32
      %convert_element_type3A_175 = arith.extui %lt3A : i1 to i32
      %cond3A_176 = arith.constant 0 : i32
      %cond3A_177 = arith.cmpi ne, %convert_element_type3A_175, %cond3A_176 : i32
      scf.if %cond3A_177 {
        %add3A_178 = arith.addi %select_n3A, %while3A_142 : i32
        %add3A_179 = arith.constant 2 : i32
        %add3A_180 = arith.addi %add3A_178, %add3A_179 : i32
        %mul3A_181 = arith.constant 512 : i32
        %mul3A_182 = arith.muli %add3A_180, %mul3A_181 : i32
        %dma_start3A_183 = arith.constant 0 : i32
        %dma_start3A_184 = arith.constant 0 : i32
        %dma_start3A_185 = tpu.memref_slice %arg11[%rem3A_144, %dma_start3A_183, %dma_start3A_184] : memref<2x64x512xf32, #tpu.memory_space<vmem>> -> memref<1x64x512xf32, #tpu.memory_space<vmem>>
        %dma_start3A_186 = tpu.memref_squeeze %dma_start3A_185 : memref<1x64x512xf32, #tpu.memory_space<vmem>> -> memref<64x512xf32, #tpu.memory_space<vmem>>
        %dma_start3A_187 = arith.constant 0 : i32
        %dma_start3A_188 = tpu.memref_slice %arg4[%dma_start3A_187, %mul3A_182] : memref<64x1000000xf32, #tpu.memory_space<hbm>> -> memref<64x512xf32, #tpu.memory_space<hbm>>
        %dma_start3A_189 = tpu.memref_slice %arg14[%rem3A_144] : memref<2x!tpu.dma_semaphore, #tpu.memory_space<semaphore_mem>> -> memref<1x!tpu.dma_semaphore, #tpu.memory_space<semaphore_mem>>
        %dma_start3A_190 = tpu.memref_squeeze %dma_start3A_189 : memref<1x!tpu.dma_semaphore, #tpu.memory_space<semaphore_mem>> -> memref<!tpu.dma_semaphore, #tpu.memory_space<semaphore_mem>>
        %dma_start3A_191 = arith.constant 0 : i32
        %dma_start3A_192 = arith.constant 0 : i32
        %dma_start3A_193 = tpu.memref_slice %arg11[%rem3A_144, %dma_start3A_191, %dma_start3A_192] : memref<2x64x512xf32, #tpu.memory_space<vmem>> -> memref<1x64x512xf32, #tpu.memory_space<vmem>>
        %dma_start3A_194 = tpu.memref_squeeze %dma_start3A_193 : memref<1x64x512xf32, #tpu.memory_space<vmem>> -> memref<64x512xf32, #tpu.memory_space<vmem>>
        %dma_start3A_195 = arith.constant 0 : i32
        %dma_start3A_196 = tpu.memref_slice %arg4[%dma_start3A_195, %mul3A_182] : memref<64x1000000xf32, #tpu.memory_space<hbm>> -> memref<64x512xf32, #tpu.memory_space<hbm>>
        tpu.enqueue_dma source(%dma_start3A_196 : memref<64x512xf32, #tpu.memory_space<hbm>>) target(%dma_start3A_194 : memref<64x512xf32, #tpu.memory_space<vmem>>) target_semaphore(%dma_start3A_190 : memref<!tpu.dma_semaphore, #tpu.memory_space<semaphore_mem>>)
      } else {
      }
    }
    %while3A_130 = arith.constant 1 : i32
    scf.for %while3A_142 = %while3A_128 to %while3A_124 step %while3A_130  : i32 {
      %rem3A_143 = arith.constant 2 : i32
      %rem3A_144 = arith.remsi %while3A_142, %rem3A_143 : i32
      %dma_wait3A = arith.constant 0 : i32
      %dma_wait3A_145 = arith.constant 0 : i32
      %dma_wait3A_146 = tpu.memref_slice %arg11[%rem3A_144, %dma_wait3A, %dma_wait3A_145] : memref<2x64x512xf32, #tpu.memory_space<vmem>> -> memref<1x64x512xf32, #tpu.memory_space<vmem>>
      %dma_wait3A_147 = tpu.memref_squeeze %dma_wait3A_146 : memref<1x64x512xf32, #tpu.memory_space<vmem>> -> memref<64x512xf32, #tpu.memory_space<vmem>>
      %dma_wait3A_148 = arith.constant 0 : i32
      %dma_wait3A_149 = arith.constant 0 : i32
      %dma_wait3A_150 = tpu.memref_slice %arg4[%dma_wait3A_148, %dma_wait3A_149] : memref<64x1000000xf32, #tpu.memory_space<hbm>> -> memref<64x512xf32, #tpu.memory_space<hbm>>
      %dma_wait3A_151 = tpu.memref_slice %arg14[%rem3A_144] : memref<2x!tpu.dma_semaphore, #tpu.memory_space<semaphore_mem>> -> memref<1x!tpu.dma_semaphore, #tpu.memory_space<semaphore_mem>>
      %dma_wait3A_152 = tpu.memref_squeeze %dma_wait3A_151 : memref<1x!tpu.dma_semaphore, #tpu.memory_space<semaphore_mem>> -> memref<!tpu.dma_semaphore, #tpu.memory_space<semaphore_mem>>
      %dma_wait3A_153 = arith.constant 0 : i32
      %dma_wait3A_154 = arith.constant 0 : i32
      %dma_wait3A_155 = tpu.memref_slice %arg11[%rem3A_144, %dma_wait3A_153, %dma_wait3A_154] : memref<2x64x512xf32, #tpu.memory_space<vmem>> -> memref<1x64x512xf32, #tpu.memory_space<vmem>>
      %dma_wait3A_156 = tpu.memref_squeeze %dma_wait3A_155 : memref<1x64x512xf32, #tpu.memory_space<vmem>> -> memref<64x512xf32, #tpu.memory_space<vmem>>
      %dma_wait3A_157 = arith.constant 0 : i32
      %dma_wait3A_158 = arith.constant 0 : i32
      %dma_wait3A_159 = tpu.memref_slice %arg4[%dma_wait3A_157, %dma_wait3A_158] : memref<64x1000000xf32, #tpu.memory_space<hbm>> -> memref<64x512xf32, #tpu.memory_space<hbm>>
      tpu.wait_dma2 semaphore(%dma_wait3A_152 : memref<!tpu.dma_semaphore, #tpu.memory_space<semaphore_mem>>) src(%dma_wait3A_159 : memref<64x512xf32, #tpu.memory_space<hbm>>) dst(%dma_wait3A_156 : memref<64x512xf32, #tpu.memory_space<vmem>>)
      %add3A_160 = arith.addi %select_n3A, %while3A_142 : i32
      %mul3A_161 = arith.constant 512 : i32
      %mul3A_162 = arith.muli %add3A_160, %mul3A_161 : i32
      %broadcast_in_dim3A_163 = arith.constant 0 : i32
      %broadcast_in_dim3A_164 = vector.broadcast %broadcast_in_dim3A_163 : i32 to vector<16xi32>
      %add3A_165 = vector.broadcast %while3A_142 : i32 to vector<16xi32>
      %add3A_166 = arith.addi %broadcast_in_dim3A_164, %add3A_165 : vector<16xi32>
      %gather3A = tpu.vector_load_idx %arg10[%add3A_166] : memref<64xi32, #tpu.memory_space<vmem>>[vector<16xi32>], vector<16xi32>,
      %scan3A_167 = arith.constant 0 : i32
      %scan3A_168 = arith.constant 0 : i32
      %scan3A_169 = arith.constant 6 : i32
      %scan3A_170 = arith.addi %scan3A_168, %scan3A_169 : i32
      %scan3A_171 = arith.constant 1 : i32
      scf.for %scan3A_178 = %scan3A_168 to %scan3A_170 step %scan3A_171  : i32 {
        %mul3A_179 = arith.constant 96 : i32
        %mul3A_180 = arith.muli %while3A_142, %mul3A_179 : i32
        %mul3A_181 = arith.constant 16 : i32
        %mul3A_182 = arith.muli %scan3A_178, %mul3A_181 : i32
        %add3A_183 = arith.addi %mul3A_180, %mul3A_182 : i32
        %get3A_184 = arith.index_cast %add3A_183 : i32 to index
        %get3A_185 = tpu.vector_load %arg8[%get3A_184] {strides = array<i32>} : memref<6144xi32, #tpu.memory_space<vmem>>, vector<16xi32>,
        %get3A_186 = arith.index_cast %add3A_183 : i32 to index
        %get3A_187 = tpu.vector_load %arg9[%get3A_186] {strides = array<i32>} : memref<6144xi32, #tpu.memory_space<vmem>>, vector<16xi32>,
        %mul3A_188 = arith.constant 16 : i32
        %mul3A_189 = arith.muli %scan3A_178, %mul3A_188 : i32
        %add3A_190 = vector.broadcast %mul3A_189 : i32 to vector<16xi32>
        %add3A_191 = arith.addi %add3A_190, %iota3A : vector<16xi32>
        %lt3A_192 = arith.cmpi slt, %add3A_191, %gather3A : vector<16xi32>
        %while3A_193 = arith.constant 0 : i32
        %while3A_194:2 = scf.while (%while3A_195 = %lt3A_192, %while3A_196 = %while3A_193) : (vector<16xi1>, i32) -> (vector<16xi1>, i32) {
          %reduce_or3A = arith.constant 1.000000e+00 : f32
          %reduce_or3A_197 = arith.constant 0.000000e+00 : f32
          %reduce_or3A_198 = vector.broadcast %reduce_or3A : f32 to vector<16xf32>
          %reduce_or3A_199 = vector.broadcast %reduce_or3A_197 : f32 to vector<16xf32>
          %reduce_or3A_200 = arith.select %while3A_195, %reduce_or3A_198, %reduce_or3A_199 : vector<16xi1>, vector<16xf32>
          %reduce_or3A_201 = arith.constant true
          %reduce_or3A_202 = vector.broadcast %reduce_or3A_201 : i1 to vector<16xi1>
          %reduce_or3A_203 = tpu.scan <max>, %reduce_or3A_200 masked %reduce_or3A_202 : vector<16xf32>, vector<16xi1> -> vector<16xf32>
          %reduce_or3A_204 = vector.extract %reduce_or3A_203[15] : f32 from vector<16xf32>
          %reduce_or3A_205 = arith.constant 0.000000e+00 : f32
          %reduce_or3A_206 = arith.cmpf ogt, %reduce_or3A_204, %reduce_or3A_205 : f32
          scf.condition(%reduce_or3A_206) %while3A_195, %while3A_196 : vector<16xi1>, i32
        } do {
        ^bb0(%while3A_195: vector<16xi1>, %while3A_196: i32):
          %all_reduce_ffs3A = tpu.all_reduce %while3A_195 {dim = 0 : i64, kind = #tpu.reduction_kind<find_first_set>} : vector<16xi1> -> vector<16xi32>
          %eq3A_197 = arith.cmpi eq, %iota3A, %all_reduce_ffs3A : vector<16xi32>
          %reshape3A = vector.shape_cast %all_reduce_ffs3A : vector<16xi32> to vector<16x1xi32>
          %gather3A_198 = vector.shape_cast %reshape3A : vector<16x1xi32> to vector<16xi32>
          %gather3A_199 = tpu.dynamic_gather %get3A_185[%gather3A_198] in [0] : vector<16xi32>, vector<16xi32> -> vector<16xi32>
          %sub3A_200 = vector.broadcast %mul3A_162 : i32 to vector<16xi32>
          %sub3A_201 = arith.subi %gather3A_199, %sub3A_200 : vector<16xi32>
          %jit3A_202 = arith.constant -2147483648 : i32
          %broadcast_in_dim3A_203 = vector.broadcast %jit3A_202 : i32 to vector<16xi32>
          %select_n3A_204 = arith.select %eq3A_197, %get3A_187, %broadcast_in_dim3A_203 : vector<16xi1>, vector<16xi32>
          %reduce_max3A = arith.constant true
          %reduce_max3A_205 = vector.broadcast %reduce_max3A : i1 to vector<16xi1>
          %reduce_max3A_206 = arith.constant -2147483648 : i32
          %reduce_max3A_207 = vector.broadcast %reduce_max3A_206 : i32 to vector<16xi32>
          %reduce_max3A_208 = arith.xori %select_n3A_204, %reduce_max3A_207 : vector<16xi32>
          %reduce_max3A_209 = tpu.scan <max>, %reduce_max3A_208 masked %reduce_max3A_205 : vector<16xi32>, vector<16xi1> -> vector<16xi32>
          %reduce_max3A_210 = arith.xori %reduce_max3A_209, %reduce_max3A_207 : vector<16xi32>
          %reduce_max3A_211 = vector.extract %reduce_max3A_210[15] : i32 from vector<16xi32>
          %get3A_212 = arith.constant 0 : i32
          %get3A_213 = arith.index_cast %get3A_212 : i32 to index
          %get3A_214 = memref.load %arg13[%get3A_213] : memref<4xi32, #tpu.memory_space<smem>>
          %rem3A_215 = arith.constant 8 : i32
          %rem3A_216 = arith.remsi %get3A_214, %rem3A_215 : i32
          %ge3A = arith.constant 8 : i32
          %ge3A_217 = arith.cmpi sge, %get3A_214, %ge3A : i32
          %convert_element_type3A_218 = arith.extui %ge3A_217 : i1 to i32
          %cond3A_219 = arith.constant 0 : i32
          %cond3A_220 = arith.cmpi ne, %convert_element_type3A_218, %cond3A_219 : i32
          scf.if %cond3A_220 {
            %dma_wait3A_283 = arith.constant 0 : i32
            %dma_wait3A_284 = tpu.memref_slice %arg12[%dma_wait3A_283] : memref<512xf32, #tpu.memory_space<vmem>> -> memref<64xf32, #tpu.memory_space<vmem>>
            %dma_wait3A_285 = arith.constant 0 : i32
            %dma_wait3A_286 = tpu.memref_slice %arg6[%dma_wait3A_285] : memref<2097152xf32, #tpu.memory_space<hbm>> -> memref<64xf32, #tpu.memory_space<hbm>>
            %dma_wait3A_287 = tpu.memref_slice %arg15[%rem3A_216] : memref<8x!tpu.dma_semaphore, #tpu.memory_space<semaphore_mem>> -> memref<1x!tpu.dma_semaphore, #tpu.memory_space<semaphore_mem>>
            %dma_wait3A_288 = tpu.memref_squeeze %dma_wait3A_287 : memref<1x!tpu.dma_semaphore, #tpu.memory_space<semaphore_mem>> -> memref<!tpu.dma_semaphore, #tpu.memory_space<semaphore_mem>>
            %dma_wait3A_289 = arith.constant 0 : i32
            %dma_wait3A_290 = tpu.memref_slice %arg12[%dma_wait3A_289] : memref<512xf32, #tpu.memory_space<vmem>> -> memref<64xf32, #tpu.memory_space<vmem>>
            %dma_wait3A_291 = arith.constant 0 : i32
            %dma_wait3A_292 = tpu.memref_slice %arg6[%dma_wait3A_291] : memref<2097152xf32, #tpu.memory_space<hbm>> -> memref<64xf32, #tpu.memory_space<hbm>>
            tpu.wait_dma2 semaphore(%dma_wait3A_288 : memref<!tpu.dma_semaphore, #tpu.memory_space<semaphore_mem>>) src(%dma_wait3A_292 : memref<64xf32, #tpu.memory_space<hbm>>) dst(%dma_wait3A_290 : memref<64xf32, #tpu.memory_space<vmem>>)
          } else {
          }
          %gather3A_221 = arith.constant 0 : i32
          %gather3A_222 = arith.constant 0 : i32
          %gather3A_223 = tpu.memref_slice %arg11[%rem3A_144, %gather3A_221, %gather3A_222] : memref<2x64x512xf32, #tpu.memory_space<vmem>> -> memref<1x64x512xf32, #tpu.memory_space<vmem>>
          %gather3A_224 = tpu.memref_squeeze %gather3A_223 : memref<1x64x512xf32, #tpu.memory_space<vmem>> -> memref<64x512xf32, #tpu.memory_space<vmem>>
          %gather3A_225 = tpu.vector_load_idx %gather3A_224[%add3A_111, %sub3A_201] : memref<64x512xf32, #tpu.memory_space<vmem>>[vector<16xi32>, vector<16xi32>], vector<16xf32>,
          %mul3A_226 = arith.constant 64 : i32
          %mul3A_227 = arith.muli %rem3A_216, %mul3A_226 : i32
          %add3A_228 = arith.constant 0 : i32
          %add3A_229 = arith.addi %mul3A_227, %add3A_228 : i32
          %swap3A_230 = arith.index_cast %add3A_229 : i32 to index
          %swap3A_231 = tpu.vector_load %arg12[%swap3A_230] {strides = array<i32>} : memref<512xf32, #tpu.memory_space<vmem>>, vector<16xf32>,
          tpu.vector_store %arg12[%swap3A_230], %gather3A_225 {strides = array<i32>} : memref<512xf32, #tpu.memory_space<vmem>>, vector<16xf32>,
          %gather3A_232 = arith.constant 0 : i32
          %gather3A_233 = arith.constant 0 : i32
          %gather3A_234 = tpu.memref_slice %arg11[%rem3A_144, %gather3A_232, %gather3A_233] : memref<2x64x512xf32, #tpu.memory_space<vmem>> -> memref<1x64x512xf32, #tpu.memory_space<vmem>>
          %gather3A_235 = tpu.memref_squeeze %gather3A_234 : memref<1x64x512xf32, #tpu.memory_space<vmem>> -> memref<64x512xf32, #tpu.memory_space<vmem>>
          %gather3A_236 = tpu.vector_load_idx %gather3A_235[%add3A_114, %sub3A_201] : memref<64x512xf32, #tpu.memory_space<vmem>>[vector<16xi32>, vector<16xi32>], vector<16xf32>,
          %mul3A_237 = arith.constant 64 : i32
          %mul3A_238 = arith.muli %rem3A_216, %mul3A_237 : i32
          %add3A_239 = arith.constant 16 : i32
          %add3A_240 = arith.addi %mul3A_238, %add3A_239 : i32
          %swap3A_241 = arith.index_cast %add3A_240 : i32 to index
          %swap3A_242 = tpu.vector_load %arg12[%swap3A_241] {strides = array<i32>} : memref<512xf32, #tpu.memory_space<vmem>>, vector<16xf32>,
          tpu.vector_store %arg12[%swap3A_241], %gather3A_236 {strides = array<i32>} : memref<512xf32, #tpu.memory_space<vmem>>, vector<16xf32>,
          %gather3A_243 = arith.constant 0 : i32
          %gather3A_244 = arith.constant 0 : i32
          %gather3A_245 = tpu.memref_slice %arg11[%rem3A_144, %gather3A_243, %gather3A_244] : memref<2x64x512xf32, #tpu.memory_space<vmem>> -> memref<1x64x512xf32, #tpu.memory_space<vmem>>
          %gather3A_246 = tpu.memref_squeeze %gather3A_245 : memref<1x64x512xf32, #tpu.memory_space<vmem>> -> memref<64x512xf32, #tpu.memory_space<vmem>>
          %gather3A_247 = tpu.vector_load_idx %gather3A_246[%add3A_117, %sub3A_201] : memref<64x512xf32, #tpu.memory_space<vmem>>[vector<16xi32>, vector<16xi32>], vector<16xf32>,
          %mul3A_248 = arith.constant 64 : i32
          %mul3A_249 = arith.muli %rem3A_216, %mul3A_248 : i32
          %add3A_250 = arith.constant 32 : i32
          %add3A_251 = arith.addi %mul3A_249, %add3A_250 : i32
          %swap3A_252 = arith.index_cast %add3A_251 : i32 to index
          %swap3A_253 = tpu.vector_load %arg12[%swap3A_252] {strides = array<i32>} : memref<512xf32, #tpu.memory_space<vmem>>, vector<16xf32>,
          tpu.vector_store %arg12[%swap3A_252], %gather3A_247 {strides = array<i32>} : memref<512xf32, #tpu.memory_space<vmem>>, vector<16xf32>,
          %gather3A_254 = arith.constant 0 : i32
          %gather3A_255 = arith.constant 0 : i32
          %gather3A_256 = tpu.memref_slice %arg11[%rem3A_144, %gather3A_254, %gather3A_255] : memref<2x64x512xf32, #tpu.memory_space<vmem>> -> memref<1x64x512xf32, #tpu.memory_space<vmem>>
          %gather3A_257 = tpu.memref_squeeze %gather3A_256 : memref<1x64x512xf32, #tpu.memory_space<vmem>> -> memref<64x512xf32, #tpu.memory_space<vmem>>
          %gather3A_258 = tpu.vector_load_idx %gather3A_257[%add3A_120, %sub3A_201] : memref<64x512xf32, #tpu.memory_space<vmem>>[vector<16xi32>, vector<16xi32>], vector<16xf32>,
          %mul3A_259 = arith.constant 64 : i32
          %mul3A_260 = arith.muli %rem3A_216, %mul3A_259 : i32
          %add3A_261 = arith.constant 48 : i32
          %add3A_262 = arith.addi %mul3A_260, %add3A_261 : i32
          %swap3A_263 = arith.index_cast %add3A_262 : i32 to index
          %swap3A_264 = tpu.vector_load %arg12[%swap3A_263] {strides = array<i32>} : memref<512xf32, #tpu.memory_space<vmem>>, vector<16xf32>,
          tpu.vector_store %arg12[%swap3A_263], %gather3A_258 {strides = array<i32>} : memref<512xf32, #tpu.memory_space<vmem>>, vector<16xf32>,
          %mul3A_265 = arith.constant 64 : i32
          %mul3A_266 = arith.muli %rem3A_216, %mul3A_265 : i32
          %mul3A_267 = arith.constant 64 : i32
          %mul3A_268 = arith.muli %reduce_max3A_211, %mul3A_267 : i32
          %dma_start3A_269 = tpu.memref_slice %arg12[%mul3A_266] : memref<512xf32, #tpu.memory_space<vmem>> -> memref<64xf32, #tpu.memory_space<vmem>>
          %dma_start3A_270 = tpu.memref_slice %arg6[%mul3A_268] : memref<2097152xf32, #tpu.memory_space<hbm>> -> memref<64xf32, #tpu.memory_space<hbm>>
          %dma_start3A_271 = tpu.memref_slice %arg15[%rem3A_216] : memref<8x!tpu.dma_semaphore, #tpu.memory_space<semaphore_mem>> -> memref<1x!tpu.dma_semaphore, #tpu.memory_space<semaphore_mem>>
          %dma_start3A_272 = tpu.memref_squeeze %dma_start3A_271 : memref<1x!tpu.dma_semaphore, #tpu.memory_space<semaphore_mem>> -> memref<!tpu.dma_semaphore, #tpu.memory_space<semaphore_mem>>
          %dma_start3A_273 = tpu.memref_slice %arg6[%mul3A_268] : memref<2097152xf32, #tpu.memory_space<hbm>> -> memref<64xf32, #tpu.memory_space<hbm>>
          %dma_start3A_274 = tpu.memref_slice %arg12[%mul3A_266] : memref<512xf32, #tpu.memory_space<vmem>> -> memref<64xf32, #tpu.memory_space<vmem>>
          tpu.enqueue_dma source(%dma_start3A_274 : memref<64xf32, #tpu.memory_space<vmem>>) target(%dma_start3A_273 : memref<64xf32, #tpu.memory_space<hbm>>) target_semaphore(%dma_start3A_272 : memref<!tpu.dma_semaphore, #tpu.memory_space<semaphore_mem>>)
          %add3A_275 = arith.constant 1 : i32
          %add3A_276 = arith.addi %get3A_214, %add3A_275 : i32
          %swap3A_277 = arith.constant 0 : i32
          %swap3A_278 = arith.index_cast %swap3A_277 : i32 to index
          %swap3A_279 = memref.load %arg13[%swap3A_278] : memref<4xi32, #tpu.memory_space<smem>>
          memref.store %add3A_276, %arg13[%swap3A_278] : memref<4xi32, #tpu.memory_space<smem>>
          %not3A = arith.constant dense<true> : vector<16xi1>
          %not3A_280 = arith.xori %eq3A_197, %not3A : vector<16xi1>
          %and3A_281 = arith.andi %while3A_195, %not3A_280 : vector<16xi1>
          %while3A_282 = arith.constant 0 : i32
          scf.yield %and3A_281, %while3A_282 : vector<16xi1>, i32
        }
      }
      %scan3A_172 = arith.constant 6 : i32
      %add3A_173 = arith.constant 2 : i32
      %add3A_174 = arith.addi %while3A_142, %add3A_173 : i32
      %lt3A = arith.cmpi slt, %add3A_174, %sub3A_121 : i32
      %convert_element_type3A_175 = arith.extui %lt3A : i1 to i32
      %cond3A_176 = arith.constant 0 : i32
      %cond3A_177 = arith.cmpi ne, %convert_element_type3A_175, %cond3A_176 : i32
      scf.if %cond3A_177 {
        %add3A_178 = arith.addi %select_n3A, %while3A_142 : i32
        %add3A_179 = arith.constant 2 : i32
        %add3A_180 = arith.addi %add3A_178, %add3A_179 : i32
        %mul3A_181 = arith.constant 512 : i32
        %mul3A_182 = arith.muli %add3A_180, %mul3A_181 : i32
        %dma_start3A_183 = arith.constant 0 : i32
        %dma_start3A_184 = arith.constant 0 : i32
        %dma_start3A_185 = tpu.memref_slice %arg11[%rem3A_144, %dma_start3A_183, %dma_start3A_184] : memref<2x64x512xf32, #tpu.memory_space<vmem>> -> memref<1x64x512xf32, #tpu.memory_space<vmem>>
        %dma_start3A_186 = tpu.memref_squeeze %dma_start3A_185 : memref<1x64x512xf32, #tpu.memory_space<vmem>> -> memref<64x512xf32, #tpu.memory_space<vmem>>
        %dma_start3A_187 = arith.constant 0 : i32
        %dma_start3A_188 = tpu.memref_slice %arg4[%dma_start3A_187, %mul3A_182] : memref<64x1000000xf32, #tpu.memory_space<hbm>> -> memref<64x512xf32, #tpu.memory_space<hbm>>
        %dma_start3A_189 = tpu.memref_slice %arg14[%rem3A_144] : memref<2x!tpu.dma_semaphore, #tpu.memory_space<semaphore_mem>> -> memref<1x!tpu.dma_semaphore, #tpu.memory_space<semaphore_mem>>
        %dma_start3A_190 = tpu.memref_squeeze %dma_start3A_189 : memref<1x!tpu.dma_semaphore, #tpu.memory_space<semaphore_mem>> -> memref<!tpu.dma_semaphore, #tpu.memory_space<semaphore_mem>>
        %dma_start3A_191 = arith.constant 0 : i32
        %dma_start3A_192 = arith.constant 0 : i32
        %dma_start3A_193 = tpu.memref_slice %arg11[%rem3A_144, %dma_start3A_191, %dma_start3A_192] : memref<2x64x512xf32, #tpu.memory_space<vmem>> -> memref<1x64x512xf32, #tpu.memory_space<vmem>>
        %dma_start3A_194 = tpu.memref_squeeze %dma_start3A_193 : memref<1x64x512xf32, #tpu.memory_space<vmem>> -> memref<64x512xf32, #tpu.memory_space<vmem>>
        %dma_start3A_195 = arith.constant 0 : i32
        %dma_start3A_196 = tpu.memref_slice %arg4[%dma_start3A_195, %mul3A_182] : memref<64x1000000xf32, #tpu.memory_space<hbm>> -> memref<64x512xf32, #tpu.memory_space<hbm>>
        tpu.enqueue_dma source(%dma_start3A_196 : memref<64x512xf32, #tpu.memory_space<hbm>>) target(%dma_start3A_194 : memref<64x512xf32, #tpu.memory_space<vmem>>) target_semaphore(%dma_start3A_190 : memref<!tpu.dma_semaphore, #tpu.memory_space<semaphore_mem>>)
      } else {
      }
    }
    %eq3A_131 = arith.constant 31 : i32
    %eq3A_132 = arith.cmpi eq, %add3A, %eq3A_131 : i32
    %convert_element_type3A = arith.extui %eq3A_132 : i1 to i32
    %cond3A = arith.constant 0 : i32
    %cond3A_133 = arith.cmpi ne, %convert_element_type3A, %cond3A : i32
    scf.if %cond3A_133 {
      %run_scoped3A = arith.constant 0 : i32
      "tpu.region"() ({
        %run_scoped3A_152 = tpu.sem_alloc : memref<!tpu.dma_semaphore, #tpu.memory_space<semaphore_mem>>
        %dma_start3A_153 = arith.constant 0 : i32
        %dma_start3A_154 = arith.constant 0 : i32
        %dma_start3A_155 = tpu.memref_slice %arg11[%run_scoped3A, %dma_start3A_153, %dma_start3A_154] : memref<2x64x512xf32, #tpu.memory_space<vmem>> -> memref<1x64x128xf32, #tpu.memory_space<vmem>>
        %dma_start3A_156 = tpu.memref_squeeze %dma_start3A_155 : memref<1x64x128xf32, #tpu.memory_space<vmem>> -> memref<64x128xf32, #tpu.memory_space<vmem>>
        %dma_start3A_157 = arith.constant 0 : i32
        %dma_start3A_158 = arith.constant 0 : i32
        %dma_start3A_159 = tpu.memref_slice %arg11[%run_scoped3A, %dma_start3A_157, %dma_start3A_158] : memref<2x64x512xf32, #tpu.memory_space<vmem>> -> memref<1x64x128xf32, #tpu.memory_space<vmem>>
        %dma_start3A_160 = tpu.memref_squeeze %dma_start3A_159 : memref<1x64x128xf32, #tpu.memory_space<vmem>> -> memref<64x128xf32, #tpu.memory_space<vmem>>
        tpu.enqueue_dma source(%arg5 : memref<64x128xf32, #tpu.memory_space<hbm>>) target(%dma_start3A_160 : memref<64x128xf32, #tpu.memory_space<vmem>>) target_semaphore(%run_scoped3A_152 : memref<!tpu.dma_semaphore, #tpu.memory_space<semaphore_mem>>)
        %dma_wait3A = arith.constant 0 : i32
        %dma_wait3A_161 = arith.constant 0 : i32
        %dma_wait3A_162 = tpu.memref_slice %arg11[%run_scoped3A, %dma_wait3A, %dma_wait3A_161] : memref<2x64x512xf32, #tpu.memory_space<vmem>> -> memref<1x64x128xf32, #tpu.memory_space<vmem>>
        %dma_wait3A_163 = tpu.memref_squeeze %dma_wait3A_162 : memref<1x64x128xf32, #tpu.memory_space<vmem>> -> memref<64x128xf32, #tpu.memory_space<vmem>>
        %dma_wait3A_164 = arith.constant 0 : i32
        %dma_wait3A_165 = arith.constant 0 : i32
        %dma_wait3A_166 = tpu.memref_slice %arg11[%run_scoped3A, %dma_wait3A_164, %dma_wait3A_165] : memref<2x64x512xf32, #tpu.memory_space<vmem>> -> memref<1x64x128xf32, #tpu.memory_space<vmem>>
        %dma_wait3A_167 = tpu.memref_squeeze %dma_wait3A_166 : memref<1x64x128xf32, #tpu.memory_space<vmem>> -> memref<64x128xf32, #tpu.memory_space<vmem>>
        tpu.wait_dma2 semaphore(%run_scoped3A_152 : memref<!tpu.dma_semaphore, #tpu.memory_space<semaphore_mem>>) src(%arg5 : memref<64x128xf32, #tpu.memory_space<hbm>>) dst(%dma_wait3A_167 : memref<64x128xf32, #tpu.memory_space<vmem>>)
        tpu.yield
      }) : () -> ()
      %broadcast_in_dim3A_142 = arith.constant 0 : i32
      %broadcast_in_dim3A_143 = vector.broadcast %broadcast_in_dim3A_142 : i32 to vector<16xi32>
      %add3A_144 = vector.broadcast %sub3A_121 : i32 to vector<16xi32>
      %add3A_145 = arith.addi %broadcast_in_dim3A_143, %add3A_144 : vector<16xi32>
      %gather3A = tpu.vector_load_idx %arg10[%add3A_145] : memref<64xi32, #tpu.memory_space<vmem>>[vector<16xi32>], vector<16xi32>,
      %scan3A_146 = arith.constant 0 : i32
      %scan3A_147 = arith.constant 0 : i32
      %scan3A_148 = arith.constant 6 : i32
      %scan3A_149 = arith.addi %scan3A_147, %scan3A_148 : i32
      %scan3A_150 = arith.constant 1 : i32
      scf.for %scan3A_152 = %scan3A_147 to %scan3A_149 step %scan3A_150  : i32 {
        %mul3A_153 = arith.constant 96 : i32
        %mul3A_154 = arith.muli %sub3A_121, %mul3A_153 : i32
        %mul3A_155 = arith.constant 16 : i32
        %mul3A_156 = arith.muli %scan3A_152, %mul3A_155 : i32
        %add3A_157 = arith.addi %mul3A_154, %mul3A_156 : i32
        %get3A_158 = arith.index_cast %add3A_157 : i32 to index
        %get3A_159 = tpu.vector_load %arg8[%get3A_158] {strides = array<i32>} : memref<6144xi32, #tpu.memory_space<vmem>>, vector<16xi32>,
        %get3A_160 = arith.index_cast %add3A_157 : i32 to index
        %get3A_161 = tpu.vector_load %arg9[%get3A_160] {strides = array<i32>} : memref<6144xi32, #tpu.memory_space<vmem>>, vector<16xi32>,
        %mul3A_162 = arith.constant 16 : i32
        %mul3A_163 = arith.muli %scan3A_152, %mul3A_162 : i32
        %add3A_164 = vector.broadcast %mul3A_163 : i32 to vector<16xi32>
        %add3A_165 = arith.addi %add3A_164, %iota3A : vector<16xi32>
        %lt3A = arith.cmpi slt, %add3A_165, %gather3A : vector<16xi32>
        %while3A_166 = arith.constant 0 : i32
        %while3A_167:2 = scf.while (%while3A_168 = %lt3A, %while3A_169 = %while3A_166) : (vector<16xi1>, i32) -> (vector<16xi1>, i32) {
          %reduce_or3A = arith.constant 1.000000e+00 : f32
          %reduce_or3A_170 = arith.constant 0.000000e+00 : f32
          %reduce_or3A_171 = vector.broadcast %reduce_or3A : f32 to vector<16xf32>
          %reduce_or3A_172 = vector.broadcast %reduce_or3A_170 : f32 to vector<16xf32>
          %reduce_or3A_173 = arith.select %while3A_168, %reduce_or3A_171, %reduce_or3A_172 : vector<16xi1>, vector<16xf32>
          %reduce_or3A_174 = arith.constant true
          %reduce_or3A_175 = vector.broadcast %reduce_or3A_174 : i1 to vector<16xi1>
          %reduce_or3A_176 = tpu.scan <max>, %reduce_or3A_173 masked %reduce_or3A_175 : vector<16xf32>, vector<16xi1> -> vector<16xf32>
          %reduce_or3A_177 = vector.extract %reduce_or3A_176[15] : f32 from vector<16xf32>
          %reduce_or3A_178 = arith.constant 0.000000e+00 : f32
          %reduce_or3A_179 = arith.cmpf ogt, %reduce_or3A_177, %reduce_or3A_178 : f32
          scf.condition(%reduce_or3A_179) %while3A_168, %while3A_169 : vector<16xi1>, i32
        } do {
        ^bb0(%while3A_168: vector<16xi1>, %while3A_169: i32):
          %all_reduce_ffs3A = tpu.all_reduce %while3A_168 {dim = 0 : i64, kind = #tpu.reduction_kind<find_first_set>} : vector<16xi1> -> vector<16xi32>
          %eq3A_170 = arith.cmpi eq, %iota3A, %all_reduce_ffs3A : vector<16xi32>
          %reshape3A = vector.shape_cast %all_reduce_ffs3A : vector<16xi32> to vector<16x1xi32>
          %gather3A_171 = vector.shape_cast %reshape3A : vector<16x1xi32> to vector<16xi32>
          %gather3A_172 = tpu.dynamic_gather %get3A_159[%gather3A_171] in [0] : vector<16xi32>, vector<16xi32> -> vector<16xi32>
          %sub3A_173 = arith.constant 999872 : i32
          %sub3A_174 = vector.broadcast %sub3A_173 : i32 to vector<16xi32>
          %sub3A_175 = arith.subi %gather3A_172, %sub3A_174 : vector<16xi32>
          %jit3A_176 = arith.constant -2147483648 : i32
          %broadcast_in_dim3A_177 = vector.broadcast %jit3A_176 : i32 to vector<16xi32>
          %select_n3A_178 = arith.select %eq3A_170, %get3A_161, %broadcast_in_dim3A_177 : vector<16xi1>, vector<16xi32>
          %reduce_max3A = arith.constant true
          %reduce_max3A_179 = vector.broadcast %reduce_max3A : i1 to vector<16xi1>
          %reduce_max3A_180 = arith.constant -2147483648 : i32
          %reduce_max3A_181 = vector.broadcast %reduce_max3A_180 : i32 to vector<16xi32>
          %reduce_max3A_182 = arith.xori %select_n3A_178, %reduce_max3A_181 : vector<16xi32>
          %reduce_max3A_183 = tpu.scan <max>, %reduce_max3A_182 masked %reduce_max3A_179 : vector<16xi32>, vector<16xi1> -> vector<16xi32>
          %reduce_max3A_184 = arith.xori %reduce_max3A_183, %reduce_max3A_181 : vector<16xi32>
          %reduce_max3A_185 = vector.extract %reduce_max3A_184[15] : i32 from vector<16xi32>
          %get3A_186 = arith.constant 0 : i32
          %get3A_187 = arith.index_cast %get3A_186 : i32 to index
          %get3A_188 = memref.load %arg13[%get3A_187] : memref<4xi32, #tpu.memory_space<smem>>
          %rem3A_189 = arith.constant 8 : i32
          %rem3A_190 = arith.remsi %get3A_188, %rem3A_189 : i32
          %ge3A = arith.constant 8 : i32
          %ge3A_191 = arith.cmpi sge, %get3A_188, %ge3A : i32
          %convert_element_type3A_192 = arith.extui %ge3A_191 : i1 to i32
          %cond3A_193 = arith.constant 0 : i32
          %cond3A_194 = arith.cmpi ne, %convert_element_type3A_192, %cond3A_193 : i32
          scf.if %cond3A_194 {
            %dma_wait3A = arith.constant 0 : i32
            %dma_wait3A_261 = tpu.memref_slice %arg12[%dma_wait3A] : memref<512xf32, #tpu.memory_space<vmem>> -> memref<64xf32, #tpu.memory_space<vmem>>
            %dma_wait3A_262 = arith.constant 0 : i32
            %dma_wait3A_263 = tpu.memref_slice %arg6[%dma_wait3A_262] : memref<2097152xf32, #tpu.memory_space<hbm>> -> memref<64xf32, #tpu.memory_space<hbm>>
            %dma_wait3A_264 = tpu.memref_slice %arg15[%rem3A_190] : memref<8x!tpu.dma_semaphore, #tpu.memory_space<semaphore_mem>> -> memref<1x!tpu.dma_semaphore, #tpu.memory_space<semaphore_mem>>
            %dma_wait3A_265 = tpu.memref_squeeze %dma_wait3A_264 : memref<1x!tpu.dma_semaphore, #tpu.memory_space<semaphore_mem>> -> memref<!tpu.dma_semaphore, #tpu.memory_space<semaphore_mem>>
            %dma_wait3A_266 = arith.constant 0 : i32
            %dma_wait3A_267 = tpu.memref_slice %arg12[%dma_wait3A_266] : memref<512xf32, #tpu.memory_space<vmem>> -> memref<64xf32, #tpu.memory_space<vmem>>
            %dma_wait3A_268 = arith.constant 0 : i32
            %dma_wait3A_269 = tpu.memref_slice %arg6[%dma_wait3A_268] : memref<2097152xf32, #tpu.memory_space<hbm>> -> memref<64xf32, #tpu.memory_space<hbm>>
            tpu.wait_dma2 semaphore(%dma_wait3A_265 : memref<!tpu.dma_semaphore, #tpu.memory_space<semaphore_mem>>) src(%dma_wait3A_269 : memref<64xf32, #tpu.memory_space<hbm>>) dst(%dma_wait3A_267 : memref<64xf32, #tpu.memory_space<vmem>>)
          } else {
          }
          %gather3A_195 = arith.constant 0 : i32
          %gather3A_196 = arith.constant 0 : i32
          %gather3A_197 = arith.constant 0 : i32
          %gather3A_198 = tpu.memref_slice %arg11[%gather3A_195, %gather3A_196, %gather3A_197] : memref<2x64x512xf32, #tpu.memory_space<vmem>> -> memref<1x64x512xf32, #tpu.memory_space<vmem>>
          %gather3A_199 = tpu.memref_squeeze %gather3A_198 : memref<1x64x512xf32, #tpu.memory_space<vmem>> -> memref<64x512xf32, #tpu.memory_space<vmem>>
          %gather3A_200 = tpu.vector_load_idx %gather3A_199[%add3A_111, %sub3A_175] : memref<64x512xf32, #tpu.memory_space<vmem>>[vector<16xi32>, vector<16xi32>], vector<16xf32>,
          %mul3A_201 = arith.constant 64 : i32
          %mul3A_202 = arith.muli %rem3A_190, %mul3A_201 : i32
          %add3A_203 = arith.constant 0 : i32
          %add3A_204 = arith.addi %mul3A_202, %add3A_203 : i32
          %swap3A_205 = arith.index_cast %add3A_204 : i32 to index
          %swap3A_206 = tpu.vector_load %arg12[%swap3A_205] {strides = array<i32>} : memref<512xf32, #tpu.memory_space<vmem>>, vector<16xf32>,
          tpu.vector_store %arg12[%swap3A_205], %gather3A_200 {strides = array<i32>} : memref<512xf32, #tpu.memory_space<vmem>>, vector<16xf32>,
          %gather3A_207 = arith.constant 0 : i32
          %gather3A_208 = arith.constant 0 : i32
          %gather3A_209 = arith.constant 0 : i32
          %gather3A_210 = tpu.memref_slice %arg11[%gather3A_207, %gather3A_208, %gather3A_209] : memref<2x64x512xf32, #tpu.memory_space<vmem>> -> memref<1x64x512xf32, #tpu.memory_space<vmem>>
          %gather3A_211 = tpu.memref_squeeze %gather3A_210 : memref<1x64x512xf32, #tpu.memory_space<vmem>> -> memref<64x512xf32, #tpu.memory_space<vmem>>
          %gather3A_212 = tpu.vector_load_idx %gather3A_211[%add3A_114, %sub3A_175] : memref<64x512xf32, #tpu.memory_space<vmem>>[vector<16xi32>, vector<16xi32>], vector<16xf32>,
          %mul3A_213 = arith.constant 64 : i32
          %mul3A_214 = arith.muli %rem3A_190, %mul3A_213 : i32
          %add3A_215 = arith.constant 16 : i32
          %add3A_216 = arith.addi %mul3A_214, %add3A_215 : i32
          %swap3A_217 = arith.index_cast %add3A_216 : i32 to index
          %swap3A_218 = tpu.vector_load %arg12[%swap3A_217] {strides = array<i32>} : memref<512xf32, #tpu.memory_space<vmem>>, vector<16xf32>,
          tpu.vector_store %arg12[%swap3A_217], %gather3A_212 {strides = array<i32>} : memref<512xf32, #tpu.memory_space<vmem>>, vector<16xf32>,
          %gather3A_219 = arith.constant 0 : i32
          %gather3A_220 = arith.constant 0 : i32
          %gather3A_221 = arith.constant 0 : i32
          %gather3A_222 = tpu.memref_slice %arg11[%gather3A_219, %gather3A_220, %gather3A_221] : memref<2x64x512xf32, #tpu.memory_space<vmem>> -> memref<1x64x512xf32, #tpu.memory_space<vmem>>
          %gather3A_223 = tpu.memref_squeeze %gather3A_222 : memref<1x64x512xf32, #tpu.memory_space<vmem>> -> memref<64x512xf32, #tpu.memory_space<vmem>>
          %gather3A_224 = tpu.vector_load_idx %gather3A_223[%add3A_117, %sub3A_175] : memref<64x512xf32, #tpu.memory_space<vmem>>[vector<16xi32>, vector<16xi32>], vector<16xf32>,
          %mul3A_225 = arith.constant 64 : i32
          %mul3A_226 = arith.muli %rem3A_190, %mul3A_225 : i32
          %add3A_227 = arith.constant 32 : i32
          %add3A_228 = arith.addi %mul3A_226, %add3A_227 : i32
          %swap3A_229 = arith.index_cast %add3A_228 : i32 to index
          %swap3A_230 = tpu.vector_load %arg12[%swap3A_229] {strides = array<i32>} : memref<512xf32, #tpu.memory_space<vmem>>, vector<16xf32>,
          tpu.vector_store %arg12[%swap3A_229], %gather3A_224 {strides = array<i32>} : memref<512xf32, #tpu.memory_space<vmem>>, vector<16xf32>,
          %gather3A_231 = arith.constant 0 : i32
          %gather3A_232 = arith.constant 0 : i32
          %gather3A_233 = arith.constant 0 : i32
          %gather3A_234 = tpu.memref_slice %arg11[%gather3A_231, %gather3A_232, %gather3A_233] : memref<2x64x512xf32, #tpu.memory_space<vmem>> -> memref<1x64x512xf32, #tpu.memory_space<vmem>>
          %gather3A_235 = tpu.memref_squeeze %gather3A_234 : memref<1x64x512xf32, #tpu.memory_space<vmem>> -> memref<64x512xf32, #tpu.memory_space<vmem>>
          %gather3A_236 = tpu.vector_load_idx %gather3A_235[%add3A_120, %sub3A_175] : memref<64x512xf32, #tpu.memory_space<vmem>>[vector<16xi32>, vector<16xi32>], vector<16xf32>,
          %mul3A_237 = arith.constant 64 : i32
          %mul3A_238 = arith.muli %rem3A_190, %mul3A_237 : i32
          %add3A_239 = arith.constant 48 : i32
          %add3A_240 = arith.addi %mul3A_238, %add3A_239 : i32
          %swap3A_241 = arith.index_cast %add3A_240 : i32 to index
          %swap3A_242 = tpu.vector_load %arg12[%swap3A_241] {strides = array<i32>} : memref<512xf32, #tpu.memory_space<vmem>>, vector<16xf32>,
          tpu.vector_store %arg12[%swap3A_241], %gather3A_236 {strides = array<i32>} : memref<512xf32, #tpu.memory_space<vmem>>, vector<16xf32>,
          %mul3A_243 = arith.constant 64 : i32
          %mul3A_244 = arith.muli %rem3A_190, %mul3A_243 : i32
          %mul3A_245 = arith.constant 64 : i32
          %mul3A_246 = arith.muli %reduce_max3A_185, %mul3A_245 : i32
          %dma_start3A_247 = tpu.memref_slice %arg12[%mul3A_244] : memref<512xf32, #tpu.memory_space<vmem>> -> memref<64xf32, #tpu.memory_space<vmem>>
          %dma_start3A_248 = tpu.memref_slice %arg6[%mul3A_246] : memref<2097152xf32, #tpu.memory_space<hbm>> -> memref<64xf32, #tpu.memory_space<hbm>>
          %dma_start3A_249 = tpu.memref_slice %arg15[%rem3A_190] : memref<8x!tpu.dma_semaphore, #tpu.memory_space<semaphore_mem>> -> memref<1x!tpu.dma_semaphore, #tpu.memory_space<semaphore_mem>>
          %dma_start3A_250 = tpu.memref_squeeze %dma_start3A_249 : memref<1x!tpu.dma_semaphore, #tpu.memory_space<semaphore_mem>> -> memref<!tpu.dma_semaphore, #tpu.memory_space<semaphore_mem>>
          %dma_start3A_251 = tpu.memref_slice %arg6[%mul3A_246] : memref<2097152xf32, #tpu.memory_space<hbm>> -> memref<64xf32, #tpu.memory_space<hbm>>
          %dma_start3A_252 = tpu.memref_slice %arg12[%mul3A_244] : memref<512xf32, #tpu.memory_space<vmem>> -> memref<64xf32, #tpu.memory_space<vmem>>
          tpu.enqueue_dma source(%dma_start3A_252 : memref<64xf32, #tpu.memory_space<vmem>>) target(%dma_start3A_251 : memref<64xf32, #tpu.memory_space<hbm>>) target_semaphore(%dma_start3A_250 : memref<!tpu.dma_semaphore, #tpu.memory_space<semaphore_mem>>)
          %add3A_253 = arith.constant 1 : i32
          %add3A_254 = arith.addi %get3A_188, %add3A_253 : i32
          %swap3A_255 = arith.constant 0 : i32
          %swap3A_256 = arith.index_cast %swap3A_255 : i32 to index
          %swap3A_257 = memref.load %arg13[%swap3A_256] : memref<4xi32, #tpu.memory_space<smem>>
          memref.store %add3A_254, %arg13[%swap3A_256] : memref<4xi32, #tpu.memory_space<smem>>
          %not3A = arith.constant dense<true> : vector<16xi1>
          %not3A_258 = arith.xori %eq3A_170, %not3A : vector<16xi1>
          %and3A_259 = arith.andi %while3A_168, %not3A_258 : vector<16xi1>
          %while3A_260 = arith.constant 0 : i32
          scf.yield %and3A_259, %while3A_260 : vector<16xi1>, i32
        }
      }
      %scan3A_151 = arith.constant 6 : i32
    } else {
    }
    %get3A = arith.constant 0 : i32
    %get3A_134 = arith.index_cast %get3A : i32 to index
    %get3A_135 = memref.load %arg13[%get3A_134] : memref<4xi32, #tpu.memory_space<smem>>
    %scan3A_136 = arith.constant 0 : i32
    %scan3A_137 = arith.constant 0 : i32
    %scan3A_138 = arith.constant 8 : i32
    %scan3A_139 = arith.addi %scan3A_137, %scan3A_138 : i32
    %scan3A_140 = arith.constant 1 : i32
    scf.for %scan3A_142 = %scan3A_137 to %scan3A_139 step %scan3A_140  : i32 {
      %lt3A = arith.cmpi slt, %scan3A_142, %get3A_135 : i32
      %convert_element_type3A_143 = arith.extui %lt3A : i1 to i32
      %cond3A_144 = arith.constant 0 : i32
      %cond3A_145 = arith.cmpi ne, %convert_element_type3A_143, %cond3A_144 : i32
      scf.if %cond3A_145 {
        %rem3A_146 = arith.constant 8 : i32
        %rem3A_147 = arith.remsi %scan3A_142, %rem3A_146 : i32
        %dma_wait3A = arith.constant 0 : i32
        %dma_wait3A_148 = tpu.memref_slice %arg12[%dma_wait3A] : memref<512xf32, #tpu.memory_space<vmem>> -> memref<64xf32, #tpu.memory_space<vmem>>
        %dma_wait3A_149 = arith.constant 0 : i32
        %dma_wait3A_150 = tpu.memref_slice %arg6[%dma_wait3A_149] : memref<2097152xf32, #tpu.memory_space<hbm>> -> memref<64xf32, #tpu.memory_space<hbm>>
        %dma_wait3A_151 = tpu.memref_slice %arg15[%rem3A_147] : memref<8x!tpu.dma_semaphore, #tpu.memory_space<semaphore_mem>> -> memref<1x!tpu.dma_semaphore, #tpu.memory_space<semaphore_mem>>
        %dma_wait3A_152 = tpu.memref_squeeze %dma_wait3A_151 : memref<1x!tpu.dma_semaphore, #tpu.memory_space<semaphore_mem>> -> memref<!tpu.dma_semaphore, #tpu.memory_space<semaphore_mem>>
        %dma_wait3A_153 = arith.constant 0 : i32
        %dma_wait3A_154 = tpu.memref_slice %arg12[%dma_wait3A_153] : memref<512xf32, #tpu.memory_space<vmem>> -> memref<64xf32, #tpu.memory_space<vmem>>
        %dma_wait3A_155 = arith.constant 0 : i32
        %dma_wait3A_156 = tpu.memref_slice %arg6[%dma_wait3A_155] : memref<2097152xf32, #tpu.memory_space<hbm>> -> memref<64xf32, #tpu.memory_space<hbm>>
        tpu.wait_dma2 semaphore(%dma_wait3A_152 : memref<!tpu.dma_semaphore, #tpu.memory_space<semaphore_mem>>) src(%dma_wait3A_156 : memref<64xf32, #tpu.memory_space<hbm>>) dst(%dma_wait3A_154 : memref<64xf32, #tpu.memory_space<vmem>>)
      } else {
      }
    }
    %scan3A_141 = arith.constant 8 : i32
    return
  }
}

#map = affine_map<(d0, d1) -> (0, 0)>
#map1 = affine_map<(d0, d1) -> (0)>
module attributes {stable_mosaic.version = 14 : i64} {
  func.func @_sc_dot(%arg0: i32, %arg1: i32, %arg2: memref<32768x64xf32, #tpu.memory_space<hbm>>, %arg3: memref<16384xf32, #tpu.memory_space<hbm>>, %arg4: memref<512x64xf32, #tpu.memory_space<vmem>>, %arg5: memref<512x64xf32, #tpu.memory_space<vmem>>, %arg6: memref<512xf32, #tpu.memory_space<vmem>>, %arg7: memref<!tpu.dma_semaphore, #tpu.memory_space<semaphore_mem>>) attributes {dimension_semantics = [#tpu.dimension_semantics<core_parallel>, #tpu.dimension_semantics<subcore_parallel>], iteration_bounds = array<i64: 2, 16>, scalar_prefetch = 0 : i64, scratch_operands = 4 : i64, tpu.core_type = #tpu.core_type<sc_vector_subcore>, window_params = [{transform_indices = #map}, {transform_indices = #map1}]} {
    %mul3A = arith.constant 2 : i32
    %mul3A_0 = arith.muli %arg1, %mul3A : i32
    %add3A = arith.addi %mul3A_0, %arg0 : i32
    %mul3A_1 = arith.constant 512 : i32
    %mul3A_2 = arith.muli %add3A, %mul3A_1 : i32
    %dma_start3A = arith.constant 0 : i32
    %dma_start3A_3 = tpu.memref_slice %arg2[%mul3A_2, %dma_start3A] : memref<32768x64xf32, #tpu.memory_space<hbm>> -> memref<512x64xf32, #tpu.memory_space<hbm>>
    %dma_start3A_4 = arith.constant 0 : i32
    %dma_start3A_5 = tpu.memref_slice %arg2[%mul3A_2, %dma_start3A_4] : memref<32768x64xf32, #tpu.memory_space<hbm>> -> memref<512x64xf32, #tpu.memory_space<hbm>>
    tpu.enqueue_dma source(%dma_start3A_5 : memref<512x64xf32, #tpu.memory_space<hbm>>) target(%arg4 : memref<512x64xf32, #tpu.memory_space<vmem>>) target_semaphore(%arg7 : memref<!tpu.dma_semaphore, #tpu.memory_space<semaphore_mem>>)
    %add3A_6 = arith.constant 16384 : i32
    %add3A_7 = arith.addi %add3A_6, %mul3A_2 : i32
    %dma_start3A_8 = arith.constant 0 : i32
    %dma_start3A_9 = tpu.memref_slice %arg2[%add3A_7, %dma_start3A_8] : memref<32768x64xf32, #tpu.memory_space<hbm>> -> memref<512x64xf32, #tpu.memory_space<hbm>>
    %dma_start3A_10 = arith.constant 0 : i32
    %dma_start3A_11 = tpu.memref_slice %arg2[%add3A_7, %dma_start3A_10] : memref<32768x64xf32, #tpu.memory_space<hbm>> -> memref<512x64xf32, #tpu.memory_space<hbm>>
    tpu.enqueue_dma source(%dma_start3A_11 : memref<512x64xf32, #tpu.memory_space<hbm>>) target(%arg5 : memref<512x64xf32, #tpu.memory_space<vmem>>) target_semaphore(%arg7 : memref<!tpu.dma_semaphore, #tpu.memory_space<semaphore_mem>>)
    %dma_wait3A = arith.constant 0 : i32
    %dma_wait3A_12 = tpu.memref_slice %arg2[%mul3A_2, %dma_wait3A] : memref<32768x64xf32, #tpu.memory_space<hbm>> -> memref<512x64xf32, #tpu.memory_space<hbm>>
    %dma_wait3A_13 = arith.constant 0 : i32
    %dma_wait3A_14 = tpu.memref_slice %arg2[%mul3A_2, %dma_wait3A_13] : memref<32768x64xf32, #tpu.memory_space<hbm>> -> memref<512x64xf32, #tpu.memory_space<hbm>>
    tpu.wait_dma2 semaphore(%arg7 : memref<!tpu.dma_semaphore, #tpu.memory_space<semaphore_mem>>) src(%dma_wait3A_14 : memref<512x64xf32, #tpu.memory_space<hbm>>) dst(%arg4 : memref<512x64xf32, #tpu.memory_space<vmem>>)
    %dma_wait3A_15 = arith.constant 0 : i32
    %dma_wait3A_16 = tpu.memref_slice %arg2[%add3A_7, %dma_wait3A_15] : memref<32768x64xf32, #tpu.memory_space<hbm>> -> memref<512x64xf32, #tpu.memory_space<hbm>>
    %dma_wait3A_17 = arith.constant 0 : i32
    %dma_wait3A_18 = tpu.memref_slice %arg2[%add3A_7, %dma_wait3A_17] : memref<32768x64xf32, #tpu.memory_space<hbm>> -> memref<512x64xf32, #tpu.memory_space<hbm>>
    tpu.wait_dma2 semaphore(%arg7 : memref<!tpu.dma_semaphore, #tpu.memory_space<semaphore_mem>>) src(%dma_wait3A_18 : memref<512x64xf32, #tpu.memory_space<hbm>>) dst(%arg5 : memref<512x64xf32, #tpu.memory_space<vmem>>)
    %iota3A = tpu.iota {dimensions = array<i32: 0>} : vector<16xi32>
    %scan3A = arith.constant 0 : i32
    %scan3A_19 = arith.constant 0 : i32
    %scan3A_20 = arith.constant 32 : i32
    %scan3A_21 = arith.addi %scan3A_19, %scan3A_20 : i32
    %scan3A_22 = arith.constant 1 : i32
    scf.for %scan3A_24 = %scan3A_19 to %scan3A_21 step %scan3A_22  : i32 {
      %mul3A_25 = arith.constant 16 : i32
      %mul3A_26 = arith.muli %scan3A_24, %mul3A_25 : i32
      %add3A_27 = vector.broadcast %mul3A_26 : i32 to vector<16xi32>
      %add3A_28 = arith.addi %add3A_27, %iota3A : vector<16xi32>
      %broadcast_in_dim3A = arith.constant 0.000000e+00 : f32
      %broadcast_in_dim3A_29 = vector.broadcast %broadcast_in_dim3A : f32 to vector<16xf32>
      %broadcast_in_dim3A_30 = arith.constant 0 : i32
      %broadcast_in_dim3A_31 = vector.broadcast %broadcast_in_dim3A_30 : i32 to vector<16xi32>
      %gather3A = tpu.vector_load_idx %arg4[%add3A_28, %broadcast_in_dim3A_31] : memref<512x64xf32, #tpu.memory_space<vmem>>[vector<16xi32>, vector<16xi32>], vector<16xf32>,
      %gather3A_32 = tpu.vector_load_idx %arg5[%add3A_28, %broadcast_in_dim3A_31] : memref<512x64xf32, #tpu.memory_space<vmem>>[vector<16xi32>, vector<16xi32>], vector<16xf32>,
      %mul3A_33 = arith.mulf %gather3A, %gather3A_32 : vector<16xf32>
      %add3A_34 = arith.addf %broadcast_in_dim3A_29, %mul3A_33 : vector<16xf32>
      %add3A_35 = arith.constant 1 : i32
      %add3A_36 = vector.broadcast %add3A_35 : i32 to vector<16xi32>
      %add3A_37 = arith.addi %broadcast_in_dim3A_31, %add3A_36 : vector<16xi32>
      %gather3A_38 = tpu.vector_load_idx %arg4[%add3A_28, %add3A_37] : memref<512x64xf32, #tpu.memory_space<vmem>>[vector<16xi32>, vector<16xi32>], vector<16xf32>,
      %gather3A_39 = tpu.vector_load_idx %arg5[%add3A_28, %add3A_37] : memref<512x64xf32, #tpu.memory_space<vmem>>[vector<16xi32>, vector<16xi32>], vector<16xf32>,
      %mul3A_40 = arith.mulf %gather3A_38, %gather3A_39 : vector<16xf32>
      %add3A_41 = arith.addf %add3A_34, %mul3A_40 : vector<16xf32>
      %add3A_42 = arith.constant 1 : i32
      %add3A_43 = vector.broadcast %add3A_42 : i32 to vector<16xi32>
      %add3A_44 = arith.addi %add3A_37, %add3A_43 : vector<16xi32>
      %gather3A_45 = tpu.vector_load_idx %arg4[%add3A_28, %add3A_44] : memref<512x64xf32, #tpu.memory_space<vmem>>[vector<16xi32>, vector<16xi32>], vector<16xf32>,
      %gather3A_46 = tpu.vector_load_idx %arg5[%add3A_28, %add3A_44] : memref<512x64xf32, #tpu.memory_space<vmem>>[vector<16xi32>, vector<16xi32>], vector<16xf32>,
      %mul3A_47 = arith.mulf %gather3A_45, %gather3A_46 : vector<16xf32>
      %add3A_48 = arith.addf %add3A_41, %mul3A_47 : vector<16xf32>
      %add3A_49 = arith.constant 1 : i32
      %add3A_50 = vector.broadcast %add3A_49 : i32 to vector<16xi32>
      %add3A_51 = arith.addi %add3A_44, %add3A_50 : vector<16xi32>
      %gather3A_52 = tpu.vector_load_idx %arg4[%add3A_28, %add3A_51] : memref<512x64xf32, #tpu.memory_space<vmem>>[vector<16xi32>, vector<16xi32>], vector<16xf32>,
      %gather3A_53 = tpu.vector_load_idx %arg5[%add3A_28, %add3A_51] : memref<512x64xf32, #tpu.memory_space<vmem>>[vector<16xi32>, vector<16xi32>], vector<16xf32>,
      %mul3A_54 = arith.mulf %gather3A_52, %gather3A_53 : vector<16xf32>
      %add3A_55 = arith.addf %add3A_48, %mul3A_54 : vector<16xf32>
      %add3A_56 = arith.constant 1 : i32
      %add3A_57 = vector.broadcast %add3A_56 : i32 to vector<16xi32>
      %add3A_58 = arith.addi %add3A_51, %add3A_57 : vector<16xi32>
      %gather3A_59 = tpu.vector_load_idx %arg4[%add3A_28, %add3A_58] : memref<512x64xf32, #tpu.memory_space<vmem>>[vector<16xi32>, vector<16xi32>], vector<16xf32>,
      %gather3A_60 = tpu.vector_load_idx %arg5[%add3A_28, %add3A_58] : memref<512x64xf32, #tpu.memory_space<vmem>>[vector<16xi32>, vector<16xi32>], vector<16xf32>,
      %mul3A_61 = arith.mulf %gather3A_59, %gather3A_60 : vector<16xf32>
      %add3A_62 = arith.addf %add3A_55, %mul3A_61 : vector<16xf32>
      %add3A_63 = arith.constant 1 : i32
      %add3A_64 = vector.broadcast %add3A_63 : i32 to vector<16xi32>
      %add3A_65 = arith.addi %add3A_58, %add3A_64 : vector<16xi32>
      %gather3A_66 = tpu.vector_load_idx %arg4[%add3A_28, %add3A_65] : memref<512x64xf32, #tpu.memory_space<vmem>>[vector<16xi32>, vector<16xi32>], vector<16xf32>,
      %gather3A_67 = tpu.vector_load_idx %arg5[%add3A_28, %add3A_65] : memref<512x64xf32, #tpu.memory_space<vmem>>[vector<16xi32>, vector<16xi32>], vector<16xf32>,
      %mul3A_68 = arith.mulf %gather3A_66, %gather3A_67 : vector<16xf32>
      %add3A_69 = arith.addf %add3A_62, %mul3A_68 : vector<16xf32>
      %add3A_70 = arith.constant 1 : i32
      %add3A_71 = vector.broadcast %add3A_70 : i32 to vector<16xi32>
      %add3A_72 = arith.addi %add3A_65, %add3A_71 : vector<16xi32>
      %gather3A_73 = tpu.vector_load_idx %arg4[%add3A_28, %add3A_72] : memref<512x64xf32, #tpu.memory_space<vmem>>[vector<16xi32>, vector<16xi32>], vector<16xf32>,
      %gather3A_74 = tpu.vector_load_idx %arg5[%add3A_28, %add3A_72] : memref<512x64xf32, #tpu.memory_space<vmem>>[vector<16xi32>, vector<16xi32>], vector<16xf32>,
      %mul3A_75 = arith.mulf %gather3A_73, %gather3A_74 : vector<16xf32>
      %add3A_76 = arith.addf %add3A_69, %mul3A_75 : vector<16xf32>
      %add3A_77 = arith.constant 1 : i32
      %add3A_78 = vector.broadcast %add3A_77 : i32 to vector<16xi32>
      %add3A_79 = arith.addi %add3A_72, %add3A_78 : vector<16xi32>
      %gather3A_80 = tpu.vector_load_idx %arg4[%add3A_28, %add3A_79] : memref<512x64xf32, #tpu.memory_space<vmem>>[vector<16xi32>, vector<16xi32>], vector<16xf32>,
      %gather3A_81 = tpu.vector_load_idx %arg5[%add3A_28, %add3A_79] : memref<512x64xf32, #tpu.memory_space<vmem>>[vector<16xi32>, vector<16xi32>], vector<16xf32>,
      %mul3A_82 = arith.mulf %gather3A_80, %gather3A_81 : vector<16xf32>
      %add3A_83 = arith.addf %add3A_76, %mul3A_82 : vector<16xf32>
      %add3A_84 = arith.constant 1 : i32
      %add3A_85 = vector.broadcast %add3A_84 : i32 to vector<16xi32>
      %add3A_86 = arith.addi %add3A_79, %add3A_85 : vector<16xi32>
      %gather3A_87 = tpu.vector_load_idx %arg4[%add3A_28, %add3A_86] : memref<512x64xf32, #tpu.memory_space<vmem>>[vector<16xi32>, vector<16xi32>], vector<16xf32>,
      %gather3A_88 = tpu.vector_load_idx %arg5[%add3A_28, %add3A_86] : memref<512x64xf32, #tpu.memory_space<vmem>>[vector<16xi32>, vector<16xi32>], vector<16xf32>,
      %mul3A_89 = arith.mulf %gather3A_87, %gather3A_88 : vector<16xf32>
      %add3A_90 = arith.addf %add3A_83, %mul3A_89 : vector<16xf32>
      %add3A_91 = arith.constant 1 : i32
      %add3A_92 = vector.broadcast %add3A_91 : i32 to vector<16xi32>
      %add3A_93 = arith.addi %add3A_86, %add3A_92 : vector<16xi32>
      %gather3A_94 = tpu.vector_load_idx %arg4[%add3A_28, %add3A_93] : memref<512x64xf32, #tpu.memory_space<vmem>>[vector<16xi32>, vector<16xi32>], vector<16xf32>,
      %gather3A_95 = tpu.vector_load_idx %arg5[%add3A_28, %add3A_93] : memref<512x64xf32, #tpu.memory_space<vmem>>[vector<16xi32>, vector<16xi32>], vector<16xf32>,
      %mul3A_96 = arith.mulf %gather3A_94, %gather3A_95 : vector<16xf32>
      %add3A_97 = arith.addf %add3A_90, %mul3A_96 : vector<16xf32>
      %add3A_98 = arith.constant 1 : i32
      %add3A_99 = vector.broadcast %add3A_98 : i32 to vector<16xi32>
      %add3A_100 = arith.addi %add3A_93, %add3A_99 : vector<16xi32>
      %gather3A_101 = tpu.vector_load_idx %arg4[%add3A_28, %add3A_100] : memref<512x64xf32, #tpu.memory_space<vmem>>[vector<16xi32>, vector<16xi32>], vector<16xf32>,
      %gather3A_102 = tpu.vector_load_idx %arg5[%add3A_28, %add3A_100] : memref<512x64xf32, #tpu.memory_space<vmem>>[vector<16xi32>, vector<16xi32>], vector<16xf32>,
      %mul3A_103 = arith.mulf %gather3A_101, %gather3A_102 : vector<16xf32>
      %add3A_104 = arith.addf %add3A_97, %mul3A_103 : vector<16xf32>
      %add3A_105 = arith.constant 1 : i32
      %add3A_106 = vector.broadcast %add3A_105 : i32 to vector<16xi32>
      %add3A_107 = arith.addi %add3A_100, %add3A_106 : vector<16xi32>
      %gather3A_108 = tpu.vector_load_idx %arg4[%add3A_28, %add3A_107] : memref<512x64xf32, #tpu.memory_space<vmem>>[vector<16xi32>, vector<16xi32>], vector<16xf32>,
      %gather3A_109 = tpu.vector_load_idx %arg5[%add3A_28, %add3A_107] : memref<512x64xf32, #tpu.memory_space<vmem>>[vector<16xi32>, vector<16xi32>], vector<16xf32>,
      %mul3A_110 = arith.mulf %gather3A_108, %gather3A_109 : vector<16xf32>
      %add3A_111 = arith.addf %add3A_104, %mul3A_110 : vector<16xf32>
      %add3A_112 = arith.constant 1 : i32
      %add3A_113 = vector.broadcast %add3A_112 : i32 to vector<16xi32>
      %add3A_114 = arith.addi %add3A_107, %add3A_113 : vector<16xi32>
      %gather3A_115 = tpu.vector_load_idx %arg4[%add3A_28, %add3A_114] : memref<512x64xf32, #tpu.memory_space<vmem>>[vector<16xi32>, vector<16xi32>], vector<16xf32>,
      %gather3A_116 = tpu.vector_load_idx %arg5[%add3A_28, %add3A_114] : memref<512x64xf32, #tpu.memory_space<vmem>>[vector<16xi32>, vector<16xi32>], vector<16xf32>,
      %mul3A_117 = arith.mulf %gather3A_115, %gather3A_116 : vector<16xf32>
      %add3A_118 = arith.addf %add3A_111, %mul3A_117 : vector<16xf32>
      %add3A_119 = arith.constant 1 : i32
      %add3A_120 = vector.broadcast %add3A_119 : i32 to vector<16xi32>
      %add3A_121 = arith.addi %add3A_114, %add3A_120 : vector<16xi32>
      %gather3A_122 = tpu.vector_load_idx %arg4[%add3A_28, %add3A_121] : memref<512x64xf32, #tpu.memory_space<vmem>>[vector<16xi32>, vector<16xi32>], vector<16xf32>,
      %gather3A_123 = tpu.vector_load_idx %arg5[%add3A_28, %add3A_121] : memref<512x64xf32, #tpu.memory_space<vmem>>[vector<16xi32>, vector<16xi32>], vector<16xf32>,
      %mul3A_124 = arith.mulf %gather3A_122, %gather3A_123 : vector<16xf32>
      %add3A_125 = arith.addf %add3A_118, %mul3A_124 : vector<16xf32>
      %add3A_126 = arith.constant 1 : i32
      %add3A_127 = vector.broadcast %add3A_126 : i32 to vector<16xi32>
      %add3A_128 = arith.addi %add3A_121, %add3A_127 : vector<16xi32>
      %gather3A_129 = tpu.vector_load_idx %arg4[%add3A_28, %add3A_128] : memref<512x64xf32, #tpu.memory_space<vmem>>[vector<16xi32>, vector<16xi32>], vector<16xf32>,
      %gather3A_130 = tpu.vector_load_idx %arg5[%add3A_28, %add3A_128] : memref<512x64xf32, #tpu.memory_space<vmem>>[vector<16xi32>, vector<16xi32>], vector<16xf32>,
      %mul3A_131 = arith.mulf %gather3A_129, %gather3A_130 : vector<16xf32>
      %add3A_132 = arith.addf %add3A_125, %mul3A_131 : vector<16xf32>
      %add3A_133 = arith.constant 1 : i32
      %add3A_134 = vector.broadcast %add3A_133 : i32 to vector<16xi32>
      %add3A_135 = arith.addi %add3A_128, %add3A_134 : vector<16xi32>
      %gather3A_136 = tpu.vector_load_idx %arg4[%add3A_28, %add3A_135] : memref<512x64xf32, #tpu.memory_space<vmem>>[vector<16xi32>, vector<16xi32>], vector<16xf32>,
      %gather3A_137 = tpu.vector_load_idx %arg5[%add3A_28, %add3A_135] : memref<512x64xf32, #tpu.memory_space<vmem>>[vector<16xi32>, vector<16xi32>], vector<16xf32>,
      %mul3A_138 = arith.mulf %gather3A_136, %gather3A_137 : vector<16xf32>
      %add3A_139 = arith.addf %add3A_132, %mul3A_138 : vector<16xf32>
      %add3A_140 = arith.constant 1 : i32
      %add3A_141 = vector.broadcast %add3A_140 : i32 to vector<16xi32>
      %add3A_142 = arith.addi %add3A_135, %add3A_141 : vector<16xi32>
      %gather3A_143 = tpu.vector_load_idx %arg4[%add3A_28, %add3A_142] : memref<512x64xf32, #tpu.memory_space<vmem>>[vector<16xi32>, vector<16xi32>], vector<16xf32>,
      %gather3A_144 = tpu.vector_load_idx %arg5[%add3A_28, %add3A_142] : memref<512x64xf32, #tpu.memory_space<vmem>>[vector<16xi32>, vector<16xi32>], vector<16xf32>,
      %mul3A_145 = arith.mulf %gather3A_143, %gather3A_144 : vector<16xf32>
      %add3A_146 = arith.addf %add3A_139, %mul3A_145 : vector<16xf32>
      %add3A_147 = arith.constant 1 : i32
      %add3A_148 = vector.broadcast %add3A_147 : i32 to vector<16xi32>
      %add3A_149 = arith.addi %add3A_142, %add3A_148 : vector<16xi32>
      %gather3A_150 = tpu.vector_load_idx %arg4[%add3A_28, %add3A_149] : memref<512x64xf32, #tpu.memory_space<vmem>>[vector<16xi32>, vector<16xi32>], vector<16xf32>,
      %gather3A_151 = tpu.vector_load_idx %arg5[%add3A_28, %add3A_149] : memref<512x64xf32, #tpu.memory_space<vmem>>[vector<16xi32>, vector<16xi32>], vector<16xf32>,
      %mul3A_152 = arith.mulf %gather3A_150, %gather3A_151 : vector<16xf32>
      %add3A_153 = arith.addf %add3A_146, %mul3A_152 : vector<16xf32>
      %add3A_154 = arith.constant 1 : i32
      %add3A_155 = vector.broadcast %add3A_154 : i32 to vector<16xi32>
      %add3A_156 = arith.addi %add3A_149, %add3A_155 : vector<16xi32>
      %gather3A_157 = tpu.vector_load_idx %arg4[%add3A_28, %add3A_156] : memref<512x64xf32, #tpu.memory_space<vmem>>[vector<16xi32>, vector<16xi32>], vector<16xf32>,
      %gather3A_158 = tpu.vector_load_idx %arg5[%add3A_28, %add3A_156] : memref<512x64xf32, #tpu.memory_space<vmem>>[vector<16xi32>, vector<16xi32>], vector<16xf32>,
      %mul3A_159 = arith.mulf %gather3A_157, %gather3A_158 : vector<16xf32>
      %add3A_160 = arith.addf %add3A_153, %mul3A_159 : vector<16xf32>
      %add3A_161 = arith.constant 1 : i32
      %add3A_162 = vector.broadcast %add3A_161 : i32 to vector<16xi32>
      %add3A_163 = arith.addi %add3A_156, %add3A_162 : vector<16xi32>
      %gather3A_164 = tpu.vector_load_idx %arg4[%add3A_28, %add3A_163] : memref<512x64xf32, #tpu.memory_space<vmem>>[vector<16xi32>, vector<16xi32>], vector<16xf32>,
      %gather3A_165 = tpu.vector_load_idx %arg5[%add3A_28, %add3A_163] : memref<512x64xf32, #tpu.memory_space<vmem>>[vector<16xi32>, vector<16xi32>], vector<16xf32>,
      %mul3A_166 = arith.mulf %gather3A_164, %gather3A_165 : vector<16xf32>
      %add3A_167 = arith.addf %add3A_160, %mul3A_166 : vector<16xf32>
      %add3A_168 = arith.constant 1 : i32
      %add3A_169 = vector.broadcast %add3A_168 : i32 to vector<16xi32>
      %add3A_170 = arith.addi %add3A_163, %add3A_169 : vector<16xi32>
      %gather3A_171 = tpu.vector_load_idx %arg4[%add3A_28, %add3A_170] : memref<512x64xf32, #tpu.memory_space<vmem>>[vector<16xi32>, vector<16xi32>], vector<16xf32>,
      %gather3A_172 = tpu.vector_load_idx %arg5[%add3A_28, %add3A_170] : memref<512x64xf32, #tpu.memory_space<vmem>>[vector<16xi32>, vector<16xi32>], vector<16xf32>,
      %mul3A_173 = arith.mulf %gather3A_171, %gather3A_172 : vector<16xf32>
      %add3A_174 = arith.addf %add3A_167, %mul3A_173 : vector<16xf32>
      %add3A_175 = arith.constant 1 : i32
      %add3A_176 = vector.broadcast %add3A_175 : i32 to vector<16xi32>
      %add3A_177 = arith.addi %add3A_170, %add3A_176 : vector<16xi32>
      %gather3A_178 = tpu.vector_load_idx %arg4[%add3A_28, %add3A_177] : memref<512x64xf32, #tpu.memory_space<vmem>>[vector<16xi32>, vector<16xi32>], vector<16xf32>,
      %gather3A_179 = tpu.vector_load_idx %arg5[%add3A_28, %add3A_177] : memref<512x64xf32, #tpu.memory_space<vmem>>[vector<16xi32>, vector<16xi32>], vector<16xf32>,
      %mul3A_180 = arith.mulf %gather3A_178, %gather3A_179 : vector<16xf32>
      %add3A_181 = arith.addf %add3A_174, %mul3A_180 : vector<16xf32>
      %add3A_182 = arith.constant 1 : i32
      %add3A_183 = vector.broadcast %add3A_182 : i32 to vector<16xi32>
      %add3A_184 = arith.addi %add3A_177, %add3A_183 : vector<16xi32>
      %gather3A_185 = tpu.vector_load_idx %arg4[%add3A_28, %add3A_184] : memref<512x64xf32, #tpu.memory_space<vmem>>[vector<16xi32>, vector<16xi32>], vector<16xf32>,
      %gather3A_186 = tpu.vector_load_idx %arg5[%add3A_28, %add3A_184] : memref<512x64xf32, #tpu.memory_space<vmem>>[vector<16xi32>, vector<16xi32>], vector<16xf32>,
      %mul3A_187 = arith.mulf %gather3A_185, %gather3A_186 : vector<16xf32>
      %add3A_188 = arith.addf %add3A_181, %mul3A_187 : vector<16xf32>
      %add3A_189 = arith.constant 1 : i32
      %add3A_190 = vector.broadcast %add3A_189 : i32 to vector<16xi32>
      %add3A_191 = arith.addi %add3A_184, %add3A_190 : vector<16xi32>
      %gather3A_192 = tpu.vector_load_idx %arg4[%add3A_28, %add3A_191] : memref<512x64xf32, #tpu.memory_space<vmem>>[vector<16xi32>, vector<16xi32>], vector<16xf32>,
      %gather3A_193 = tpu.vector_load_idx %arg5[%add3A_28, %add3A_191] : memref<512x64xf32, #tpu.memory_space<vmem>>[vector<16xi32>, vector<16xi32>], vector<16xf32>,
      %mul3A_194 = arith.mulf %gather3A_192, %gather3A_193 : vector<16xf32>
      %add3A_195 = arith.addf %add3A_188, %mul3A_194 : vector<16xf32>
      %add3A_196 = arith.constant 1 : i32
      %add3A_197 = vector.broadcast %add3A_196 : i32 to vector<16xi32>
      %add3A_198 = arith.addi %add3A_191, %add3A_197 : vector<16xi32>
      %gather3A_199 = tpu.vector_load_idx %arg4[%add3A_28, %add3A_198] : memref<512x64xf32, #tpu.memory_space<vmem>>[vector<16xi32>, vector<16xi32>], vector<16xf32>,
      %gather3A_200 = tpu.vector_load_idx %arg5[%add3A_28, %add3A_198] : memref<512x64xf32, #tpu.memory_space<vmem>>[vector<16xi32>, vector<16xi32>], vector<16xf32>,
      %mul3A_201 = arith.mulf %gather3A_199, %gather3A_200 : vector<16xf32>
      %add3A_202 = arith.addf %add3A_195, %mul3A_201 : vector<16xf32>
      %add3A_203 = arith.constant 1 : i32
      %add3A_204 = vector.broadcast %add3A_203 : i32 to vector<16xi32>
      %add3A_205 = arith.addi %add3A_198, %add3A_204 : vector<16xi32>
      %gather3A_206 = tpu.vector_load_idx %arg4[%add3A_28, %add3A_205] : memref<512x64xf32, #tpu.memory_space<vmem>>[vector<16xi32>, vector<16xi32>], vector<16xf32>,
      %gather3A_207 = tpu.vector_load_idx %arg5[%add3A_28, %add3A_205] : memref<512x64xf32, #tpu.memory_space<vmem>>[vector<16xi32>, vector<16xi32>], vector<16xf32>,
      %mul3A_208 = arith.mulf %gather3A_206, %gather3A_207 : vector<16xf32>
      %add3A_209 = arith.addf %add3A_202, %mul3A_208 : vector<16xf32>
      %add3A_210 = arith.constant 1 : i32
      %add3A_211 = vector.broadcast %add3A_210 : i32 to vector<16xi32>
      %add3A_212 = arith.addi %add3A_205, %add3A_211 : vector<16xi32>
      %gather3A_213 = tpu.vector_load_idx %arg4[%add3A_28, %add3A_212] : memref<512x64xf32, #tpu.memory_space<vmem>>[vector<16xi32>, vector<16xi32>], vector<16xf32>,
      %gather3A_214 = tpu.vector_load_idx %arg5[%add3A_28, %add3A_212] : memref<512x64xf32, #tpu.memory_space<vmem>>[vector<16xi32>, vector<16xi32>], vector<16xf32>,
      %mul3A_215 = arith.mulf %gather3A_213, %gather3A_214 : vector<16xf32>
      %add3A_216 = arith.addf %add3A_209, %mul3A_215 : vector<16xf32>
      %add3A_217 = arith.constant 1 : i32
      %add3A_218 = vector.broadcast %add3A_217 : i32 to vector<16xi32>
      %add3A_219 = arith.addi %add3A_212, %add3A_218 : vector<16xi32>
      %gather3A_220 = tpu.vector_load_idx %arg4[%add3A_28, %add3A_219] : memref<512x64xf32, #tpu.memory_space<vmem>>[vector<16xi32>, vector<16xi32>], vector<16xf32>,
      %gather3A_221 = tpu.vector_load_idx %arg5[%add3A_28, %add3A_219] : memref<512x64xf32, #tpu.memory_space<vmem>>[vector<16xi32>, vector<16xi32>], vector<16xf32>,
      %mul3A_222 = arith.mulf %gather3A_220, %gather3A_221 : vector<16xf32>
      %add3A_223 = arith.addf %add3A_216, %mul3A_222 : vector<16xf32>
      %add3A_224 = arith.constant 1 : i32
      %add3A_225 = vector.broadcast %add3A_224 : i32 to vector<16xi32>
      %add3A_226 = arith.addi %add3A_219, %add3A_225 : vector<16xi32>
      %gather3A_227 = tpu.vector_load_idx %arg4[%add3A_28, %add3A_226] : memref<512x64xf32, #tpu.memory_space<vmem>>[vector<16xi32>, vector<16xi32>], vector<16xf32>,
      %gather3A_228 = tpu.vector_load_idx %arg5[%add3A_28, %add3A_226] : memref<512x64xf32, #tpu.memory_space<vmem>>[vector<16xi32>, vector<16xi32>], vector<16xf32>,
      %mul3A_229 = arith.mulf %gather3A_227, %gather3A_228 : vector<16xf32>
      %add3A_230 = arith.addf %add3A_223, %mul3A_229 : vector<16xf32>
      %add3A_231 = arith.constant 1 : i32
      %add3A_232 = vector.broadcast %add3A_231 : i32 to vector<16xi32>
      %add3A_233 = arith.addi %add3A_226, %add3A_232 : vector<16xi32>
      %gather3A_234 = tpu.vector_load_idx %arg4[%add3A_28, %add3A_233] : memref<512x64xf32, #tpu.memory_space<vmem>>[vector<16xi32>, vector<16xi32>], vector<16xf32>,
      %gather3A_235 = tpu.vector_load_idx %arg5[%add3A_28, %add3A_233] : memref<512x64xf32, #tpu.memory_space<vmem>>[vector<16xi32>, vector<16xi32>], vector<16xf32>,
      %mul3A_236 = arith.mulf %gather3A_234, %gather3A_235 : vector<16xf32>
      %add3A_237 = arith.addf %add3A_230, %mul3A_236 : vector<16xf32>
      %add3A_238 = arith.constant 1 : i32
      %add3A_239 = vector.broadcast %add3A_238 : i32 to vector<16xi32>
      %add3A_240 = arith.addi %add3A_233, %add3A_239 : vector<16xi32>
      %gather3A_241 = tpu.vector_load_idx %arg4[%add3A_28, %add3A_240] : memref<512x64xf32, #tpu.memory_space<vmem>>[vector<16xi32>, vector<16xi32>], vector<16xf32>,
      %gather3A_242 = tpu.vector_load_idx %arg5[%add3A_28, %add3A_240] : memref<512x64xf32, #tpu.memory_space<vmem>>[vector<16xi32>, vector<16xi32>], vector<16xf32>,
      %mul3A_243 = arith.mulf %gather3A_241, %gather3A_242 : vector<16xf32>
      %add3A_244 = arith.addf %add3A_237, %mul3A_243 : vector<16xf32>
      %add3A_245 = arith.constant 1 : i32
      %add3A_246 = vector.broadcast %add3A_245 : i32 to vector<16xi32>
      %add3A_247 = arith.addi %add3A_240, %add3A_246 : vector<16xi32>
      %gather3A_248 = tpu.vector_load_idx %arg4[%add3A_28, %add3A_247] : memref<512x64xf32, #tpu.memory_space<vmem>>[vector<16xi32>, vector<16xi32>], vector<16xf32>,
      %gather3A_249 = tpu.vector_load_idx %arg5[%add3A_28, %add3A_247] : memref<512x64xf32, #tpu.memory_space<vmem>>[vector<16xi32>, vector<16xi32>], vector<16xf32>,
      %mul3A_250 = arith.mulf %gather3A_248, %gather3A_249 : vector<16xf32>
      %add3A_251 = arith.addf %add3A_244, %mul3A_250 : vector<16xf32>
      %add3A_252 = arith.constant 1 : i32
      %add3A_253 = vector.broadcast %add3A_252 : i32 to vector<16xi32>
      %add3A_254 = arith.addi %add3A_247, %add3A_253 : vector<16xi32>
      %gather3A_255 = tpu.vector_load_idx %arg4[%add3A_28, %add3A_254] : memref<512x64xf32, #tpu.memory_space<vmem>>[vector<16xi32>, vector<16xi32>], vector<16xf32>,
      %gather3A_256 = tpu.vector_load_idx %arg5[%add3A_28, %add3A_254] : memref<512x64xf32, #tpu.memory_space<vmem>>[vector<16xi32>, vector<16xi32>], vector<16xf32>,
      %mul3A_257 = arith.mulf %gather3A_255, %gather3A_256 : vector<16xf32>
      %add3A_258 = arith.addf %add3A_251, %mul3A_257 : vector<16xf32>
      %add3A_259 = arith.constant 1 : i32
      %add3A_260 = vector.broadcast %add3A_259 : i32 to vector<16xi32>
      %add3A_261 = arith.addi %add3A_254, %add3A_260 : vector<16xi32>
      %gather3A_262 = tpu.vector_load_idx %arg4[%add3A_28, %add3A_261] : memref<512x64xf32, #tpu.memory_space<vmem>>[vector<16xi32>, vector<16xi32>], vector<16xf32>,
      %gather3A_263 = tpu.vector_load_idx %arg5[%add3A_28, %add3A_261] : memref<512x64xf32, #tpu.memory_space<vmem>>[vector<16xi32>, vector<16xi32>], vector<16xf32>,
      %mul3A_264 = arith.mulf %gather3A_262, %gather3A_263 : vector<16xf32>
      %add3A_265 = arith.addf %add3A_258, %mul3A_264 : vector<16xf32>
      %add3A_266 = arith.constant 1 : i32
      %add3A_267 = vector.broadcast %add3A_266 : i32 to vector<16xi32>
      %add3A_268 = arith.addi %add3A_261, %add3A_267 : vector<16xi32>
      %gather3A_269 = tpu.vector_load_idx %arg4[%add3A_28, %add3A_268] : memref<512x64xf32, #tpu.memory_space<vmem>>[vector<16xi32>, vector<16xi32>], vector<16xf32>,
      %gather3A_270 = tpu.vector_load_idx %arg5[%add3A_28, %add3A_268] : memref<512x64xf32, #tpu.memory_space<vmem>>[vector<16xi32>, vector<16xi32>], vector<16xf32>,
      %mul3A_271 = arith.mulf %gather3A_269, %gather3A_270 : vector<16xf32>
      %add3A_272 = arith.addf %add3A_265, %mul3A_271 : vector<16xf32>
      %add3A_273 = arith.constant 1 : i32
      %add3A_274 = vector.broadcast %add3A_273 : i32 to vector<16xi32>
      %add3A_275 = arith.addi %add3A_268, %add3A_274 : vector<16xi32>
      %gather3A_276 = tpu.vector_load_idx %arg4[%add3A_28, %add3A_275] : memref<512x64xf32, #tpu.memory_space<vmem>>[vector<16xi32>, vector<16xi32>], vector<16xf32>,
      %gather3A_277 = tpu.vector_load_idx %arg5[%add3A_28, %add3A_275] : memref<512x64xf32, #tpu.memory_space<vmem>>[vector<16xi32>, vector<16xi32>], vector<16xf32>,
      %mul3A_278 = arith.mulf %gather3A_276, %gather3A_277 : vector<16xf32>
      %add3A_279 = arith.addf %add3A_272, %mul3A_278 : vector<16xf32>
      %add3A_280 = arith.constant 1 : i32
      %add3A_281 = vector.broadcast %add3A_280 : i32 to vector<16xi32>
      %add3A_282 = arith.addi %add3A_275, %add3A_281 : vector<16xi32>
      %gather3A_283 = tpu.vector_load_idx %arg4[%add3A_28, %add3A_282] : memref<512x64xf32, #tpu.memory_space<vmem>>[vector<16xi32>, vector<16xi32>], vector<16xf32>,
      %gather3A_284 = tpu.vector_load_idx %arg5[%add3A_28, %add3A_282] : memref<512x64xf32, #tpu.memory_space<vmem>>[vector<16xi32>, vector<16xi32>], vector<16xf32>,
      %mul3A_285 = arith.mulf %gather3A_283, %gather3A_284 : vector<16xf32>
      %add3A_286 = arith.addf %add3A_279, %mul3A_285 : vector<16xf32>
      %add3A_287 = arith.constant 1 : i32
      %add3A_288 = vector.broadcast %add3A_287 : i32 to vector<16xi32>
      %add3A_289 = arith.addi %add3A_282, %add3A_288 : vector<16xi32>
      %gather3A_290 = tpu.vector_load_idx %arg4[%add3A_28, %add3A_289] : memref<512x64xf32, #tpu.memory_space<vmem>>[vector<16xi32>, vector<16xi32>], vector<16xf32>,
      %gather3A_291 = tpu.vector_load_idx %arg5[%add3A_28, %add3A_289] : memref<512x64xf32, #tpu.memory_space<vmem>>[vector<16xi32>, vector<16xi32>], vector<16xf32>,
      %mul3A_292 = arith.mulf %gather3A_290, %gather3A_291 : vector<16xf32>
      %add3A_293 = arith.addf %add3A_286, %mul3A_292 : vector<16xf32>
      %add3A_294 = arith.constant 1 : i32
      %add3A_295 = vector.broadcast %add3A_294 : i32 to vector<16xi32>
      %add3A_296 = arith.addi %add3A_289, %add3A_295 : vector<16xi32>
      %gather3A_297 = tpu.vector_load_idx %arg4[%add3A_28, %add3A_296] : memref<512x64xf32, #tpu.memory_space<vmem>>[vector<16xi32>, vector<16xi32>], vector<16xf32>,
      %gather3A_298 = tpu.vector_load_idx %arg5[%add3A_28, %add3A_296] : memref<512x64xf32, #tpu.memory_space<vmem>>[vector<16xi32>, vector<16xi32>], vector<16xf32>,
      %mul3A_299 = arith.mulf %gather3A_297, %gather3A_298 : vector<16xf32>
      %add3A_300 = arith.addf %add3A_293, %mul3A_299 : vector<16xf32>
      %add3A_301 = arith.constant 1 : i32
      %add3A_302 = vector.broadcast %add3A_301 : i32 to vector<16xi32>
      %add3A_303 = arith.addi %add3A_296, %add3A_302 : vector<16xi32>
      %gather3A_304 = tpu.vector_load_idx %arg4[%add3A_28, %add3A_303] : memref<512x64xf32, #tpu.memory_space<vmem>>[vector<16xi32>, vector<16xi32>], vector<16xf32>,
      %gather3A_305 = tpu.vector_load_idx %arg5[%add3A_28, %add3A_303] : memref<512x64xf32, #tpu.memory_space<vmem>>[vector<16xi32>, vector<16xi32>], vector<16xf32>,
      %mul3A_306 = arith.mulf %gather3A_304, %gather3A_305 : vector<16xf32>
      %add3A_307 = arith.addf %add3A_300, %mul3A_306 : vector<16xf32>
      %add3A_308 = arith.constant 1 : i32
      %add3A_309 = vector.broadcast %add3A_308 : i32 to vector<16xi32>
      %add3A_310 = arith.addi %add3A_303, %add3A_309 : vector<16xi32>
      %gather3A_311 = tpu.vector_load_idx %arg4[%add3A_28, %add3A_310] : memref<512x64xf32, #tpu.memory_space<vmem>>[vector<16xi32>, vector<16xi32>], vector<16xf32>,
      %gather3A_312 = tpu.vector_load_idx %arg5[%add3A_28, %add3A_310] : memref<512x64xf32, #tpu.memory_space<vmem>>[vector<16xi32>, vector<16xi32>], vector<16xf32>,
      %mul3A_313 = arith.mulf %gather3A_311, %gather3A_312 : vector<16xf32>
      %add3A_314 = arith.addf %add3A_307, %mul3A_313 : vector<16xf32>
      %add3A_315 = arith.constant 1 : i32
      %add3A_316 = vector.broadcast %add3A_315 : i32 to vector<16xi32>
      %add3A_317 = arith.addi %add3A_310, %add3A_316 : vector<16xi32>
      %gather3A_318 = tpu.vector_load_idx %arg4[%add3A_28, %add3A_317] : memref<512x64xf32, #tpu.memory_space<vmem>>[vector<16xi32>, vector<16xi32>], vector<16xf32>,
      %gather3A_319 = tpu.vector_load_idx %arg5[%add3A_28, %add3A_317] : memref<512x64xf32, #tpu.memory_space<vmem>>[vector<16xi32>, vector<16xi32>], vector<16xf32>,
      %mul3A_320 = arith.mulf %gather3A_318, %gather3A_319 : vector<16xf32>
      %add3A_321 = arith.addf %add3A_314, %mul3A_320 : vector<16xf32>
      %add3A_322 = arith.constant 1 : i32
      %add3A_323 = vector.broadcast %add3A_322 : i32 to vector<16xi32>
      %add3A_324 = arith.addi %add3A_317, %add3A_323 : vector<16xi32>
      %gather3A_325 = tpu.vector_load_idx %arg4[%add3A_28, %add3A_324] : memref<512x64xf32, #tpu.memory_space<vmem>>[vector<16xi32>, vector<16xi32>], vector<16xf32>,
      %gather3A_326 = tpu.vector_load_idx %arg5[%add3A_28, %add3A_324] : memref<512x64xf32, #tpu.memory_space<vmem>>[vector<16xi32>, vector<16xi32>], vector<16xf32>,
      %mul3A_327 = arith.mulf %gather3A_325, %gather3A_326 : vector<16xf32>
      %add3A_328 = arith.addf %add3A_321, %mul3A_327 : vector<16xf32>
      %add3A_329 = arith.constant 1 : i32
      %add3A_330 = vector.broadcast %add3A_329 : i32 to vector<16xi32>
      %add3A_331 = arith.addi %add3A_324, %add3A_330 : vector<16xi32>
      %gather3A_332 = tpu.vector_load_idx %arg4[%add3A_28, %add3A_331] : memref<512x64xf32, #tpu.memory_space<vmem>>[vector<16xi32>, vector<16xi32>], vector<16xf32>,
      %gather3A_333 = tpu.vector_load_idx %arg5[%add3A_28, %add3A_331] : memref<512x64xf32, #tpu.memory_space<vmem>>[vector<16xi32>, vector<16xi32>], vector<16xf32>,
      %mul3A_334 = arith.mulf %gather3A_332, %gather3A_333 : vector<16xf32>
      %add3A_335 = arith.addf %add3A_328, %mul3A_334 : vector<16xf32>
      %add3A_336 = arith.constant 1 : i32
      %add3A_337 = vector.broadcast %add3A_336 : i32 to vector<16xi32>
      %add3A_338 = arith.addi %add3A_331, %add3A_337 : vector<16xi32>
      %gather3A_339 = tpu.vector_load_idx %arg4[%add3A_28, %add3A_338] : memref<512x64xf32, #tpu.memory_space<vmem>>[vector<16xi32>, vector<16xi32>], vector<16xf32>,
      %gather3A_340 = tpu.vector_load_idx %arg5[%add3A_28, %add3A_338] : memref<512x64xf32, #tpu.memory_space<vmem>>[vector<16xi32>, vector<16xi32>], vector<16xf32>,
      %mul3A_341 = arith.mulf %gather3A_339, %gather3A_340 : vector<16xf32>
      %add3A_342 = arith.addf %add3A_335, %mul3A_341 : vector<16xf32>
      %add3A_343 = arith.constant 1 : i32
      %add3A_344 = vector.broadcast %add3A_343 : i32 to vector<16xi32>
      %add3A_345 = arith.addi %add3A_338, %add3A_344 : vector<16xi32>
      %gather3A_346 = tpu.vector_load_idx %arg4[%add3A_28, %add3A_345] : memref<512x64xf32, #tpu.memory_space<vmem>>[vector<16xi32>, vector<16xi32>], vector<16xf32>,
      %gather3A_347 = tpu.vector_load_idx %arg5[%add3A_28, %add3A_345] : memref<512x64xf32, #tpu.memory_space<vmem>>[vector<16xi32>, vector<16xi32>], vector<16xf32>,
      %mul3A_348 = arith.mulf %gather3A_346, %gather3A_347 : vector<16xf32>
      %add3A_349 = arith.addf %add3A_342, %mul3A_348 : vector<16xf32>
      %add3A_350 = arith.constant 1 : i32
      %add3A_351 = vector.broadcast %add3A_350 : i32 to vector<16xi32>
      %add3A_352 = arith.addi %add3A_345, %add3A_351 : vector<16xi32>
      %gather3A_353 = tpu.vector_load_idx %arg4[%add3A_28, %add3A_352] : memref<512x64xf32, #tpu.memory_space<vmem>>[vector<16xi32>, vector<16xi32>], vector<16xf32>,
      %gather3A_354 = tpu.vector_load_idx %arg5[%add3A_28, %add3A_352] : memref<512x64xf32, #tpu.memory_space<vmem>>[vector<16xi32>, vector<16xi32>], vector<16xf32>,
      %mul3A_355 = arith.mulf %gather3A_353, %gather3A_354 : vector<16xf32>
      %add3A_356 = arith.addf %add3A_349, %mul3A_355 : vector<16xf32>
      %add3A_357 = arith.constant 1 : i32
      %add3A_358 = vector.broadcast %add3A_357 : i32 to vector<16xi32>
      %add3A_359 = arith.addi %add3A_352, %add3A_358 : vector<16xi32>
      %gather3A_360 = tpu.vector_load_idx %arg4[%add3A_28, %add3A_359] : memref<512x64xf32, #tpu.memory_space<vmem>>[vector<16xi32>, vector<16xi32>], vector<16xf32>,
      %gather3A_361 = tpu.vector_load_idx %arg5[%add3A_28, %add3A_359] : memref<512x64xf32, #tpu.memory_space<vmem>>[vector<16xi32>, vector<16xi32>], vector<16xf32>,
      %mul3A_362 = arith.mulf %gather3A_360, %gather3A_361 : vector<16xf32>
      %add3A_363 = arith.addf %add3A_356, %mul3A_362 : vector<16xf32>
      %add3A_364 = arith.constant 1 : i32
      %add3A_365 = vector.broadcast %add3A_364 : i32 to vector<16xi32>
      %add3A_366 = arith.addi %add3A_359, %add3A_365 : vector<16xi32>
      %gather3A_367 = tpu.vector_load_idx %arg4[%add3A_28, %add3A_366] : memref<512x64xf32, #tpu.memory_space<vmem>>[vector<16xi32>, vector<16xi32>], vector<16xf32>,
      %gather3A_368 = tpu.vector_load_idx %arg5[%add3A_28, %add3A_366] : memref<512x64xf32, #tpu.memory_space<vmem>>[vector<16xi32>, vector<16xi32>], vector<16xf32>,
      %mul3A_369 = arith.mulf %gather3A_367, %gather3A_368 : vector<16xf32>
      %add3A_370 = arith.addf %add3A_363, %mul3A_369 : vector<16xf32>
      %add3A_371 = arith.constant 1 : i32
      %add3A_372 = vector.broadcast %add3A_371 : i32 to vector<16xi32>
      %add3A_373 = arith.addi %add3A_366, %add3A_372 : vector<16xi32>
      %gather3A_374 = tpu.vector_load_idx %arg4[%add3A_28, %add3A_373] : memref<512x64xf32, #tpu.memory_space<vmem>>[vector<16xi32>, vector<16xi32>], vector<16xf32>,
      %gather3A_375 = tpu.vector_load_idx %arg5[%add3A_28, %add3A_373] : memref<512x64xf32, #tpu.memory_space<vmem>>[vector<16xi32>, vector<16xi32>], vector<16xf32>,
      %mul3A_376 = arith.mulf %gather3A_374, %gather3A_375 : vector<16xf32>
      %add3A_377 = arith.addf %add3A_370, %mul3A_376 : vector<16xf32>
      %add3A_378 = arith.constant 1 : i32
      %add3A_379 = vector.broadcast %add3A_378 : i32 to vector<16xi32>
      %add3A_380 = arith.addi %add3A_373, %add3A_379 : vector<16xi32>
      %gather3A_381 = tpu.vector_load_idx %arg4[%add3A_28, %add3A_380] : memref<512x64xf32, #tpu.memory_space<vmem>>[vector<16xi32>, vector<16xi32>], vector<16xf32>,
      %gather3A_382 = tpu.vector_load_idx %arg5[%add3A_28, %add3A_380] : memref<512x64xf32, #tpu.memory_space<vmem>>[vector<16xi32>, vector<16xi32>], vector<16xf32>,
      %mul3A_383 = arith.mulf %gather3A_381, %gather3A_382 : vector<16xf32>
      %add3A_384 = arith.addf %add3A_377, %mul3A_383 : vector<16xf32>
      %add3A_385 = arith.constant 1 : i32
      %add3A_386 = vector.broadcast %add3A_385 : i32 to vector<16xi32>
      %add3A_387 = arith.addi %add3A_380, %add3A_386 : vector<16xi32>
      %gather3A_388 = tpu.vector_load_idx %arg4[%add3A_28, %add3A_387] : memref<512x64xf32, #tpu.memory_space<vmem>>[vector<16xi32>, vector<16xi32>], vector<16xf32>,
      %gather3A_389 = tpu.vector_load_idx %arg5[%add3A_28, %add3A_387] : memref<512x64xf32, #tpu.memory_space<vmem>>[vector<16xi32>, vector<16xi32>], vector<16xf32>,
      %mul3A_390 = arith.mulf %gather3A_388, %gather3A_389 : vector<16xf32>
      %add3A_391 = arith.addf %add3A_384, %mul3A_390 : vector<16xf32>
      %add3A_392 = arith.constant 1 : i32
      %add3A_393 = vector.broadcast %add3A_392 : i32 to vector<16xi32>
      %add3A_394 = arith.addi %add3A_387, %add3A_393 : vector<16xi32>
      %gather3A_395 = tpu.vector_load_idx %arg4[%add3A_28, %add3A_394] : memref<512x64xf32, #tpu.memory_space<vmem>>[vector<16xi32>, vector<16xi32>], vector<16xf32>,
      %gather3A_396 = tpu.vector_load_idx %arg5[%add3A_28, %add3A_394] : memref<512x64xf32, #tpu.memory_space<vmem>>[vector<16xi32>, vector<16xi32>], vector<16xf32>,
      %mul3A_397 = arith.mulf %gather3A_395, %gather3A_396 : vector<16xf32>
      %add3A_398 = arith.addf %add3A_391, %mul3A_397 : vector<16xf32>
      %add3A_399 = arith.constant 1 : i32
      %add3A_400 = vector.broadcast %add3A_399 : i32 to vector<16xi32>
      %add3A_401 = arith.addi %add3A_394, %add3A_400 : vector<16xi32>
      %gather3A_402 = tpu.vector_load_idx %arg4[%add3A_28, %add3A_401] : memref<512x64xf32, #tpu.memory_space<vmem>>[vector<16xi32>, vector<16xi32>], vector<16xf32>,
      %gather3A_403 = tpu.vector_load_idx %arg5[%add3A_28, %add3A_401] : memref<512x64xf32, #tpu.memory_space<vmem>>[vector<16xi32>, vector<16xi32>], vector<16xf32>,
      %mul3A_404 = arith.mulf %gather3A_402, %gather3A_403 : vector<16xf32>
      %add3A_405 = arith.addf %add3A_398, %mul3A_404 : vector<16xf32>
      %add3A_406 = arith.constant 1 : i32
      %add3A_407 = vector.broadcast %add3A_406 : i32 to vector<16xi32>
      %add3A_408 = arith.addi %add3A_401, %add3A_407 : vector<16xi32>
      %gather3A_409 = tpu.vector_load_idx %arg4[%add3A_28, %add3A_408] : memref<512x64xf32, #tpu.memory_space<vmem>>[vector<16xi32>, vector<16xi32>], vector<16xf32>,
      %gather3A_410 = tpu.vector_load_idx %arg5[%add3A_28, %add3A_408] : memref<512x64xf32, #tpu.memory_space<vmem>>[vector<16xi32>, vector<16xi32>], vector<16xf32>,
      %mul3A_411 = arith.mulf %gather3A_409, %gather3A_410 : vector<16xf32>
      %add3A_412 = arith.addf %add3A_405, %mul3A_411 : vector<16xf32>
      %add3A_413 = arith.constant 1 : i32
      %add3A_414 = vector.broadcast %add3A_413 : i32 to vector<16xi32>
      %add3A_415 = arith.addi %add3A_408, %add3A_414 : vector<16xi32>
      %gather3A_416 = tpu.vector_load_idx %arg4[%add3A_28, %add3A_415] : memref<512x64xf32, #tpu.memory_space<vmem>>[vector<16xi32>, vector<16xi32>], vector<16xf32>,
      %gather3A_417 = tpu.vector_load_idx %arg5[%add3A_28, %add3A_415] : memref<512x64xf32, #tpu.memory_space<vmem>>[vector<16xi32>, vector<16xi32>], vector<16xf32>,
      %mul3A_418 = arith.mulf %gather3A_416, %gather3A_417 : vector<16xf32>
      %add3A_419 = arith.addf %add3A_412, %mul3A_418 : vector<16xf32>
      %add3A_420 = arith.constant 1 : i32
      %add3A_421 = vector.broadcast %add3A_420 : i32 to vector<16xi32>
      %add3A_422 = arith.addi %add3A_415, %add3A_421 : vector<16xi32>
      %gather3A_423 = tpu.vector_load_idx %arg4[%add3A_28, %add3A_422] : memref<512x64xf32, #tpu.memory_space<vmem>>[vector<16xi32>, vector<16xi32>], vector<16xf32>,
      %gather3A_424 = tpu.vector_load_idx %arg5[%add3A_28, %add3A_422] : memref<512x64xf32, #tpu.memory_space<vmem>>[vector<16xi32>, vector<16xi32>], vector<16xf32>,
      %mul3A_425 = arith.mulf %gather3A_423, %gather3A_424 : vector<16xf32>
      %add3A_426 = arith.addf %add3A_419, %mul3A_425 : vector<16xf32>
      %add3A_427 = arith.constant 1 : i32
      %add3A_428 = vector.broadcast %add3A_427 : i32 to vector<16xi32>
      %add3A_429 = arith.addi %add3A_422, %add3A_428 : vector<16xi32>
      %gather3A_430 = tpu.vector_load_idx %arg4[%add3A_28, %add3A_429] : memref<512x64xf32, #tpu.memory_space<vmem>>[vector<16xi32>, vector<16xi32>], vector<16xf32>,
      %gather3A_431 = tpu.vector_load_idx %arg5[%add3A_28, %add3A_429] : memref<512x64xf32, #tpu.memory_space<vmem>>[vector<16xi32>, vector<16xi32>], vector<16xf32>,
      %mul3A_432 = arith.mulf %gather3A_430, %gather3A_431 : vector<16xf32>
      %add3A_433 = arith.addf %add3A_426, %mul3A_432 : vector<16xf32>
      %add3A_434 = arith.constant 1 : i32
      %add3A_435 = vector.broadcast %add3A_434 : i32 to vector<16xi32>
      %add3A_436 = arith.addi %add3A_429, %add3A_435 : vector<16xi32>
      %gather3A_437 = tpu.vector_load_idx %arg4[%add3A_28, %add3A_436] : memref<512x64xf32, #tpu.memory_space<vmem>>[vector<16xi32>, vector<16xi32>], vector<16xf32>,
      %gather3A_438 = tpu.vector_load_idx %arg5[%add3A_28, %add3A_436] : memref<512x64xf32, #tpu.memory_space<vmem>>[vector<16xi32>, vector<16xi32>], vector<16xf32>,
      %mul3A_439 = arith.mulf %gather3A_437, %gather3A_438 : vector<16xf32>
      %add3A_440 = arith.addf %add3A_433, %mul3A_439 : vector<16xf32>
      %add3A_441 = arith.constant 1 : i32
      %add3A_442 = vector.broadcast %add3A_441 : i32 to vector<16xi32>
      %add3A_443 = arith.addi %add3A_436, %add3A_442 : vector<16xi32>
      %gather3A_444 = tpu.vector_load_idx %arg4[%add3A_28, %add3A_443] : memref<512x64xf32, #tpu.memory_space<vmem>>[vector<16xi32>, vector<16xi32>], vector<16xf32>,
      %gather3A_445 = tpu.vector_load_idx %arg5[%add3A_28, %add3A_443] : memref<512x64xf32, #tpu.memory_space<vmem>>[vector<16xi32>, vector<16xi32>], vector<16xf32>,
      %mul3A_446 = arith.mulf %gather3A_444, %gather3A_445 : vector<16xf32>
      %add3A_447 = arith.addf %add3A_440, %mul3A_446 : vector<16xf32>
      %add3A_448 = arith.constant 1 : i32
      %add3A_449 = vector.broadcast %add3A_448 : i32 to vector<16xi32>
      %add3A_450 = arith.addi %add3A_443, %add3A_449 : vector<16xi32>
      %gather3A_451 = tpu.vector_load_idx %arg4[%add3A_28, %add3A_450] : memref<512x64xf32, #tpu.memory_space<vmem>>[vector<16xi32>, vector<16xi32>], vector<16xf32>,
      %gather3A_452 = tpu.vector_load_idx %arg5[%add3A_28, %add3A_450] : memref<512x64xf32, #tpu.memory_space<vmem>>[vector<16xi32>, vector<16xi32>], vector<16xf32>,
      %mul3A_453 = arith.mulf %gather3A_451, %gather3A_452 : vector<16xf32>
      %add3A_454 = arith.addf %add3A_447, %mul3A_453 : vector<16xf32>
      %add3A_455 = arith.constant 1 : i32
      %add3A_456 = vector.broadcast %add3A_455 : i32 to vector<16xi32>
      %add3A_457 = arith.addi %add3A_450, %add3A_456 : vector<16xi32>
      %gather3A_458 = tpu.vector_load_idx %arg4[%add3A_28, %add3A_457] : memref<512x64xf32, #tpu.memory_space<vmem>>[vector<16xi32>, vector<16xi32>], vector<16xf32>,
      %gather3A_459 = tpu.vector_load_idx %arg5[%add3A_28, %add3A_457] : memref<512x64xf32, #tpu.memory_space<vmem>>[vector<16xi32>, vector<16xi32>], vector<16xf32>,
      %mul3A_460 = arith.mulf %gather3A_458, %gather3A_459 : vector<16xf32>
      %add3A_461 = arith.addf %add3A_454, %mul3A_460 : vector<16xf32>
      %add3A_462 = arith.constant 1 : i32
      %add3A_463 = vector.broadcast %add3A_462 : i32 to vector<16xi32>
      %add3A_464 = arith.addi %add3A_457, %add3A_463 : vector<16xi32>
      %gather3A_465 = tpu.vector_load_idx %arg4[%add3A_28, %add3A_464] : memref<512x64xf32, #tpu.memory_space<vmem>>[vector<16xi32>, vector<16xi32>], vector<16xf32>,
      %gather3A_466 = tpu.vector_load_idx %arg5[%add3A_28, %add3A_464] : memref<512x64xf32, #tpu.memory_space<vmem>>[vector<16xi32>, vector<16xi32>], vector<16xf32>,
      %mul3A_467 = arith.mulf %gather3A_465, %gather3A_466 : vector<16xf32>
      %add3A_468 = arith.addf %add3A_461, %mul3A_467 : vector<16xf32>
      %add3A_469 = arith.constant 1 : i32
      %add3A_470 = vector.broadcast %add3A_469 : i32 to vector<16xi32>
      %add3A_471 = arith.addi %add3A_464, %add3A_470 : vector<16xi32>
      %gather3A_472 = tpu.vector_load_idx %arg4[%add3A_28, %add3A_471] : memref<512x64xf32, #tpu.memory_space<vmem>>[vector<16xi32>, vector<16xi32>], vector<16xf32>,
      %gather3A_473 = tpu.vector_load_idx %arg5[%add3A_28, %add3A_471] : memref<512x64xf32, #tpu.memory_space<vmem>>[vector<16xi32>, vector<16xi32>], vector<16xf32>,
      %mul3A_474 = arith.mulf %gather3A_472, %gather3A_473 : vector<16xf32>
      %add3A_475 = arith.addf %add3A_468, %mul3A_474 : vector<16xf32>
      %add3A_476 = arith.constant 1 : i32
      %add3A_477 = vector.broadcast %add3A_476 : i32 to vector<16xi32>
      %add3A_478 = arith.addi %add3A_471, %add3A_477 : vector<16xi32>
      %mul3A_479 = arith.constant 16 : i32
      %mul3A_480 = arith.muli %scan3A_24, %mul3A_479 : i32
      %swap3A = arith.index_cast %mul3A_480 : i32 to index
      %swap3A_481 = tpu.vector_load %arg6[%swap3A] {strides = array<i32>} : memref<512xf32, #tpu.memory_space<vmem>>, vector<16xf32>,
      tpu.vector_store %arg6[%swap3A], %add3A_475 {strides = array<i32>} : memref<512xf32, #tpu.memory_space<vmem>>, vector<16xf32>,
    }
    %scan3A_23 = arith.constant 32 : i32
    "tpu.region"() ({
      %run_scoped3A = tpu.sem_alloc : memref<!tpu.dma_semaphore, #tpu.memory_space<semaphore_mem>>
      %dma_start3A_24 = tpu.memref_slice %arg3[%mul3A_2] : memref<16384xf32, #tpu.memory_space<hbm>> -> memref<512xf32, #tpu.memory_space<hbm>>
      %dma_start3A_25 = tpu.memref_slice %arg3[%mul3A_2] : memref<16384xf32, #tpu.memory_space<hbm>> -> memref<512xf32, #tpu.memory_space<hbm>>
      tpu.enqueue_dma source(%arg6 : memref<512xf32, #tpu.memory_space<vmem>>) target(%dma_start3A_25 : memref<512xf32, #tpu.memory_space<hbm>>) target_semaphore(%run_scoped3A : memref<!tpu.dma_semaphore, #tpu.memory_space<semaphore_mem>>)
      %dma_wait3A_26 = tpu.memref_slice %arg3[%mul3A_2] : memref<16384xf32, #tpu.memory_space<hbm>> -> memref<512xf32, #tpu.memory_space<hbm>>
      %dma_wait3A_27 = tpu.memref_slice %arg3[%mul3A_2] : memref<16384xf32, #tpu.memory_space<hbm>> -> memref<512xf32, #tpu.memory_space<hbm>>
      tpu.wait_dma2 semaphore(%run_scoped3A : memref<!tpu.dma_semaphore, #tpu.memory_space<semaphore_mem>>) src(%arg6 : memref<512xf32, #tpu.memory_space<vmem>>) dst(%dma_wait3A_27 : memref<512xf32, #tpu.memory_space<hbm>>)
      tpu.yield
    }) : () -> ()
    return
  }
}

</mosaic_0001>

<sc_bundles>
// kernel: kernel.4.cloned.1.call-start
scs
__scs_entry_jumppad:
0x0: {  	(pc) =	sbr.rel $0x88, $3  }
0x1: {  	(tag) =	ssettag $0x0;
	lr =	simm.s32 $0x1  }
0x2: {  	[smem:$0x3F9E] =	sst lr;
	_ =	strace $0xD0000000  }
0x3: {  	_ = 	snop  }
0x4: {  	_ = 	snop  }
0x5: {  	_ = 	snop  }
0x6: {  	_ = 	snop  }
0x7: {  	_ = 	snop  }
__scs_overlays_trampoline_lowered:
0x8: {  	[smem:$0x3FAD] =	sst s0  }
0x9: {  	[smem:$0x3FAE] =	sst s1  }
0xa: {  	[smem:$0x3FAF] =	sst s2  }
0xb: {  	[smem:$0x3FB0] =	sst s3  }
0xc: {  	[smem:$0x3FB1] =	sst s4  }
0xd: {  	[smem:$0x3FB2] =	sst s5  }
0xe: {  	[smem:$0x3FB3] =	sst s6  }
0xf: {  	[smem:$0x3FB4] =	sst s7  }
0x10: {  	[smem:$0x3FB5] =	sst s8  }
0x11: {  	[smem:$0x3FB6] =	sst s9;
	s0 =	simm.s32 @!p0 $0x0  }
0x12: {  	s1 =	sld [smem:$0x3F9C];
	s0 =	simm.s32 @p0 $0x1  }
0x13: {  	[smem:$0x3FB7] =	sst s0;
	s0 =	simm.s32 @!p1 $0x0  }
0x14: {  	s2 =	sld [smem:$0x3F9B];
	s0 =	simm.s32 @p1 $0x1  }
0x15: {  	[smem:$0x3FB8] =	sst s0;
	s0 =	simm.s32 @!p2 $0x0  }
0x16: {  	s3 =	sld [smem:$0x3FDB];
	s0 =	simm.s32 @p2 $0x1  }
0x17: {  	s4 =	simm.s32 $0x1BF5;
	[smem:$0x3FBA] =	sst s0  }
0x18: {  	s0 =	sld [smem:$0x3F9D];
	_ =	swait.ge [sflag:s4], $0x0  }
0x19: {  	s7 =	sld [smem:$0x3F9E]  }
0x1a: {  	s8 =	sadd.s32 $0xFFFFE003, lr  }
0x1b: {  	s9 =	sadd.s32 $0xFFFFFEF7, lr;
	s5 =	simm.s32 $0xFFFFFFFF;
	p2 =	slt.u32 s8, $0xFFFFF086  }
0x1c: {  	p1 =	slt.u32 s9, $0xF7A;
	s5 =	simm.s32 @!p2 $0x0  }
0x1d: {  	s5 =	simm.s32 @p1 $0x1;
	p0 =	seq.s32 s7, s2  }
0x1e: {  	s7 =	smul.u32 @!p0 $0xF7A, s2;
	p2 =	seq.s32 @!p0 s5, $0x0  }
0x1f: {  	s9 =	smul.u32 $0xF7A, s1;
	s8 =	simm.s32 @!p0 $0x1BF5;
	p2 =	por !p2, p0  }
0x20: {  	[sflag:s8] =	ssyncset.s32 @!p0 $0xFFFFF086;
	s6 =	sadd.s32 @!p0 s3, s7;
	s7 =	simm.s32 @!p0 $0x108  }
0x21: {  	s3 =	sadd.s32 s3, s9;
	s6 =	sadd.s32 @!p0 $0x88, s6;
	s7 =	simm.s32 @p2 $0x1082  }
0x22: {  	[simem:s7], [sflag:s8] =	dma.local @!p0 [hbm:s6], $0xF7A  }
0x23: {  	s9 =	sor.u32 $0xD0000000, s2;
	s6 =	simm.s32 $0x108;
	_ =	swait.ge @!p0 [sflag:s8], $0x0  }
0x24: {  	s3 =	sadd.s32 $0x88, s3;
	s6 =	simm.s32 @!p1 $0x1082;
	[sflag:s4] =	ssyncset.s32 $0xFFFFF086  }
0x25: {  	[simem:s6], [sflag:s4] =	dma.local [hbm:s3], $0xF7A  }
0x26: {  	[smem:$0x3F9E] =	sst s1;
	(tag) =	ssettag s2;
	_ =	strace s9  }
0x27: {  	s1 =	sld [smem:$0x3FAE]  }
0x28: {  	s2 =	sld [smem:$0x3FAF]  }
0x29: {  	s4 =	sld [smem:$0x3FB1]  }
0x2a: {  	p0 =	seq.s32 s5, $0x0;
	s5 =	sld [smem:$0x3FB2]  }
0x2b: {  	s6 =	sld [smem:$0x3FB3]  }
0x2c: {  	s7 =	sld [smem:$0x3FB4]  }
0x2d: {  	s3 =	simm.s32 $0x108;
	s8 =	sld [smem:$0x3FB5]  }
0x2e: {  	s3 =	simm.s32 @!p0 $0x1082;
	s9 =	sld [smem:$0x3FB6]  }
0x2f: {  	lr =	sadd.s32 s0, s3;
	s0 =	sld [smem:$0x3FAD]  }
0x30: {  	s3 =	sld [smem:$0x3FB0]  }
0x31: {  	[smem:$0x3FB9] =	sst s10  }
0x32: {  	s10 =	sld [smem:$0x3FB7];
	_ =	sdelay $0x3  }
0x33: {  	p0 =	seq.s32 s10, $0x1;
	s10 =	sld [smem:$0x3FB9];
	_ =	sdelay $0x3  }
0x34: {  	[smem:$0x3FB9] =	sst s10  }
0x35: {  	s10 =	sld [smem:$0x3FB8];
	_ =	sdelay $0x3  }
0x36: {  	p1 =	seq.s32 s10, $0x1;
	s10 =	sld [smem:$0x3FB9];
	_ =	sdelay $0x3  }
0x37: {  	[smem:$0x3FB9] =	sst s10  }
0x38: {  	s10 =	sld [smem:$0x3FBA]  }
0x39: {  	_ = 	snop;
	(pc) =	sbr.ind lr, $3  }
0x3a: {  	_ = 	snop  }
0x3b: {  	_ = 	snop  }
0x3c: {  	p2 =	seq.s32 s10, $0x1;
	s10 =	sld [smem:$0x3FB9]  }
0x3d: {  	_ =	shalt  }
0x3e: {  	_ =	shalt  }
0x3f: {  	_ =	shalt  }
0x40: {  	_ =	shalt  }
0x41: {  	_ =	shalt  }
0x42: {  	_ =	shalt  }
0x43: {  	_ =	shalt  }
0x44: {  	_ =	shalt  }
0x45: {  	_ =	shalt  }
0x46: {  	_ =	shalt  }
0x47: {  	_ =	shalt  }
0x48: {  	_ =	shalt  }
0x49: {  	_ =	shalt  }
0x4a: {  	_ =	shalt  }
0x4b: {  	_ =	shalt  }
0x4c: {  	_ =	shalt  }
0x4d: {  	_ =	shalt  }
0x4e: {  	_ =	shalt  }
0x4f: {  	_ =	shalt  }
0x50: {  	_ =	shalt  }
0x51: {  	_ =	shalt  }
0x52: {  	_ =	shalt  }
0x53: {  	_ =	shalt  }
0x54: {  	_ =	shalt  }
0x55: {  	_ =	shalt  }
0x56: {  	_ =	shalt  }
0x57: {  	_ =	shalt  }
0x58: {  	_ =	shalt  }
0x59: {  	_ =	shalt  }
0x5a: {  	_ =	shalt  }
0x5b: {  	_ =	shalt  }
0x5c: {  	_ =	shalt  }
0x5d: {  	_ =	shalt  }
0x5e: {  	_ =	shalt  }
0x5f: {  	_ =	shalt  }
0x60: {  	_ =	shalt  }
0x61: {  	_ =	shalt  }
0x62: {  	_ =	shalt  }
0x63: {  	_ =	shalt  }
0x64: {  	_ =	shalt  }
0x65: {  	_ =	shalt  }
0x66: {  	_ =	shalt  }
0x67: {  	_ =	shalt  }
0x68: {  	_ =	shalt  }
0x69: {  	_ =	shalt  }
0x6a: {  	_ =	shalt  }
0x6b: {  	_ =	shalt  }
0x6c: {  	_ =	shalt  }
0x6d: {  	_ =	shalt  }
0x6e: {  	_ =	shalt  }
0x6f: {  	_ =	shalt  }
0x70: {  	_ =	shalt  }
0x71: {  	_ =	shalt  }
0x72: {  	_ =	shalt  }
0x73: {  	_ =	shalt  }
0x74: {  	_ =	shalt  }
0x75: {  	_ =	shalt  }
0x76: {  	_ =	shalt  }
0x77: {  	_ =	shalt  }
0x78: {  	_ =	shalt  }
0x79: {  	_ =	shalt  }
0x7a: {  	_ =	shalt  }
0x7b: {  	_ =	shalt  }
0x7c: {  	_ =	shalt  }
0x7d: {  	_ =	shalt  }
0x7e: {  	_ =	shalt  }
0x7f: {  	_ =	shalt  }
0x80: {  	_ =	shalt  }
0x81: {  	_ =	shalt  }
0x82: {  	_ =	shalt  }
0x83: {  	_ =	shalt  }
0x84: {  	_ =	shalt  }
0x85: {  	_ =	shalt  }
0x86: {  	_ =	shalt  }
0x87: {  	_ =	shalt  }
.Lfunc_end0:
.L_simem_size_0:
called_computation_lowered:
.L_overlay_start_0:
0x88: {  	s2 =	sld [smem:$0x3FD9]  }
0x89: {  	s3 =	sld [smem:$0x3FFE];
	_ =	sdelay $0x1  }
0x8a: {  	s1 =	srdreg.scid  }
0x8b: {  	s0 =	sand.u32 $0x1, s1  }
0x8c: {  	s17 =	sshll.u32 s0, $0xA;
	s2 =	sadd.s32 s3, s2  }
0x8d: {  	s2 =	sadd.s32 s2, s17  }
0x8e: {  	[smem:$0x3FC5] =	sst s2  }
0x8f: {  	_ = 	snop  }
0x90: {  	s2 =	sld [smem:$0x3FC9]  }
0x91: {  	s18 =	sld [smem:$0x3FC8]  }
0x92: {  	s4 =	sld [smem:$0x3FC7]  }
0x93: {  	s5 =	sld [smem:$0x3FD0];
	(tm) =	ssettm $0x1  }
0x94: {  	s6 =	sld [smem:$0x3FFB];
	_ =	sdelay $0x3  }
0x95: {  	_ =	strace s6  }
0x96: {  	s6 =	sld [smem:$0x3FFC];
	_ =	sdelay $0x3  }
0x97: {  	_ =	strace s6  }
0x98: {  	s6 =	sld [smem:$0x3FFD];
	_ =	sdelay $0x3  }
0x99: {  	_ =	strace s6  }
0x9a: {  	_ =	strace $0x8FFFFFFF  }
0x9b: {  	s19 =	sld [smem:$0x3FDB];
	_ =	sdelay $0x1  }
0x9c: {  	s7 =	simm.s32 $_scs_section_size  }
0x9d: {  	s8 =	simm.s32 $_size__tile_overlayer_lowered;
	s9 =	simm.s32 $_tile_overlayer_lowered  }
0x9e: {  	s22 =	simm.s32 $0x1BFF;
	s21 =	sshll.u32 s9, $0x1;
	s6 =	sadd.s32 s7, s19  }
0x9f: {  	s10 =	simm.s32 $0x0;
	s20 =	sshll.u32 s8, $0x1;
	s8 =	sadd.s32 s21, s6  }
0xa0: {  	[timem:s10], [sflag:s22] =	dma.local [hbm:s8], s20  }
0xa1: {  	_ =	swait.ge [sflag:s22], s20  }
0xa2: {  	s7 =	ssub.s32 $0x0, s20;
	[sflag:s22] =	ssyncset.done $0x0  }
0xa3: {  	[sflag:s22] =	ssyncadd.s32 s7;
	_ =	sdelay $0x1  }
0xa4: {  	s23 =	simm.s32 $0x1B8B  }
0xa5: {  	_ =	swait.ge [sflag:s23], $0x1  }
0xa6: {  	[sflag:s23] =	ssyncset.done $0x0  }
0xa7: {  	s25 =	simm.s32 $0x1B8E;
	s24 =	sld [smem:$0x3FFE];
	[sflag:s23] =	ssyncadd.s32 $0xFFFFFFFF  }
0xa8: {  	s26 =	simm.s32 $execute0_lowered;
	[smem:$0x3FD2] =	sst s25  }
0xa9: {  	s8 =	sshll.u32 s26, $0x1;
	_ =	strace $0x80000046;
	[dreg:$0x1] =	wrdreg $0xFFFFFFFF  }
0xaa: {  	s28 =	simm.s32 $_size_execute0_lowered;
	s6 =	sadd.s32 s6, s8;
	[dreg:$0x0] =	wrdreg $0x0  }
0xab: {  	s8 =	sshll.u32 s28, $0x1;
	[dreg:$0x2] =	wrdreg s6  }
0xac: {  	[dreg:$0x3] =	wrdreg s8  }
0xad: {  	[dreg:$0x4] =	wrdreg $0xC0  }
0xae: {  	_ =	task [dreg:s10], $0x5FFFF  }
0xaf: {  	[dreg:$0x1] =	wrdreg $0xFFFFFFFF  }
0xb0: {  	[dreg:$0x0] =	wrdreg $0x60  }
0xb1: {  	[dreg:$0x2] =	wrdreg s2  }
0xb2: {  	[dreg:$0x3] =	wrdreg s18  }
0xb3: {  	[dreg:$0x4] =	wrdreg s4  }
0xb4: {  	[dreg:$0x5] =	wrdreg s5  }
0xb5: {  	[dreg:$0x6] =	wrdreg s24  }
0xb6: {  	[dreg:$0x7] =	wrdreg $0x9  }
0xb7: {  	_ =	task.clear_ibuf [dreg:s10], $0x8FFFF;
	_ =	strace $0x90000046  }
0xb8: {  	s29 =	simm.s32 $0x9;
	_ =	strace $0x80000048  }
0xb9: {  	_ =	swait.ge [sflag:s29], $0x1  }
0xba: {  	[sflag:s29] =	ssyncadd.s32 $0xFFFFFFFF  }
0xbb: {  	_ =	strace $0x90000048  }
0xbc: {  	_ =	sfence  }
0xbd: {  	s30 =	sld [smem:$0x0];
	_ =	sdelay $0x2  }
0xbe: {  	s31 =	sshll.u32 s1, $0xD;
	s1 =	sshrl.u32 s1, $0x2  }
0xbf: {  	s3 =	sand.u32 $0x4000, s31;
	s1 =	sadd.s32 s1, s30  }
0xc0: {  	s0 =	sor.u32 s3, s0;
	s1 =	sshll.u32 s1, $0x11  }
0xc1: {  	s0 =	sor.u32 s1, s0  }
0xc2: {  	s0 =	sadd.s32 $0x8F2B, s0  }
0xc3: {  	[sflag:s0] =	ssyncadd.remote.s32 $0x1  }
0xc4: {  	_ =	sfence.sel $0xFFFF  }
0xc5: {  	[dreg:$0x0] =	wrdreg $0xFFFFFFFF;
	(pc) =	sbr.abs _section_cstart, $3  }
0xc6: {  	[dreg:$0x1] =	wrdreg $0xFFFFFFFF  }
0xc7: {  	_ =	task.clear_ibuf [dreg:s10], $0x2FFFF;
	_ =	strace $0x9FFFFFFF  }
0xc8: {  	(tm) =	ssettm $0x7FFFFFFF  }
0xc9: {  	_ =	shalt  }
tec
execute0_lowered:
.L_overlay_start_1:
0x0: {  	(tag) =	ssettag $0x1  }
0x1: {  	v0 =	vimm.s32 $0x1380;
	vm14 =	vcmask $0x300;
	vm13 =	vcmask $0x704  }
0x2: {  	vm12 =	vcmask $0xB08;
	vm11 =	vcmask $0xF0C;
	vm10 =	vcmask $0x1310  }
0x3: {  	vm9 =	vcmask $0x1714;
	vm8 =	vcmask $0x1B18;
	vm7 =	vcmask $0x1F1C  }
0x4: {  	vm6 =	vcmask $0x2320;
	vm4 =	vcmask $0x2724;
	vm5 =	vcmask $0x2B28  }
0x5: {  	vm3 =	vcmask $0x2F2C;
	vm2 =	vcmask $0x3330;
	vm1 =	vcmask $0x3734  }
0x6: {  	vm0 =	vcmask $0x3B38;
	v8 =	vimm.s32 $0x3380;
	v9 =	vimm.s32 $0x5380  }
0x7: {  	v10 =	vimm.s32 $0x7380;
	v0 =	vsel vm14, $0x0, v0;
	v8 =	vsel vm14, $0x2000, v8  }
0x8: {  	v9 =	vsel vm14, $0x4000, v9;
	v10 =	vsel vm14, $0x6000, v10;
	v0 =	vsel vm13, $0x80, v0  }
0x9: {  	s0 =	srdreg.scid;
	s1 =	stileid.u32;
	v8 =	vsel vm13, $0x2080, v8;
	v9 =	vsel vm13, $0x4080, v9;
	v10 =	vsel vm13, $0x6080, v10  }
0xa: {  	s15 =	rddreg [dreg:$0x3];
	s3 =	sand.u32 $0x1, s0;
	s18 =	sshll.u32 s1, $0x1;
	v0 =	vsel vm12, $0x100, v0;
	v8 =	vsel vm12, $0x2100, v8;
	v9 =	vsel vm12, $0x4100, v9  }
0xb: {  	s6 =	rddreg [dreg:$0x4];
	s8 =	simm.s32 $0x0;
	s0 =	sor.u32 s3, s18;
	v10 =	vsel vm12, $0x6100, v10;
	v0 =	vsel vm11, $0x180, v0;
	v8 =	vsel vm11, $0x2180, v8  }
0xc: {  	s28 =	simm.s32 $0x4000;
	s29 =	simm.s32 $0xB000;
	s19 =	smul.u32 $0x7A1, s0;
	v9 =	vsel vm11, $0x4180, v9;
	v10 =	vsel vm11, $0x6180, v10;
	v0 =	vsel vm10, $0x200, v0  }
0xd: {  	s30 =	simm.s32 $0x8000;
	s31 =	simm.s32 $0x9800;
	[smem:$0x7FF] =	sst s8;
	v8 =	vsel vm10, $0x2200, v8;
	v9 =	vsel vm10, $0x4200, v9;
	v10 =	vsel vm10, $0x6200, v10  }
0xe: {  	s10 =	sadd.s32 $0x800, s6;
	s20 =	sadd.s32 $0x80, s15;
	s2 =	sadd.s32 $0x7A1, s19;
	v0 =	vsel vm9, $0x280, v0;
	v8 =	vsel vm9, $0x2280, v8;
	v9 =	vsel vm9, $0x4280, v9  }
0xf: {  	s21 =	sadd.s32 $0x180, s15;
	s1 =	sshrl.u32 s19, $0x5;
	s2 =	sshrl.u32 s2, $0x5;
	v10 =	vsel vm9, $0x6280, v10;
	v0 =	vsel vm8, $0x300, v0;
	v8 =	vsel vm8, $0x2300, v8  }
0x10: {  	p0 =	seq.s32 s0, $0x1F;
	s4 =	sshll.u32 s1, $0x9;
	s5 =	sshll.u32 s2, $0x9;
	v9 =	vsel vm8, $0x4300, v9;
	v10 =	vsel vm8, $0x6300, v10;
	v1 =	vsel vm7, $0x380, v0  }
0x11: {  	s22 =	sadd.s32 $0x200, s15;
	s23 =	sadd.s32 $0x280, s15;
	s5 =	simm.s32 @p0 $0xF4240;
	v0 =	vmov s4;
	v8 =	vsel vm7, $0x2380, v8;
	v9 =	vsel vm7, $0x4380, v9  }
0x12: {  	s24 =	sadd.s32 $0x300, s15;
	s25 =	sadd.s32 $0x380, s15;
	s2 =	ssub.s32 s2, s1;
	v10 =	vsel vm7, $0x6380, v10;
	v2 =	vsel vm6, $0x1000, v1;
	v1 =	vmov s5  }
0x13: {  	s26 =	sadd.s32 $0x100, s15;
	s13 =	smul.u32 $0x60, s2;
	s5 =	rddreg [dreg:$0x2];
	v8 =	vsel vm6, $0x3000, v8;
	v9 =	vsel vm6, $0x5000, v9;
	v10 =	vsel vm6, $0x7000, v10  }
0x14: {  	s3 =	ssub.s32 $0x2, s3;
	_ =	strace $0x80000047;
	[dreg:$0x6] =	wrdreg s20;
	v3 =	vsel vm4, $0x1080, v2;
	v2 =	vmov s2;
	v8 =	vsel vm4, $0x3080, v8  }
0x15: {  	s7 =	sshrl.u32 s3, $0x1;
	p1 =	sne.s32 s0, $0x1F;
	[dreg:$0x7] =	wrdreg s21;
	v9 =	vsel vm4, $0x5080, v9;
	v10 =	vsel vm4, $0x7080, v10;
	v11 =	vmov s13  }
0x16: {  	s0 =	simm.s32 $0x5;
	s3 =	ssub.s32 s3, s7;
	[dreg:$0x8] =	wrdreg s22;
	v4 =	vsel vm5, $0x1100, v3;
	v3 =	vimm.s32 $0x0;
	v8 =	vsel vm5, $0x3100, v8  }
0x17: {  	s14 =	smax.u32 s3, $0x1;
	s3 =	simm.s32 @!p1 $0x0;
	[dreg:$0x9] =	wrdreg s23;
	v9 =	vsel vm5, $0x5100, v9;
	v10 =	vsel vm5, $0x7100, v10;
	v5 =	vsel vm3, $0x1180, v4  }
0x18: {  	s7 =	simm.s32 $0x0;
	s3 =	simm.s32 @p1 $0x1;
	[dreg:$0xa] =	wrdreg s24;
	v4 =	vimm.f32 $0.0e+00;
	v8 =	vsel vm3, $0x3180, v8;
	v9 =	vsel vm3, $0x5180, v9  }
.Ltmp0:
0x19: {  	s12 =	sadd.s32 $0xFFFFFFFE, s2;
	[dreg:$0xb] =	wrdreg s25;
	v10 =	vsel vm3, $0x7180, v10;
	v6 =	vsel vm2, $0x1200, v5;
	v5 =	vlaneseq.u32;
	(pc) =	sbr.rel .LBB2_1-.Ltmp0, $4  }
0x1a: {  	p4 =	slt.s32 s2, $0x1;
	[dreg:$0xc] =	wrdreg s26;
	s22 =	simm.s32 $0x1000;
	v8 =	vsel vm2, $0x3200, v8;
	v9 =	vsel vm2, $0x5200, v9;
	v10 =	vsel vm2, $0x7200, v10  }
0x1b: {  	s23 =	simm.s32 $0x7A1400;
	[smem:$0x7FC] =	sst s3;
	s3 =	simm.s32 @!p4 $0x0;
	v7 =	vsel vm1, $0x1280, v6;
	v6 =	vimm.s32 $0x1;
	v8 =	vsel vm1, $0x3280, v8  }
0x1c: {  	s24 =	simm.s32 $0xB080;
	s9 =	sadd.s32 s5, s4;
	s3 =	simm.s32 @p4 $0x1;
	v9 =	vsel vm1, $0x5280, v9;
	v10 =	vsel vm1, $0x7280, v10;
	v7 =	vsel vm0, $0x1300, v7  }
0x1d: {  	s26 =	simm.s32 $0xB;
	s11 =	sadd.s32 $0x200, s9;
	[smem:$0x7FD] =	sst s3;
	v8 =	vsel vm0, $0x3300, v8;
	v9 =	vsel vm0, $0x5300, v9;
	v10 =	vsel vm0, $0x7300, v10  }
.LBB2_30:
0x1e: {  	s7 =	sadd.s32 $0x1, s7  }
0x1f: {  	p0 =	sne.s32 s7, s14  }
.Ltmp1:
0x20: {  	_ = 	snop;
	(pc) =	sbr.rel @!p0 .LBB2_31-.Ltmp1, $1  }
0x21: {  	_ =	sdelay $0x3  }
.LBB2_1:
0x22: {  	[tilespmem:s24], [sflag:$0x1] =	stream.strided.gather [hbm4b:s9+s22], $0x8000, s23, s22, $0x38;
	[tilespmem:$0x1B280] =	vst v63  }
0x23: {  	s3 =	simm.s32 $0x13080  }
0x24: {  	[tilespmem:s3], [sflag:$0x2] =	stream.strided.gather [hbm4b:s11+s22], $0x8000, s23, s22, $0x38;
	[tilespmem:$0x1B280] =	vst v63  }
0x25: {  	s21 =	rddreg [dreg:$0x0]  }
0x26: {  	[tilespmem:s8], [sflag:$0xB] =	stream.linear.gather [hbm4b:s21+s8], $0x4000, $0x38;
	[tilespmem:$0x1B280] =	vst v63  }
0x27: {  	_ =	swait.ge [sflag:s26], $0x4000  }
0x28: {  	[sflag:s26] =	ssyncset.done $0x0  }
0x29: {  	[sflag:s26] =	ssyncadd.s32 $0xFFFFC000  }
0x2a: {  	s25 =	rddreg [dreg:$0x1]  }
0x2b: {  	[tilespmem:s28], [sflag:$0xB] =	stream.linear.gather [hbm4b:s25+s8], $0x4000, $0x38;
	[tilespmem:$0x1B280] =	vst v63  }
0x2c: {  	_ =	swait.ge [sflag:s26], $0x4000  }
0x2d: {  	[sflag:s26] =	ssyncset.done $0x0  }
.Ltmp2:
0x2e: {  	[sflag:s26] =	ssyncadd.s32 $0xFFFFC000;
	(pc) =	sbr.rel .LBB2_2-.Ltmp2, $4  }
0x2f: {  	[tilespmem:$0xB000] =	vst v3  }
0x30: {  	[tilespmem:$0xB010] =	vst v3  }
0x31: {  	[tilespmem:$0xB020] =	vst v3  }
0x32: {  	s6 =	simm.s32 $0x0;
	[tilespmem:$0xB030] =	vst v3;
	[smem:$0x0] =	sst s8  }
.LBB2_14:
0x33: {  	s6 =	sadd.s32 $0x1, s6  }
0x34: {  	p2 =	sne.s32 s6, $0x200  }
.Ltmp3:
0x35: {  	_ = 	snop;
	(pc) =	sbr.rel @!p2 .LBB2_15-.Ltmp3, $1  }
0x36: {  	_ =	sdelay $0x3  }
.LBB2_2:
0x37: {  	s3 =	sshll.u32 s6, $0x6  }
0x38: {  	v12 =	vld [tilespmem:s3+$0x0];
	_ =	sdelay $0x4  }
0x39: {  	vm0 =	vge.s32 v12, v0;
	vm1 =	vlt.s32 v12, v1  }
0x3a: {  	vm0 =	vmand vm0, vm1  }
0x3b: {  	v13 =	vsel vm0, $0x3F800000, v4  }
0x3c: {  	(xrf0) =	vmax.scan.msk.f32 $0xffff, v13;
	_ =	sdelay $0x5  }
0x3d: {  	v13, _, _ =	vpop (xrf0)  }
0x3e: {  	(v2sf) =	vpush v13, $0xF;
	_ =	sdelay $0xe  }
0x3f: {  	s4 =	spop (v2sf)  }
0x40: {  	p2 =	sgt.f32 s4, $0.0e+00  }
.Ltmp4:
0x41: {  	_ = 	snop;
	(pc) =	sbr.rel @!p2 .LBB2_5-.Ltmp4, $1  }
0x42: {  	_ =	sdelay $0x3  }
0x43: {  	v13 =	vor.u32 s3, v5  }
.LBB2_4:
0x44: {  	v14 =	vmctz.xlane vm0;
	_ =	sdelay $0x1  }
0x45: {  	vm1 =	vne.s32 v14, v5  }
0x46: {  	vm0 =	vmand vm0, vm1  }
0x47: {  	v15 =	vsel vm0, $0x3F800000, v4  }
0x48: {  	(xrf0) =	vmax.scan.msk.f32 $0xffff, v15;
	_ =	sdelay $0x5  }
0x49: {  	v15 =	vperm.xlane v12, v14;
	v17, _, _ =	vpop (xrf0)  }
0x4a: {  	(v2sf) =	vpush v17, $0xF  }
0x4b: {  	v16 =	vsub.s32 v15, v0  }
0x4c: {  	v16 =	vshrl.u32 v16, $0x9;
	_ =	sdelay $0x4  }
0x4d: {  	v63 =	vld.idx.msk [tilespmem:v16+s29+$0x0], $0xffff;
	_ =	sdelay $0x4  }
0x4e: {  	vm1 =	veq.s32 v14, v5;
	v14 =	vmul.u32 $0x60, v16;
	vm2 =	vlt.s32 v63, $0x60  }
0x4f: {  	vm1 =	vmand vm1, vm2  }
0x50: {  	v14 =	vadd.s32 v63, v14  }
0x51: {  	s4 =	spop (v2sf)  }
0x52: {  	p2 =	sgt.f32 s4, $0.0e+00  }
.Ltmp5:
0x53: {  	_ = 	snop;
	(pc) =	sbr.rel @p2 .LBB2_4-.Ltmp5, $4  }
0x54: {  	_ = 	snop  }
0x55: {  	[tilespmem:v14+s30+$0x0] =	vst.idx.msk vm1, v15  }
0x56: {  	[tilespmem:v14+s31+$0x0] =	vst.idx.msk vm1, v13  }
0x57: {  	[tilespmem:v16+s29+$0x0] =	vst.idx.add.s32.msk vm1, v6  }
.LBB2_5:
0x58: {  	s4 =	sor.u32 $0x10, s3  }
0x59: {  	v12 =	vld [tilespmem:s4+$0x0];
	_ =	sdelay $0x4  }
0x5a: {  	vm0 =	vge.s32 v12, v0;
	vm1 =	vlt.s32 v12, v1  }
0x5b: {  	vm0 =	vmand vm0, vm1  }
0x5c: {  	v13 =	vsel vm0, $0x3F800000, v4  }
0x5d: {  	(xrf0) =	vmax.scan.msk.f32 $0xffff, v13;
	_ =	sdelay $0x5  }
0x5e: {  	v13, _, _ =	vpop (xrf0)  }
0x5f: {  	(v2sf) =	vpush v13, $0xF;
	_ =	sdelay $0xe  }
0x60: {  	s15 =	spop (v2sf)  }
0x61: {  	p2 =	sgt.f32 s15, $0.0e+00  }
.Ltmp6:
0x62: {  	_ = 	snop;
	(pc) =	sbr.rel @!p2 .LBB2_8-.Ltmp6, $1  }
0x63: {  	_ =	sdelay $0x3  }
0x64: {  	v13 =	vor.u32 s4, v5  }
.LBB2_7:
0x65: {  	v14 =	vmctz.xlane vm0;
	_ =	sdelay $0x1  }
0x66: {  	vm1 =	vne.s32 v14, v5  }
0x67: {  	vm0 =	vmand vm0, vm1  }
0x68: {  	v15 =	vsel vm0, $0x3F800000, v4  }
0x69: {  	(xrf0) =	vmax.scan.msk.f32 $0xffff, v15;
	_ =	sdelay $0x5  }
0x6a: {  	v15 =	vperm.xlane v12, v14;
	v17, _, _ =	vpop (xrf0)  }
0x6b: {  	(v2sf) =	vpush v17, $0xF  }
0x6c: {  	v16 =	vsub.s32 v15, v0  }
0x6d: {  	v16 =	vshrl.u32 v16, $0x9;
	_ =	sdelay $0x4  }
0x6e: {  	v63 =	vld.idx.msk [tilespmem:v16+s29+$0x0], $0xffff;
	_ =	sdelay $0x4  }
0x6f: {  	vm1 =	veq.s32 v14, v5;
	v14 =	vmul.u32 $0x60, v16;
	vm2 =	vlt.s32 v63, $0x60  }
0x70: {  	vm1 =	vmand vm1, vm2  }
0x71: {  	v14 =	vadd.s32 v63, v14  }
0x72: {  	s4 =	spop (v2sf)  }
0x73: {  	p2 =	sgt.f32 s4, $0.0e+00  }
.Ltmp7:
0x74: {  	_ = 	snop;
	(pc) =	sbr.rel @p2 .LBB2_7-.Ltmp7, $4  }
0x75: {  	_ = 	snop  }
0x76: {  	[tilespmem:v14+s30+$0x0] =	vst.idx.msk vm1, v15  }
0x77: {  	[tilespmem:v14+s31+$0x0] =	vst.idx.msk vm1, v13  }
0x78: {  	[tilespmem:v16+s29+$0x0] =	vst.idx.add.s32.msk vm1, v6  }
.LBB2_8:
0x79: {  	s4 =	sor.u32 $0x20, s3  }
0x7a: {  	v12 =	vld [tilespmem:s4+$0x0];
	_ =	sdelay $0x4  }
0x7b: {  	vm0 =	vge.s32 v12, v0;
	vm1 =	vlt.s32 v12, v1  }
0x7c: {  	vm0 =	vmand vm0, vm1  }
0x7d: {  	v13 =	vsel vm0, $0x3F800000, v4  }
0x7e: {  	(xrf0) =	vmax.scan.msk.f32 $0xffff, v13;
	_ =	sdelay $0x5  }
0x7f: {  	v13, _, _ =	vpop (xrf0)  }
0x80: {  	(v2sf) =	vpush v13, $0xF;
	_ =	sdelay $0xe  }
0x81: {  	s15 =	spop (v2sf)  }
0x82: {  	p2 =	sgt.f32 s15, $0.0e+00  }
.Ltmp8:
0x83: {  	_ = 	snop;
	(pc) =	sbr.rel @!p2 .LBB2_11-.Ltmp8, $1  }
0x84: {  	_ =	sdelay $0x3  }
0x85: {  	v13 =	vor.u32 s4, v5  }
.LBB2_10:
0x86: {  	v14 =	vmctz.xlane vm0;
	_ =	sdelay $0x1  }
0x87: {  	vm1 =	vne.s32 v14, v5  }
0x88: {  	vm0 =	vmand vm0, vm1  }
0x89: {  	v15 =	vsel vm0, $0x3F800000, v4  }
0x8a: {  	(xrf0) =	vmax.scan.msk.f32 $0xffff, v15;
	_ =	sdelay $0x5  }
0x8b: {  	v15 =	vperm.xlane v12, v14;
	v17, _, _ =	vpop (xrf0)  }
0x8c: {  	(v2sf) =	vpush v17, $0xF  }
0x8d: {  	v16 =	vsub.s32 v15, v0  }
0x8e: {  	v16 =	vshrl.u32 v16, $0x9;
	_ =	sdelay $0x4  }
0x8f: {  	v63 =	vld.idx.msk [tilespmem:v16+s29+$0x0], $0xffff;
	_ =	sdelay $0x4  }
0x90: {  	vm1 =	veq.s32 v14, v5;
	v14 =	vmul.u32 $0x60, v16;
	vm2 =	vlt.s32 v63, $0x60  }
0x91: {  	vm1 =	vmand vm1, vm2  }
0x92: {  	v14 =	vadd.s32 v63, v14  }
0x93: {  	s4 =	spop (v2sf)  }
0x94: {  	p2 =	sgt.f32 s4, $0.0e+00  }
.Ltmp9:
0x95: {  	_ = 	snop;
	(pc) =	sbr.rel @p2 .LBB2_10-.Ltmp9, $4  }
0x96: {  	_ = 	snop  }
0x97: {  	[tilespmem:v14+s30+$0x0] =	vst.idx.msk vm1, v15  }
0x98: {  	[tilespmem:v14+s31+$0x0] =	vst.idx.msk vm1, v13  }
0x99: {  	[tilespmem:v16+s29+$0x0] =	vst.idx.add.s32.msk vm1, v6  }
.LBB2_11:
0x9a: {  	s3 =	sor.u32 $0x30, s3  }
0x9b: {  	v12 =	vld [tilespmem:s3+$0x0];
	_ =	sdelay $0x4  }
0x9c: {  	vm0 =	vge.s32 v12, v0;
	vm1 =	vlt.s32 v12, v1  }
0x9d: {  	vm0 =	vmand vm0, vm1  }
0x9e: {  	v13 =	vsel vm0, $0x3F800000, v4  }
0x9f: {  	(xrf0) =	vmax.scan.msk.f32 $0xffff, v13;
	_ =	sdelay $0x5  }
0xa0: {  	v13, _, _ =	vpop (xrf0)  }
0xa1: {  	(v2sf) =	vpush v13, $0xF;
	_ =	sdelay $0xe  }
0xa2: {  	s4 =	spop (v2sf)  }
0xa3: {  	p2 =	sgt.f32 s4, $0.0e+00  }
.Ltmp10:
0xa4: {  	_ = 	snop;
	(pc) =	sbr.rel @!p2 .LBB2_14-.Ltmp10, $1  }
0xa5: {  	_ =	sdelay $0x3  }
0xa6: {  	v13 =	vor.u32 s3, v5  }
.LBB2_13:
0xa7: {  	v14 =	vmctz.xlane vm0;
	_ =	sdelay $0x1  }
0xa8: {  	vm1 =	vne.s32 v14, v5  }
0xa9: {  	vm0 =	vmand vm0, vm1  }
0xaa: {  	v15 =	vsel vm0, $0x3F800000, v4  }
0xab: {  	(xrf0) =	vmax.scan.msk.f32 $0xffff, v15;
	_ =	sdelay $0x5  }
0xac: {  	v15 =	vperm.xlane v12, v14;
	v17, _, _ =	vpop (xrf0)  }
0xad: {  	(v2sf) =	vpush v17, $0xF  }
0xae: {  	v16 =	vsub.s32 v15, v0  }
0xaf: {  	v16 =	vshrl.u32 v16, $0x9;
	_ =	sdelay $0x4  }
0xb0: {  	v63 =	vld.idx.msk [tilespmem:v16+s29+$0x0], $0xffff;
	_ =	sdelay $0x4  }
0xb1: {  	vm1 =	veq.s32 v14, v5;
	v14 =	vmul.u32 $0x60, v16;
	vm2 =	vlt.s32 v63, $0x60  }
0xb2: {  	vm1 =	vmand vm1, vm2  }
0xb3: {  	v14 =	vadd.s32 v63, v14  }
0xb4: {  	s3 =	spop (v2sf)  }
0xb5: {  	p2 =	sgt.f32 s3, $0.0e+00  }
.Ltmp11:
0xb6: {  	_ = 	snop;
	(pc) =	sbr.rel @p2 .LBB2_13-.Ltmp11, $4  }
0xb7: {  	_ = 	snop  }
0xb8: {  	[tilespmem:v14+s30+$0x0] =	vst.idx.msk vm1, v15  }
0xb9: {  	[tilespmem:v14+s31+$0x0] =	vst.idx.msk vm1, v13  }
0xba: {  	[tilespmem:v16+s29+$0x0] =	vst.idx.add.s32.msk vm1, v6  }
.Ltmp12:
0xbb: {  	_ = 	snop;
	(pc) =	sbr.rel .LBB2_14-.Ltmp12, $1  }
0xbc: {  	_ =	sdelay $0x3  }
.LBB2_15:
.Ltmp13:
0xbd: {  	(pc) =	sbr.rel @!p4 .LBB2_16-.Ltmp13, $2  }
0xbe: {  	_ =	sdelay $0x2  }
0xbf: {  	s6 =	simm.s32 $0x0;
	s3 =	simm.s32 $0x0  }
.LBB2_22:
.Ltmp14:
0xc0: {  	(pc) =	sbr.rel @p1 .LBB2_28-.Ltmp14, $1  }
0xc1: {  	_ =	sdelay $0x3  }
0xc2: {  	s3 =	simm.s32 $0x0;
	s4 =	rddreg [dreg:$0x3]  }
0xc3: {  	[tilespmem:s24], [sflag:$0xB] =	stream.linear.gather [hbm4b:s4+s3], $0x400, $0x38;
	[tilespmem:$0x1B280] =	vst v63  }
0xc4: {  	s18 =	rddreg [dreg:$0x6];
	s15 =	simm.s32 $0xC080  }
0xc5: {  	[tilespmem:s15], [sflag:$0xB] =	stream.linear.gather [hbm4b:s18+s3], $0x400, $0x38;
	[tilespmem:$0x1B280] =	vst v63  }
0xc6: {  	s19 =	rddreg [dreg:$0xc];
	s20 =	simm.s32 $0xD080  }
0xc7: {  	[tilespmem:s20], [sflag:$0xB] =	stream.linear.gather [hbm4b:s19+s3], $0x400, $0x38;
	[tilespmem:$0x1B280] =	vst v63  }
0xc8: {  	s21 =	rddreg [dreg:$0x7];
	s25 =	simm.s32 $0xE080  }
0xc9: {  	[tilespmem:s25], [sflag:$0xB] =	stream.linear.gather [hbm4b:s21+s3], $0x400, $0x38;
	[tilespmem:$0x1B280] =	vst v63  }
0xca: {  	s16 =	simm.s32 $0xF080;
	s15 =	rddreg [dreg:$0x8]  }
0xcb: {  	[tilespmem:s16], [sflag:$0xB] =	stream.linear.gather [hbm4b:s15+s3], $0x400, $0x38;
	[tilespmem:$0x1B280] =	vst v63  }
0xcc: {  	s17 =	rddreg [dreg:$0x9];
	s18 =	simm.s32 $0x10080  }
0xcd: {  	[tilespmem:s18], [sflag:$0xB] =	stream.linear.gather [hbm4b:s17+s3], $0x400, $0x38;
	[tilespmem:$0x1B280] =	vst v63  }
0xce: {  	s19 =	rddreg [dreg:$0xa];
	s20 =	simm.s32 $0x11080  }
0xcf: {  	[tilespmem:s20], [sflag:$0xB] =	stream.linear.gather [hbm4b:s19+s3], $0x400, $0x38;
	[tilespmem:$0x1B280] =	vst v63  }
0xd0: {  	s21 =	rddreg [dreg:$0xb];
	s25 =	simm.s32 $0x12080  }
0xd1: {  	[tilespmem:s25], [sflag:$0xB] =	stream.linear.gather [hbm4b:s21+s3], $0x400, $0x38;
	[tilespmem:$0x1B280] =	vst v63  }
.Ltmp15:
0xd2: {  	_ = 	snop;
	(pc) =	sbr.rel .LBB2_24-.Ltmp15, $4  }
0xd3: {  	_ =	swait.ge [sflag:s26], $0x2000  }
0xd4: {  	[sflag:s26] =	ssyncset.done $0x0  }
0xd5: {  	[sflag:s26] =	ssyncadd.s32 $0xFFFFE000  }
0xd6: {  	v12 =	vld.idx.msk [tilespmem:v2+s29+$0x0], $0xffff  }
.LBB2_21:
0xd7: {  	p2 =	sge.s32 s3, s12  }
0xd8: {  	s16 =	sshll.u32 @!p2 s16, $0x9  }
0xd9: {  	s16 =	sand.u32 @!p2 $0x1FFFFE00, s16  }
0xda: {  	s3 =	sadd.s32 $0x1, s3;
	s16 =	sadd.s32 @!p2 s5, s16  }
0xdb: {  	s17 =	simm.s32 @!p2 $0x1000;
	s18 =	simm.s32 @!p2 $0x7A1400;
	s16 =	sadd.s32 @!p2 $0x400, s16  }
0xdc: {  	[tilespmem:s15], [sflag:s4] =	stream.strided.gather @!p2 [hbm4b:s16+s17], $0x8000, s18, s17, $0x38;
	[tilespmem:$0x1B280] =	vst v63  }
0xdd: {  	p2 =	slt.s32 s3, s2  }
.Ltmp16:
0xde: {  	_ = 	snop;
	(pc) =	sbr.rel @!p2 .LBB2_22-.Ltmp16, $1  }
0xdf: {  	_ =	sdelay $0x3  }
.LBB2_16:
0xe0: {  	s15 =	sand.u32 $0x1, s3;
	v12 =	vmov s3  }
.Ltmp17:
0xe1: {  	s4 =	sadd.s32 $0x1, s15;
	(pc) =	sbr.rel .LBB2_17-.Ltmp17, $4  }
0xe2: {  	_ =	swait.ge [sflag:s4], $0x8000  }
0xe3: {  	s16 =	sadd.s32 s1, s3;
	s17 =	smul.u32 $0x60, s3;
	[sflag:s4] =	ssyncset.done $0x0  }
0xe4: {  	s15 =	sshll.u32 s15, $0xF;
	s18 =	sshll.u32 s16, $0x9;
	[sflag:s4] =	ssyncadd.s32 $0xFFFF8000  }
0xe5: {  	s25 =	simm.s32 $0x0;
	s15 =	sadd.s32 $0xB080, s15;
	v13 =	vmov s18;
	v14 =	vmov s17;
	v12 =	vld.idx.msk [tilespmem:v12+s29+$0x0], $0xffff  }
.LBB2_20:
0xe6: {  	s25 =	sadd.s32 $0x1, s25  }
0xe7: {  	p2 =	sne.s32 s25, $0x6  }
.Ltmp18:
0xe8: {  	_ = 	snop;
	(pc) =	sbr.rel @!p2 .LBB2_21-.Ltmp18, $1  }
0xe9: {  	_ =	sdelay $0x3  }
.LBB2_17:
0xea: {  	_ =	sdelay $0x1  }
0xeb: {  	s19 =	sshll.u32 s25, $0x4  }
0xec: {  	v15 =	vor.u32 s19, v5  }
0xed: {  	vm0 =	vlt.s32 v15, v12  }
0xee: {  	v15 =	vsel vm0, $0x3F800000, v4  }
0xef: {  	(xrf0) =	vmax.scan.msk.f32 $0xffff, v15;
	_ =	sdelay $0x5  }
0xf0: {  	v15, _, _ =	vpop (xrf0)  }
0xf1: {  	(v2sf) =	vpush v15, $0xF;
	_ =	sdelay $0xe  }
0xf2: {  	s18 =	spop (v2sf)  }
0xf3: {  	p2 =	sgt.f32 s18, $0.0e+00  }
.Ltmp19:
0xf4: {  	_ = 	snop;
	(pc) =	sbr.rel @!p2 .LBB2_20-.Ltmp19, $2  }
0xf5: {  	_ =	sdelay $0x2  }
0xf6: {  	v15 =	vld.idx.msk [tilespmem:v14+s19+$0x8000 ss:$0x1], $0xffff;
	s18 =	sadd.s32 s17, s19  }
0xf7: {  	v16 =	vld [tilespmem:s18+$0x9800];
	_ =	sdelay $0x4  }
0xf8: {  	v16 =	vxor.u32 $0x80000000, v16  }
.LBB2_19:
0xf9: {  	v17 =	vmctz.xlane vm0;
	_ =	sdelay $0x1  }
0xfa: {  	vm1 =	vne.s32 v17, v5  }
0xfb: {  	v18 =	vsel vm1, $0x0, v16  }
0xfc: {  	(xrf0) =	vmax.scan.msk.u32 $0xffff, v18;
	_ =	sdelay $0x5  }
0xfd: {  	v18, _, _ =	vpop (xrf0)  }
0xfe: {  	(v2sf) =	vpush v18, $0xF;
	_ =	sdelay $0x7  }
0xff: {  	v17 =	vperm.xlane v15, v17;
	_ =	sdelay $0x1  }
0x100: {  	s18 =	sshra.s32 s6, $0x1F;
	v18 =	vsub.s32 v17, v13  }
0x101: {  	s18 =	sshrl.u32 s18, $0x1D;
	v18 =	vshll.u32 v18, $0x3  }
0x102: {  	s18 =	sadd.s32 s18, s6;
	v17 =	vand.u32 $0x7F, v17;
	v18 =	vand.u32 $0xFFFFFC00, v18  }
0x103: {  	s18 =	sand.u32 $0xFFFFFFF8, s18;
	v17 =	vor.u32 v17, v18  }
0x104: {  	p2 =	slt.s32 s6, $0x8;
	s18 =	ssub.s32 s6, s18;
	v18 =	vadd.s32 v7, v17  }
0x105: {  	s20 =	sadd.s32 @!p2 $0x3, s18;
	s19 =	spop (v2sf)  }
0x106: {  	_ =	swait.ge @!p2 [sflag:s20], $0x40  }
0x107: {  	[sflag:s20] =	ssyncset.done @!p2 $0x0  }
0x108: {  	[sflag:s20] =	ssyncadd.s32 @!p2 $0xFFFFFFC0  }
0x109: {  	v18 =	vld.idx.msk [tilespmem:v18+s15+$0x0], $0xffff  }
0x10a: {  	vm0 =	vmand vm0, vm1;
	v19 =	vadd.s32 v8, v17  }
0x10b: {  	v20 =	vsel vm0, $0x3F800000, v4  }
0x10c: {  	s21 =	sshll.u32 s18, $0x8;
	(xrf0) =	vmax.scan.msk.f32 $0xffff, v20  }
0x10d: {  	s20 =	sshra.s32 s21, $0x2  }
0x10e: {  	[tilespmem:s20+$0x1B080] =	vst v18  }
0x10f: {  	v18 =	vld.idx.msk [tilespmem:v19+s15+$0x0], $0xffff  }
0x110: {  	v19 =	vadd.s32 v9, v17;
	_ =	sdelay $0x1  }
0x111: {  	v20, _, _ =	vpop (xrf0)  }
0x112: {  	(v2sf) =	vpush v20, $0xF  }
0x113: {  	[tilespmem:s20+$0x1B090] =	vst v18  }
0x114: {  	v18 =	vld.idx.msk [tilespmem:v19+s15+$0x0], $0xffff  }
0x115: {  	v17 =	vadd.s32 v10, v17;
	_ =	sdelay $0x3  }
0x116: {  	[tilespmem:s20+$0x1B0A0] =	vst v18  }
0x117: {  	v17 =	vld.idx.msk [tilespmem:v17+s15+$0x0], $0xffff;
	_ =	sdelay $0x2  }
0x118: {  	s19 =	sshll.u32 s19, $0x3  }
0x119: {  	s19 =	sand.u32 $0x1FFFFFF8, s19  }
0x11a: {  	s18 =	sadd.s32 $0x3, s18;
	s19 =	sadd.s32 s10, s19;
	s21 =	sadd.s32 $0x1B080, s20;
	[tilespmem:s20+$0x1B0B0] =	vst v17  }
0x11b: {  	[hbm4b:s19+s8] =	stream.linear.scatter [tilespmem:s21], [sflag:s18], $0x40, $0x38;
	[tilespmem:$0x1B280] =	vst v63  }
0x11c: {  	s21 =	spop (v2sf)  }
0x11d: {  	p2 =	sgt.f32 s21, $0.0e+00  }
.Ltmp20:
0x11e: {  	_ = 	snop;
	(pc) =	sbr.rel @p2 .LBB2_19-.Ltmp20, $3  }
0x11f: {  	_ =	sdelay $0x1  }
0x120: {  	s6 =	sadd.s32 $0x1, s6  }
0x121: {  	[smem:$0x0] =	sst s6  }
.Ltmp21:
0x122: {  	_ = 	snop;
	(pc) =	sbr.rel .LBB2_20-.Ltmp21, $1  }
0x123: {  	_ =	sdelay $0x3  }
.LBB2_27:
0x124: {  	s3 =	sadd.s32 $0x1, s3  }
0x125: {  	p2 =	sne.s32 s3, $0x6  }
.Ltmp22:
0x126: {  	_ = 	snop;
	(pc) =	sbr.rel @!p2 .LBB2_28-.Ltmp22, $1  }
0x127: {  	_ =	sdelay $0x3  }
.LBB2_24:
0x128: {  	_ =	sdelay $0x1  }
0x129: {  	s15 =	sshll.u32 s3, $0x4  }
0x12a: {  	v13 =	vor.u32 s15, v5  }
0x12b: {  	vm0 =	vlt.s32 v13, v12  }
0x12c: {  	v13 =	vsel vm0, $0x3F800000, v4  }
0x12d: {  	(xrf0) =	vmax.scan.msk.f32 $0xffff, v13;
	_ =	sdelay $0x5  }
0x12e: {  	v13, _, _ =	vpop (xrf0)  }
0x12f: {  	(v2sf) =	vpush v13, $0xF;
	_ =	sdelay $0xe  }
0x130: {  	s4 =	spop (v2sf)  }
0x131: {  	p2 =	sgt.f32 s4, $0.0e+00  }
.Ltmp23:
0x132: {  	_ = 	snop;
	(pc) =	sbr.rel @!p2 .LBB2_27-.Ltmp23, $2  }
0x133: {  	_ =	sdelay $0x2  }
0x134: {  	v13 =	vld.idx.msk [tilespmem:v11+s15+$0x8000 ss:$0x1], $0xffff;
	s4 =	sadd.s32 s13, s15  }
0x135: {  	v14 =	vld [tilespmem:s4+$0x9800];
	_ =	sdelay $0x4  }
0x136: {  	v14 =	vxor.u32 $0x80000000, v14  }
.LBB2_26:
0x137: {  	v15 =	vmctz.xlane vm0;
	_ =	sdelay $0x1  }
0x138: {  	vm1 =	vne.s32 v15, v5  }
0x139: {  	v16 =	vsel vm1, $0x0, v14  }
0x13a: {  	(xrf0) =	vmax.scan.msk.u32 $0xffff, v16;
	_ =	sdelay $0x5  }
0x13b: {  	v16, _, _ =	vpop (xrf0)  }
0x13c: {  	(v2sf) =	vpush v16, $0xF;
	_ =	sdelay $0x9  }
0x13d: {  	s4 =	sshra.s32 s6, $0x1F;
	v15 =	vperm.xlane v13, v15  }
0x13e: {  	s4 =	sshrl.u32 s4, $0x1D  }
0x13f: {  	s4 =	sadd.s32 s4, s6;
	v15 =	vadd.s32 $0xFFF0BE40, v15  }
0x140: {  	s4 =	sand.u32 $0xFFFFFFF8, s4;
	v62 =	vshll.u32 v15, $0x3  }
0x141: {  	p2 =	slt.s32 s6, $0x8;
	s4 =	ssub.s32 s6, s4;
	v15 =	vand.u32 $0x7F, v15;
	v16 =	vand.u32 $0xFFFFFC00, v62  }
0x142: {  	vm0 =	vmand vm0, vm1;
	s16 =	sadd.s32 @!p2 $0x3, s4;
	v15 =	vor.u32 v15, v16;
	s15 =	spop (v2sf)  }
0x143: {  	v18 =	vsel vm0, $0x3F800000, v4;
	v16 =	vadd.s32 v7, v15;
	_ =	swait.ge @!p2 [sflag:s16], $0x40  }
0x144: {  	(xrf0) =	vmax.scan.msk.f32 $0xffff, v18;
	_ =	sdelay $0x1  }
0x145: {  	[sflag:s16] =	ssyncset.done @!p2 $0x0  }
0x146: {  	[sflag:s16] =	ssyncadd.s32 @!p2 $0xFFFFFFC0  }
0x147: {  	v16 =	vld.idx.msk [tilespmem:v16+s24+$0x0], $0xffff  }
0x148: {  	v17 =	vadd.s32 v8, v15  }
0x149: {  	v18, _, _ =	vpop (xrf0)  }
0x14a: {  	s21 =	sshll.u32 s4, $0x8;
	(v2sf) =	vpush v18, $0xF  }
0x14b: {  	s16 =	sshra.s32 s21, $0x2  }
0x14c: {  	[tilespmem:s16+$0x1B080] =	vst v16  }
0x14d: {  	v16 =	vld.idx.msk [tilespmem:v17+s24+$0x0], $0xffff  }
0x14e: {  	v63 =	vadd.s32 v9, v15;
	_ =	sdelay $0x3  }
0x14f: {  	[tilespmem:s16+$0x1B090] =	vst v16  }
0x150: {  	v16 =	vld.idx.msk [tilespmem:v63+s24+$0x0], $0xffff  }
0x151: {  	v15 =	vadd.s32 v10, v15;
	_ =	sdelay $0x3  }
0x152: {  	[tilespmem:s16+$0x1B0A0] =	vst v16  }
0x153: {  	v15 =	vld.idx.msk [tilespmem:v15+s24+$0x0], $0xffff;
	s25 =	spop (v2sf)  }
0x154: {  	p2 =	sgt.f32 s25, $0.0e+00  }
.Ltmp24:
0x155: {  	_ = 	snop;
	(pc) =	sbr.rel @p2 .LBB2_26-.Ltmp24, $4  }
0x156: {  	s15 =	sshll.u32 s15, $0x3  }
0x157: {  	s6 =	sadd.s32 $0x1, s6;
	s4 =	sadd.s32 $0x3, s4;
	s15 =	sand.u32 $0x1FFFFFF8, s15  }
0x158: {  	s15 =	sadd.s32 s10, s15;
	s17 =	sadd.s32 $0x1B080, s16;
	[smem:$0x0] =	sst s6;
	[tilespmem:s16+$0x1B0B0] =	vst v15  }
0x159: {  	[hbm4b:s15+s8] =	stream.linear.scatter [tilespmem:s17], [sflag:s4], $0x40, $0x38;
	[tilespmem:$0x1B280] =	vst v63  }
.Ltmp25:
0x15a: {  	_ = 	snop;
	(pc) =	sbr.rel .LBB2_27-.Ltmp25, $1  }
0x15b: {  	_ =	sdelay $0x3  }
.LBB2_28:
0x15c: {  	p2 =	slt.s32 s6, $0x1  }
0x15d: {  	s3 =	simm.s32 @!p2 $0x3  }
0x15e: {  	p3 =	seq.s32 @!p2 s6, $0x1;
	_ =	swait.ge @!p2 [sflag:s3], $0x40  }
0x15f: {  	p3 =	por p2, p3;
	[sflag:s3] =	ssyncset.done @!p2 $0x0  }
0x160: {  	[sflag:s3] =	ssyncadd.s32 @!p2 $0xFFFFFFC0;
	p2 =	slt.u32 @!p3 s6, $0x3  }
0x161: {  	p2 =	por p3, p2  }
.Ltmp26:
0x162: {  	_ = 	snop;
	(pc) =	sbr.rel @p2 .LBB2_30-.Ltmp26, $4  }
0x163: {  	s3 =	simm.s32 @!p3 $0x4  }
0x164: {  	_ =	swait.ge @!p3 [sflag:s3], $0x40  }
0x165: {  	[sflag:s3] =	ssyncset.done @!p3 $0x0  }
0x166: {  	[sflag:s3] =	ssyncadd.s32 @!p3 $0xFFFFFFC0  }
0x167: {  	p2 =	seq.s32 s6, $0x3  }
0x168: {  	p3 =	slt.u32 @!p2 s6, $0x5  }
0x169: {  	p4 =	por p3, p2  }
0x16a: {  	_ =	swait.ge [sflag:s0], $0x40;
	p5 =	seq.s32 @!p4 s6, $0x5  }
0x16b: {  	[sflag:s0] =	ssyncset.done $0x0;
	s4 =	simm.s32 @!p5 $0x0;
	p6 =	por @!p2 p5, p3  }
0x16c: {  	s3 =	simm.s32 @!p2 $0x6;
	s4 =	simm.s32 @p5 $0x1;
	p6 =	por p6, p2  }
0x16d: {  	[sflag:s0] =	ssyncadd.s32 $0xFFFFFFC0;
	[smem:$0x7FB] =	sst s4;
	p0 =	slt.u32 @!p6 s6, $0x7  }
0x16e: {  	_ =	swait.ge @!p2 [sflag:s3], $0x40;
	s4 =	simm.s32 @!p0 $0x0  }
0x16f: {  	[sflag:s3] =	ssyncset.done @!p2 $0x0;
	s4 =	simm.s32 @p0 $0x1  }
0x170: {  	[sflag:s3] =	ssyncadd.s32 @!p2 $0xFFFFFFC0;
	s3 =	simm.s32 @!p4 $0x7;
	[smem:$0x7FA] =	sst s4  }
0x171: {  	_ =	swait.ge @!p4 [sflag:s3], $0x40  }
0x172: {  	[sflag:s3] =	ssyncset.done @!p4 $0x0  }
0x173: {  	[sflag:s3] =	ssyncadd.s32 @!p4 $0xFFFFFFC0;
	s3 =	simm.s32 @!p6 $0x8  }
0x174: {  	_ =	swait.ge @!p6 [sflag:s3], $0x40  }
0x175: {  	p1 =	por @!p4 p0, p5;
	s19 =	sld [smem:$0x7FA]  }
0x176: {  	p1 =	por @!p2 p1, p3;
	s20 =	sld [smem:$0x7FB]  }
0x177: {  	p1 =	por p1, p2  }
0x178: {  	p0 =	seq.s32 @!p1 s6, $0x7;
	p5 =	seq.s32 s19, $0x1  }
0x179: {  	[sflag:s3] =	ssyncset.done @!p6 $0x0;
	p0 =	por @!p6 p0, p5;
	p5 =	seq.s32 s20, $0x1  }
0x17a: {  	[sflag:s3] =	ssyncadd.s32 @!p6 $0xFFFFFFC0;
	s3 =	simm.s32 @!p1 $0x9;
	p0 =	por @!p4 p0, p5  }
0x17b: {  	s21 =	sld [smem:$0x7FD];
	_ =	swait.ge @!p1 [sflag:s3], $0x40;
	p0 =	por @!p2 p0, p3  }
.Ltmp27:
0x17c: {  	[sflag:s3] =	ssyncset.done @!p1 $0x0;
	p0 =	por p0, p2;
	(pc) =	sbr.rel .LBB2_30-.Ltmp27, $4  }
0x17d: {  	s25 =	sld [smem:$0x7FC];
	[sflag:s3] =	ssyncadd.s32 @!p1 $0xFFFFFFC0;
	s3 =	simm.s32 @!p0 $0xA  }
0x17e: {  	_ =	swait.ge @!p0 [sflag:s3], $0x40  }
0x17f: {  	[sflag:s3] =	ssyncset.done @!p0 $0x0  }
0x180: {  	p4 =	seq.s32 s21, $0x1;
	p1 =	seq.s32 s25, $0x1;
	[sflag:s3] =	ssyncadd.s32 @!p0 $0xFFFFFFC0  }
.LBB2_31:
0x181: {  	_ =	sfence.sel $0x180000  }
0x182: {  	[bflag:$0x0] =	sbarrier.arrive $0xFFFF  }
0x183: {  	_ =	strace $0x90000047  }
0x184: {  	s0 =	stileid.u32;
	[bflag:$0x2] =	sbarrier.arrive $0xFFFF  }
0x185: {  	p0 =	sne.s32 s0, $0x0;
	s0 =	rddreg [dreg:$0x5]  }
0x186: {  	s0 =	sadd.s32 @!p0 $0x100000, s0  }
0x187: {  	[sflag:s0] =	ssyncadd.tile.s32 @!p0 $0x1;
	_ =	shalt  }
.Lfunc_end2:
_tile_overlayer_lowered:
.L_overlay_start_2:
0x188: {  	(tag) =	ssettag $0x2  }
0x189: {  	s0 =	rddreg [dreg:$0x0];
	s2 =	stileid.u32  }
0x18a: {  	s1 =	rddreg [dreg:$0x1];
	p0 =	sne.s32 s2, $0x0  }
0x18b: {  	s3 =	rddreg [dreg:$0x2];
	[bflag:$0x3] =	sbarrier.arrive $0xFFFF;
	s2 =	simm.s32 @!p0 $0x1C0B  }
0x18c: {  	[timem:s3], [sflag:s2] =	dma.local @!p0 [hbm:s0], s1  }
0x18d: {  	s0 =	simm.s32 @!p0 $0xB  }
0x18e: {  	_ =	swait.ge @!p0 [sflag:s0], s1  }
0x18f: {  	s1 =	ssub.s32 @!p0 $0x0, s1;
	[sflag:s0] =	ssyncset.done @!p0 $0x0  }
0x190: {  	[sflag:s0] =	ssyncadd.s32 @!p0 s1  }
0x191: {  	[bflag:$0x3] =	sbarrier.arrive $0xFFFF  }
0x192: {  	_ =	shalt  }

// kernel: kernel.7.cloned.1.call-start
scs
__scs_entry_jumppad:
0x0: {  	(pc) =	sbr.rel $0x88, $3  }
0x1: {  	(tag) =	ssettag $0x0;
	lr =	simm.s32 $0x1  }
0x2: {  	[smem:$0x3F9E] =	sst lr;
	_ =	strace $0xD0000000  }
0x3: {  	_ = 	snop  }
0x4: {  	_ = 	snop  }
0x5: {  	_ = 	snop  }
0x6: {  	_ = 	snop  }
0x7: {  	_ = 	snop  }
__scs_overlays_trampoline_lowered:
0x8: {  	[smem:$0x3FAD] =	sst s0  }
0x9: {  	[smem:$0x3FAE] =	sst s1  }
0xa: {  	[smem:$0x3FAF] =	sst s2  }
0xb: {  	[smem:$0x3FB0] =	sst s3  }
0xc: {  	[smem:$0x3FB1] =	sst s4  }
0xd: {  	[smem:$0x3FB2] =	sst s5  }
0xe: {  	[smem:$0x3FB3] =	sst s6  }
0xf: {  	[smem:$0x3FB4] =	sst s7  }
0x10: {  	[smem:$0x3FB5] =	sst s8  }
0x11: {  	[smem:$0x3FB6] =	sst s9;
	s0 =	simm.s32 @!p0 $0x0  }
0x12: {  	s1 =	sld [smem:$0x3F9C];
	s0 =	simm.s32 @p0 $0x1  }
0x13: {  	[smem:$0x3FB7] =	sst s0;
	s0 =	simm.s32 @!p1 $0x0  }
0x14: {  	s2 =	sld [smem:$0x3F9B];
	s0 =	simm.s32 @p1 $0x1  }
0x15: {  	[smem:$0x3FB8] =	sst s0;
	s0 =	simm.s32 @!p2 $0x0  }
0x16: {  	s3 =	sld [smem:$0x3FDB];
	s0 =	simm.s32 @p2 $0x1  }
0x17: {  	s4 =	simm.s32 $0x1BF5;
	[smem:$0x3FBA] =	sst s0  }
0x18: {  	s0 =	sld [smem:$0x3F9D];
	_ =	swait.ge [sflag:s4], $0x0  }
0x19: {  	s7 =	sld [smem:$0x3F9E]  }
0x1a: {  	s8 =	sadd.s32 $0xFFFFE003, lr  }
0x1b: {  	s9 =	sadd.s32 $0xFFFFFEF7, lr;
	s5 =	simm.s32 $0xFFFFFFFF;
	p2 =	slt.u32 s8, $0xFFFFF086  }
0x1c: {  	p1 =	slt.u32 s9, $0xF7A;
	s5 =	simm.s32 @!p2 $0x0  }
0x1d: {  	s5 =	simm.s32 @p1 $0x1;
	p0 =	seq.s32 s7, s2  }
0x1e: {  	s7 =	smul.u32 @!p0 $0xF7A, s2;
	p2 =	seq.s32 @!p0 s5, $0x0  }
0x1f: {  	s9 =	smul.u32 $0xF7A, s1;
	s8 =	simm.s32 @!p0 $0x1BF5;
	p2 =	por !p2, p0  }
0x20: {  	[sflag:s8] =	ssyncset.s32 @!p0 $0xFFFFF086;
	s6 =	sadd.s32 @!p0 s3, s7;
	s7 =	simm.s32 @!p0 $0x108  }
0x21: {  	s3 =	sadd.s32 s3, s9;
	s6 =	sadd.s32 @!p0 $0x88, s6;
	s7 =	simm.s32 @p2 $0x1082  }
0x22: {  	[simem:s7], [sflag:s8] =	dma.local @!p0 [hbm:s6], $0xF7A  }
0x23: {  	s9 =	sor.u32 $0xD0000000, s2;
	s6 =	simm.s32 $0x108;
	_ =	swait.ge @!p0 [sflag:s8], $0x0  }
0x24: {  	s3 =	sadd.s32 $0x88, s3;
	s6 =	simm.s32 @!p1 $0x1082;
	[sflag:s4] =	ssyncset.s32 $0xFFFFF086  }
0x25: {  	[simem:s6], [sflag:s4] =	dma.local [hbm:s3], $0xF7A  }
0x26: {  	[smem:$0x3F9E] =	sst s1;
	(tag) =	ssettag s2;
	_ =	strace s9  }
0x27: {  	s1 =	sld [smem:$0x3FAE]  }
0x28: {  	s2 =	sld [smem:$0x3FAF]  }
0x29: {  	s4 =	sld [smem:$0x3FB1]  }
0x2a: {  	p0 =	seq.s32 s5, $0x0;
	s5 =	sld [smem:$0x3FB2]  }
0x2b: {  	s6 =	sld [smem:$0x3FB3]  }
0x2c: {  	s7 =	sld [smem:$0x3FB4]  }
0x2d: {  	s3 =	simm.s32 $0x108;
	s8 =	sld [smem:$0x3FB5]  }
0x2e: {  	s3 =	simm.s32 @!p0 $0x1082;
	s9 =	sld [smem:$0x3FB6]  }
0x2f: {  	lr =	sadd.s32 s0, s3;
	s0 =	sld [smem:$0x3FAD]  }
0x30: {  	s3 =	sld [smem:$0x3FB0]  }
0x31: {  	[smem:$0x3FB9] =	sst s10  }
0x32: {  	s10 =	sld [smem:$0x3FB7];
	_ =	sdelay $0x3  }
0x33: {  	p0 =	seq.s32 s10, $0x1;
	s10 =	sld [smem:$0x3FB9];
	_ =	sdelay $0x3  }
0x34: {  	[smem:$0x3FB9] =	sst s10  }
0x35: {  	s10 =	sld [smem:$0x3FB8];
	_ =	sdelay $0x3  }
0x36: {  	p1 =	seq.s32 s10, $0x1;
	s10 =	sld [smem:$0x3FB9];
	_ =	sdelay $0x3  }
0x37: {  	[smem:$0x3FB9] =	sst s10  }
0x38: {  	s10 =	sld [smem:$0x3FBA]  }
0x39: {  	_ = 	snop;
	(pc) =	sbr.ind lr, $3  }
0x3a: {  	_ = 	snop  }
0x3b: {  	_ = 	snop  }
0x3c: {  	p2 =	seq.s32 s10, $0x1;
	s10 =	sld [smem:$0x3FB9]  }
0x3d: {  	_ =	shalt  }
0x3e: {  	_ =	shalt  }
0x3f: {  	_ =	shalt  }
0x40: {  	_ =	shalt  }
0x41: {  	_ =	shalt  }
0x42: {  	_ =	shalt  }
0x43: {  	_ =	shalt  }
0x44: {  	_ =	shalt  }
0x45: {  	_ =	shalt  }
0x46: {  	_ =	shalt  }
0x47: {  	_ =	shalt  }
0x48: {  	_ =	shalt  }
0x49: {  	_ =	shalt  }
0x4a: {  	_ =	shalt  }
0x4b: {  	_ =	shalt  }
0x4c: {  	_ =	shalt  }
0x4d: {  	_ =	shalt  }
0x4e: {  	_ =	shalt  }
0x4f: {  	_ =	shalt  }
0x50: {  	_ =	shalt  }
0x51: {  	_ =	shalt  }
0x52: {  	_ =	shalt  }
0x53: {  	_ =	shalt  }
0x54: {  	_ =	shalt  }
0x55: {  	_ =	shalt  }
0x56: {  	_ =	shalt  }
0x57: {  	_ =	shalt  }
0x58: {  	_ =	shalt  }
0x59: {  	_ =	shalt  }
0x5a: {  	_ =	shalt  }
0x5b: {  	_ =	shalt  }
0x5c: {  	_ =	shalt  }
0x5d: {  	_ =	shalt  }
0x5e: {  	_ =	shalt  }
0x5f: {  	_ =	shalt  }
0x60: {  	_ =	shalt  }
0x61: {  	_ =	shalt  }
0x62: {  	_ =	shalt  }
0x63: {  	_ =	shalt  }
0x64: {  	_ =	shalt  }
0x65: {  	_ =	shalt  }
0x66: {  	_ =	shalt  }
0x67: {  	_ =	shalt  }
0x68: {  	_ =	shalt  }
0x69: {  	_ =	shalt  }
0x6a: {  	_ =	shalt  }
0x6b: {  	_ =	shalt  }
0x6c: {  	_ =	shalt  }
0x6d: {  	_ =	shalt  }
0x6e: {  	_ =	shalt  }
0x6f: {  	_ =	shalt  }
0x70: {  	_ =	shalt  }
0x71: {  	_ =	shalt  }
0x72: {  	_ =	shalt  }
0x73: {  	_ =	shalt  }
0x74: {  	_ =	shalt  }
0x75: {  	_ =	shalt  }
0x76: {  	_ =	shalt  }
0x77: {  	_ =	shalt  }
0x78: {  	_ =	shalt  }
0x79: {  	_ =	shalt  }
0x7a: {  	_ =	shalt  }
0x7b: {  	_ =	shalt  }
0x7c: {  	_ =	shalt  }
0x7d: {  	_ =	shalt  }
0x7e: {  	_ =	shalt  }
0x7f: {  	_ =	shalt  }
0x80: {  	_ =	shalt  }
0x81: {  	_ =	shalt  }
0x82: {  	_ =	shalt  }
0x83: {  	_ =	shalt  }
0x84: {  	_ =	shalt  }
0x85: {  	_ =	shalt  }
0x86: {  	_ =	shalt  }
0x87: {  	_ =	shalt  }
.Lfunc_end0:
.L_simem_size_0:
called_computation.1_lowered:
.L_overlay_start_0:
0x88: {  	s2 =	sld [smem:$0x3FD9]  }
0x89: {  	s3 =	sld [smem:$0x3FFE];
	_ =	sdelay $0x1  }
0x8a: {  	s1 =	srdreg.scid  }
0x8b: {  	s0 =	sand.u32 $0x1, s1  }
0x8c: {  	s17 =	sshll.u32 s0, $0xA;
	s2 =	sadd.s32 s3, s2  }
0x8d: {  	s2 =	sadd.s32 s2, s17  }
0x8e: {  	[smem:$0x3FC5] =	sst s2  }
0x8f: {  	_ = 	snop  }
0x90: {  	s2 =	sld [smem:$0x3FD0];
	(tm) =	ssettm $0x1  }
0x91: {  	s18 =	sld [smem:$0x3FFB];
	_ =	sdelay $0x3  }
0x92: {  	_ =	strace s18  }
0x93: {  	s3 =	sld [smem:$0x3FFC];
	_ =	sdelay $0x3  }
0x94: {  	_ =	strace s3  }
0x95: {  	s3 =	sld [smem:$0x3FFD];
	_ =	sdelay $0x3  }
0x96: {  	_ =	strace s3  }
0x97: {  	_ =	strace $0x8FFFFFFF  }
0x98: {  	s19 =	sld [smem:$0x3FDB];
	_ =	sdelay $0x1  }
0x99: {  	s4 =	simm.s32 $_scs_section_size  }
0x9a: {  	s5 =	simm.s32 $_size__tile_overlayer_lowered;
	s6 =	simm.s32 $_tile_overlayer_lowered  }
0x9b: {  	s22 =	simm.s32 $0x1BFF;
	s21 =	sshll.u32 s6, $0x1;
	s3 =	sadd.s32 s4, s19  }
0x9c: {  	s7 =	simm.s32 $0x0;
	s20 =	sshll.u32 s5, $0x1;
	s5 =	sadd.s32 s21, s3  }
0x9d: {  	[timem:s7], [sflag:s22] =	dma.local [hbm:s5], s20  }
0x9e: {  	_ =	swait.ge [sflag:s22], s20  }
0x9f: {  	s4 =	ssub.s32 $0x0, s20;
	[sflag:s22] =	ssyncset.done $0x0  }
0xa0: {  	[sflag:s22] =	ssyncadd.s32 s4;
	_ =	sdelay $0x1  }
0xa1: {  	s23 =	simm.s32 $0x1B8B  }
0xa2: {  	_ =	swait.ge [sflag:s23], $0x1  }
0xa3: {  	[sflag:s23] =	ssyncset.done $0x0  }
0xa4: {  	s25 =	simm.s32 $0x1B8E;
	s24 =	sld [smem:$0x3FFE];
	[sflag:s23] =	ssyncadd.s32 $0xFFFFFFFF  }
0xa5: {  	s26 =	simm.s32 $execute0_lowered;
	[smem:$0x3FD2] =	sst s25  }
0xa6: {  	s5 =	sshll.u32 s26, $0x1;
	_ =	strace $0x80000049;
	[dreg:$0x1] =	wrdreg $0xFFFFFFFF  }
0xa7: {  	s28 =	simm.s32 $_size_execute0_lowered;
	s3 =	sadd.s32 s3, s5;
	[dreg:$0x0] =	wrdreg $0x0  }
0xa8: {  	s5 =	sshll.u32 s28, $0x1;
	[dreg:$0x2] =	wrdreg s3  }
0xa9: {  	[dreg:$0x3] =	wrdreg s5  }
0xaa: {  	[dreg:$0x4] =	wrdreg $0xC0  }
0xab: {  	_ =	task [dreg:s7], $0x5FFFF  }
0xac: {  	[dreg:$0x1] =	wrdreg $0xFFFFFFFF  }
0xad: {  	[dreg:$0x0] =	wrdreg $0x60  }
0xae: {  	[dreg:$0x2] =	wrdreg s24  }
0xaf: {  	[dreg:$0x3] =	wrdreg s2  }
0xb0: {  	[dreg:$0x4] =	wrdreg $0x9  }
0xb1: {  	_ =	task.clear_ibuf [dreg:s7], $0x5FFFF;
	_ =	strace $0x90000049  }
0xb2: {  	s29 =	simm.s32 $0x9;
	_ =	strace $0x8000004B  }
0xb3: {  	_ =	swait.ge [sflag:s29], $0x1  }
0xb4: {  	[sflag:s29] =	ssyncadd.s32 $0xFFFFFFFF  }
0xb5: {  	_ =	strace $0x9000004B  }
0xb6: {  	_ =	sfence  }
0xb7: {  	s30 =	sld [smem:$0x0];
	_ =	sdelay $0x2  }
0xb8: {  	s31 =	sshll.u32 s1, $0xD;
	s1 =	sshrl.u32 s1, $0x2  }
0xb9: {  	s3 =	sand.u32 $0x4000, s31;
	s1 =	sadd.s32 s1, s30  }
0xba: {  	s0 =	sor.u32 s3, s0;
	s1 =	sshll.u32 s1, $0x11  }
0xbb: {  	s0 =	sor.u32 s1, s0  }
0xbc: {  	s0 =	sadd.s32 $0x8F2B, s0  }
0xbd: {  	[sflag:s0] =	ssyncadd.remote.s32 $0x1  }
0xbe: {  	_ =	sfence.sel $0xFFFF  }
0xbf: {  	[dreg:$0x0] =	wrdreg $0xFFFFFFFF;
	(pc) =	sbr.abs _section_cstart, $3  }
0xc0: {  	[dreg:$0x1] =	wrdreg $0xFFFFFFFF  }
0xc1: {  	_ =	task.clear_ibuf [dreg:s7], $0x2FFFF;
	_ =	strace $0x9FFFFFFF  }
0xc2: {  	(tm) =	ssettm $0x7FFFFFFF  }
0xc3: {  	_ =	shalt  }
tec
execute0_lowered:
.L_overlay_start_1:
0x0: {  	(tag) =	ssettag $0x1  }
0x1: {  	s3 =	rddreg [dreg:$0x0]  }
0x2: {  	s5 =	rddreg [dreg:$0x1];
	s2 =	srdreg.scid  }
0x3: {  	s0 =	rddreg [dreg:$0x2];
	s1 =	stileid.u32;
	s9 =	simm.s32 $0x10000  }
0x4: {  	s10 =	simm.s32 $0x2;
	s11 =	simm.s32 $0x0;
	s4 =	sand.u32 $0x1, s2  }
0x5: {  	s2 =	simm.s32 $0x0;
	s6 =	sshll.u32 s1, $0xA;
	s7 =	sshll.u32 s4, $0x9  }
0x6: {  	[smem:$0x7FF] =	sst s2;
	s4 =	ssub.s32 $0x2, s4;
	s6 =	sor.u32 s7, s6  }
0x7: {  	_ =	strace $0x8000004A;
	s8 =	sshrl.u32 s4, $0x1;
	s7 =	sshll.u32 s6, $0x3  }
0x8: {  	v0 =	vlaneseq.u32;
	s8 =	ssub.s32 s4, s8;
	s6 =	sshrl.u32 s6, $0x3;
	s7 =	sadd.s32 s7, s3  }
0x9: {  	v0 =	vmul.u32 $0x40, v0;
	s5 =	sadd.s32 s5, s6;
	s6 =	smax.u32 s8, $0x1;
	s8 =	simm.s32 $0x1  }
0xa: {  	s3 =	sadd.s32 $0x800, s7;
	s4 =	sadd.s32 $0x20800, s7;
	s7 =	simm.s32 $0x8000  }
.LBB2_1:
0xb: {  	[tilespmem:s2], [sflag:$0x1] =	stream.linear.gather [hbm4b:s3+s2], $0x8000, $0x38;
	[tilespmem:$0x10200] =	vst v63  }
0xc: {  	_ = 	snop  }
0xd: {  	v1 =	vmov s2;
	[tilespmem:s7], [sflag:$0x1] =	stream.linear.gather [hbm4b:s4+s2], $0x8000, $0x38;
	[tilespmem:$0x10200] =	vst v63  }
0xe: {  	v1 =	vshll.u32 v1, $0x6;
	_ =	swait.ge [sflag:s8], $0x8000  }
0xf: {  	v1 =	vor.u32 v0, v1;
	[sflag:s8] =	ssyncset.done $0x0  }
0x10: {  	[sflag:s8] =	ssyncadd.s32 $0xFFFF8000  }
0x11: {  	v2 =	vor.u32 $0x1, v1;
	_ =	swait.ge [sflag:s8], $0x8000  }
0x12: {  	[sflag:s8] =	ssyncset.done $0x0  }
0x13: {  	v3 =	vor.u32 $0x2, v1;
	[sflag:s8] =	ssyncadd.s32 $0xFFFF8000  }
0x14: {  	v4 =	vld.idx.msk [tilespmem:v1+s7+$0x0], $0xffff  }
0x15: {  	v6 =	vor.u32 $0x3, v1;
	v5 =	vld.idx.msk [tilespmem:v1+s2+$0x0], $0xffff  }
0x16: {  	v7 =	vld.idx.msk [tilespmem:v2+s2+$0x0], $0xffff  }
0x17: {  	v8 =	vor.u32 $0x4, v1;
	v2 =	vld.idx.msk [tilespmem:v2+s7+$0x0], $0xffff  }
0x18: {  	v9 =	vld.idx.msk [tilespmem:v3+s2+$0x0], $0xffff  }
0x19: {  	v10 =	vor.u32 $0x5, v1;
	v3 =	vld.idx.msk [tilespmem:v3+s7+$0x0], $0xffff  }
0x1a: {  	v11 =	vld.idx.msk [tilespmem:v6+s2+$0x0], $0xffff;
	v4 =	vmul.f32 v4, v5  }
0x1b: {  	v5 =	vld.idx.msk [tilespmem:v6+s7+$0x0], $0xffff;
	v6 =	vor.u32 $0x6, v1  }
0x1c: {  	v12 =	vld.idx.msk [tilespmem:v8+s2+$0x0], $0xffff;
	v2 =	vmul.f32 v2, v7;
	v4 =	vadd.f32 $0.0e+00, v4  }
0x1d: {  	v61 =	vor.u32 $0x7, v1;
	v7 =	vld.idx.msk [tilespmem:v8+s7+$0x0], $0xffff  }
0x1e: {  	v13 =	vld.idx.msk [tilespmem:v10+s2+$0x0], $0xffff;
	v3 =	vmul.f32 v3, v9;
	v2 =	vadd.f32 v2, v4  }
0x1f: {  	v62 =	vor.u32 $0x8, v1;
	v4 =	vld.idx.msk [tilespmem:v10+s7+$0x0], $0xffff  }
0x20: {  	v63 =	vld.idx.msk [tilespmem:v6+s2+$0x0], $0xffff;
	v2 =	vadd.f32 v3, v2;
	v3 =	vmul.f32 v5, v11  }
0x21: {  	v5 =	vld.idx.msk [tilespmem:v6+s7+$0x0], $0xffff;
	v6 =	vor.u32 $0x9, v1  }
0x22: {  	v16 =	vld.idx.msk [tilespmem:v61+s2+$0x0], $0xffff;
	v2 =	vadd.f32 v3, v2;
	v3 =	vmul.f32 v7, v12  }
0x23: {  	v17 =	vor.u32 $0xA, v1;
	v7 =	vld.idx.msk [tilespmem:v61+s7+$0x0], $0xffff  }
0x24: {  	v18 =	vld.idx.msk [tilespmem:v62+s2+$0x0], $0xffff;
	v2 =	vadd.f32 v3, v2;
	v3 =	vmul.f32 v4, v13  }
0x25: {  	v19 =	vor.u32 $0xB, v1;
	v4 =	vld.idx.msk [tilespmem:v62+s7+$0x0], $0xffff  }
0x26: {  	v20 =	vld.idx.msk [tilespmem:v6+s2+$0x0], $0xffff;
	v2 =	vadd.f32 v3, v2;
	v3 =	vmul.f32 v5, v63  }
0x27: {  	v5 =	vld.idx.msk [tilespmem:v6+s7+$0x0], $0xffff;
	v6 =	vor.u32 $0xC, v1  }
0x28: {  	v21 =	vld.idx.msk [tilespmem:v17+s2+$0x0], $0xffff;
	v2 =	vadd.f32 v3, v2;
	v3 =	vmul.f32 v7, v16  }
0x29: {  	v22 =	vor.u32 $0xD, v1;
	v7 =	vld.idx.msk [tilespmem:v17+s7+$0x0], $0xffff  }
0x2a: {  	v23 =	vld.idx.msk [tilespmem:v19+s2+$0x0], $0xffff;
	v2 =	vadd.f32 v3, v2;
	v3 =	vmul.f32 v4, v18  }
0x2b: {  	v24 =	vor.u32 $0xE, v1;
	v4 =	vld.idx.msk [tilespmem:v19+s7+$0x0], $0xffff  }
0x2c: {  	v25 =	vld.idx.msk [tilespmem:v6+s2+$0x0], $0xffff;
	v2 =	vadd.f32 v3, v2;
	v3 =	vmul.f32 v5, v20  }
0x2d: {  	v5 =	vld.idx.msk [tilespmem:v6+s7+$0x0], $0xffff;
	v6 =	vor.u32 $0xF, v1  }
0x2e: {  	v26 =	vld.idx.msk [tilespmem:v22+s2+$0x0], $0xffff;
	v2 =	vadd.f32 v3, v2;
	v3 =	vmul.f32 v7, v21  }
0x2f: {  	v27 =	vor.u32 $0x10, v1;
	v7 =	vld.idx.msk [tilespmem:v22+s7+$0x0], $0xffff  }
0x30: {  	v28 =	vld.idx.msk [tilespmem:v24+s2+$0x0], $0xffff;
	v2 =	vadd.f32 v3, v2;
	v3 =	vmul.f32 v4, v23  }
0x31: {  	v29 =	vor.u32 $0x11, v1;
	v4 =	vld.idx.msk [tilespmem:v24+s7+$0x0], $0xffff  }
0x32: {  	v30 =	vld.idx.msk [tilespmem:v6+s2+$0x0], $0xffff;
	v2 =	vadd.f32 v3, v2;
	v3 =	vmul.f32 v5, v25  }
0x33: {  	v5 =	vld.idx.msk [tilespmem:v6+s7+$0x0], $0xffff;
	v6 =	vor.u32 $0x12, v1  }
0x34: {  	v31 =	vld.idx.msk [tilespmem:v27+s2+$0x0], $0xffff;
	v2 =	vadd.f32 v3, v2;
	v3 =	vmul.f32 v7, v26  }
0x35: {  	v32 =	vor.u32 $0x13, v1;
	v7 =	vld.idx.msk [tilespmem:v27+s7+$0x0], $0xffff  }
0x36: {  	v33 =	vld.idx.msk [tilespmem:v29+s2+$0x0], $0xffff;
	v2 =	vadd.f32 v3, v2;
	v3 =	vmul.f32 v4, v28  }
0x37: {  	v34 =	vor.u32 $0x14, v1;
	v4 =	vld.idx.msk [tilespmem:v29+s7+$0x0], $0xffff  }
0x38: {  	v35 =	vld.idx.msk [tilespmem:v6+s2+$0x0], $0xffff;
	v2 =	vadd.f32 v3, v2;
	v3 =	vmul.f32 v5, v30  }
0x39: {  	v5 =	vld.idx.msk [tilespmem:v6+s7+$0x0], $0xffff;
	v6 =	vor.u32 $0x15, v1  }
0x3a: {  	v36 =	vld.idx.msk [tilespmem:v32+s2+$0x0], $0xffff;
	v2 =	vadd.f32 v3, v2;
	v3 =	vmul.f32 v7, v31  }
0x3b: {  	v37 =	vor.u32 $0x16, v1;
	v7 =	vld.idx.msk [tilespmem:v32+s7+$0x0], $0xffff  }
0x3c: {  	v38 =	vld.idx.msk [tilespmem:v34+s2+$0x0], $0xffff;
	v2 =	vadd.f32 v3, v2;
	v3 =	vmul.f32 v4, v33  }
0x3d: {  	v39 =	vor.u32 $0x17, v1;
	v4 =	vld.idx.msk [tilespmem:v34+s7+$0x0], $0xffff  }
0x3e: {  	v40 =	vld.idx.msk [tilespmem:v6+s2+$0x0], $0xffff;
	v2 =	vadd.f32 v3, v2;
	v3 =	vmul.f32 v5, v35  }
0x3f: {  	v5 =	vld.idx.msk [tilespmem:v6+s7+$0x0], $0xffff;
	v6 =	vor.u32 $0x18, v1  }
0x40: {  	v41 =	vld.idx.msk [tilespmem:v37+s2+$0x0], $0xffff;
	v2 =	vadd.f32 v3, v2;
	v3 =	vmul.f32 v7, v36  }
0x41: {  	v42 =	vor.u32 $0x19, v1;
	v7 =	vld.idx.msk [tilespmem:v37+s7+$0x0], $0xffff  }
0x42: {  	v43 =	vld.idx.msk [tilespmem:v39+s2+$0x0], $0xffff;
	v2 =	vadd.f32 v3, v2;
	v3 =	vmul.f32 v4, v38  }
0x43: {  	v44 =	vor.u32 $0x1A, v1;
	v4 =	vld.idx.msk [tilespmem:v39+s7+$0x0], $0xffff  }
0x44: {  	v45 =	vld.idx.msk [tilespmem:v6+s2+$0x0], $0xffff;
	v2 =	vadd.f32 v3, v2;
	v3 =	vmul.f32 v5, v40  }
0x45: {  	v5 =	vld.idx.msk [tilespmem:v6+s7+$0x0], $0xffff;
	v6 =	vor.u32 $0x1B, v1  }
0x46: {  	v46 =	vld.idx.msk [tilespmem:v42+s2+$0x0], $0xffff;
	v2 =	vadd.f32 v3, v2;
	v3 =	vmul.f32 v7, v41  }
0x47: {  	v47 =	vor.u32 $0x1C, v1;
	v7 =	vld.idx.msk [tilespmem:v42+s7+$0x0], $0xffff  }
0x48: {  	v48 =	vld.idx.msk [tilespmem:v44+s2+$0x0], $0xffff;
	v2 =	vadd.f32 v3, v2;
	v3 =	vmul.f32 v4, v43  }
0x49: {  	v49 =	vor.u32 $0x1D, v1;
	v4 =	vld.idx.msk [tilespmem:v44+s7+$0x0], $0xffff  }
0x4a: {  	v50 =	vld.idx.msk [tilespmem:v6+s2+$0x0], $0xffff;
	v2 =	vadd.f32 v3, v2;
	v3 =	vmul.f32 v5, v45  }
0x4b: {  	v5 =	vld.idx.msk [tilespmem:v6+s7+$0x0], $0xffff;
	v6 =	vor.u32 $0x1E, v1  }
0x4c: {  	v51 =	vld.idx.msk [tilespmem:v47+s2+$0x0], $0xffff;
	v2 =	vadd.f32 v3, v2;
	v3 =	vmul.f32 v7, v46  }
0x4d: {  	v52 =	vor.u32 $0x1F, v1;
	v7 =	vld.idx.msk [tilespmem:v47+s7+$0x0], $0xffff  }
0x4e: {  	v53 =	vld.idx.msk [tilespmem:v49+s2+$0x0], $0xffff;
	v2 =	vadd.f32 v3, v2;
	v3 =	vmul.f32 v4, v48  }
0x4f: {  	v54 =	vor.u32 $0x20, v1;
	v4 =	vld.idx.msk [tilespmem:v49+s7+$0x0], $0xffff  }
0x50: {  	v55 =	vld.idx.msk [tilespmem:v6+s2+$0x0], $0xffff;
	v2 =	vadd.f32 v3, v2;
	v3 =	vmul.f32 v5, v50  }
0x51: {  	v5 =	vld.idx.msk [tilespmem:v6+s7+$0x0], $0xffff;
	v6 =	vor.u32 $0x21, v1  }
0x52: {  	v56 =	vld.idx.msk [tilespmem:v52+s2+$0x0], $0xffff;
	v2 =	vadd.f32 v3, v2;
	v3 =	vmul.f32 v7, v51  }
0x53: {  	v57 =	vor.u32 $0x22, v1;
	v7 =	vld.idx.msk [tilespmem:v52+s7+$0x0], $0xffff  }
0x54: {  	v58 =	vld.idx.msk [tilespmem:v54+s2+$0x0], $0xffff;
	v2 =	vadd.f32 v3, v2;
	v3 =	vmul.f32 v4, v53  }
0x55: {  	v59 =	vor.u32 $0x23, v1;
	v4 =	vld.idx.msk [tilespmem:v54+s7+$0x0], $0xffff  }
0x56: {  	v60 =	vld.idx.msk [tilespmem:v6+s2+$0x0], $0xffff;
	v2 =	vadd.f32 v3, v2;
	v3 =	vmul.f32 v5, v55  }
0x57: {  	v5 =	vld.idx.msk [tilespmem:v6+s7+$0x0], $0xffff;
	v6 =	vor.u32 $0x24, v1  }
0x58: {  	v61 =	vld.idx.msk [tilespmem:v57+s2+$0x0], $0xffff;
	v2 =	vadd.f32 v3, v2;
	v3 =	vmul.f32 v7, v56  }
0x59: {  	v62 =	vor.u32 $0x25, v1;
	v7 =	vld.idx.msk [tilespmem:v57+s7+$0x0], $0xffff  }
0x5a: {  	v63 =	vld.idx.msk [tilespmem:v59+s2+$0x0], $0xffff;
	v2 =	vadd.f32 v3, v2;
	v3 =	vmul.f32 v4, v58  }
0x5b: {  	v16 =	vor.u32 $0x26, v1;
	v4 =	vld.idx.msk [tilespmem:v59+s7+$0x0], $0xffff  }
0x5c: {  	v17 =	vld.idx.msk [tilespmem:v6+s2+$0x0], $0xffff;
	v2 =	vadd.f32 v3, v2;
	v3 =	vmul.f32 v5, v60  }
0x5d: {  	v5 =	vld.idx.msk [tilespmem:v6+s7+$0x0], $0xffff;
	v6 =	vor.u32 $0x27, v1  }
0x5e: {  	v18 =	vld.idx.msk [tilespmem:v62+s2+$0x0], $0xffff;
	v2 =	vadd.f32 v3, v2;
	v3 =	vmul.f32 v7, v61  }
0x5f: {  	v19 =	vor.u32 $0x28, v1;
	v7 =	vld.idx.msk [tilespmem:v62+s7+$0x0], $0xffff  }
0x60: {  	v20 =	vld.idx.msk [tilespmem:v16+s2+$0x0], $0xffff;
	v2 =	vadd.f32 v3, v2;
	v3 =	vmul.f32 v4, v63  }
0x61: {  	v21 =	vor.u32 $0x29, v1;
	v4 =	vld.idx.msk [tilespmem:v16+s7+$0x0], $0xffff  }
0x62: {  	v22 =	vld.idx.msk [tilespmem:v6+s2+$0x0], $0xffff;
	v2 =	vadd.f32 v3, v2;
	v3 =	vmul.f32 v5, v17  }
0x63: {  	v5 =	vld.idx.msk [tilespmem:v6+s7+$0x0], $0xffff;
	v6 =	vor.u32 $0x2A, v1  }
0x64: {  	v23 =	vld.idx.msk [tilespmem:v19+s2+$0x0], $0xffff;
	v2 =	vadd.f32 v3, v2;
	v3 =	vmul.f32 v7, v18  }
0x65: {  	v24 =	vor.u32 $0x2B, v1;
	v7 =	vld.idx.msk [tilespmem:v19+s7+$0x0], $0xffff  }
0x66: {  	v25 =	vld.idx.msk [tilespmem:v21+s2+$0x0], $0xffff;
	v2 =	vadd.f32 v3, v2;
	v3 =	vmul.f32 v4, v20  }
0x67: {  	v26 =	vor.u32 $0x2C, v1;
	v4 =	vld.idx.msk [tilespmem:v21+s7+$0x0], $0xffff  }
0x68: {  	v27 =	vld.idx.msk [tilespmem:v6+s2+$0x0], $0xffff;
	v2 =	vadd.f32 v3, v2;
	v3 =	vmul.f32 v5, v22  }
0x69: {  	v5 =	vld.idx.msk [tilespmem:v6+s7+$0x0], $0xffff;
	v6 =	vor.u32 $0x2D, v1  }
0x6a: {  	v28 =	vld.idx.msk [tilespmem:v24+s2+$0x0], $0xffff;
	v2 =	vadd.f32 v3, v2;
	v3 =	vmul.f32 v7, v23  }
0x6b: {  	v29 =	vor.u32 $0x2E, v1;
	v7 =	vld.idx.msk [tilespmem:v24+s7+$0x0], $0xffff  }
0x6c: {  	v30 =	vld.idx.msk [tilespmem:v26+s2+$0x0], $0xffff;
	v2 =	vadd.f32 v3, v2;
	v3 =	vmul.f32 v4, v25  }
0x6d: {  	v31 =	vor.u32 $0x2F, v1;
	v4 =	vld.idx.msk [tilespmem:v26+s7+$0x0], $0xffff  }
0x6e: {  	v32 =	vld.idx.msk [tilespmem:v6+s2+$0x0], $0xffff;
	v2 =	vadd.f32 v3, v2;
	v3 =	vmul.f32 v5, v27  }
0x6f: {  	v5 =	vld.idx.msk [tilespmem:v6+s7+$0x0], $0xffff;
	v6 =	vor.u32 $0x30, v1  }
0x70: {  	v33 =	vld.idx.msk [tilespmem:v29+s2+$0x0], $0xffff;
	v2 =	vadd.f32 v3, v2;
	v3 =	vmul.f32 v7, v28  }
0x71: {  	v34 =	vor.u32 $0x31, v1;
	v7 =	vld.idx.msk [tilespmem:v29+s7+$0x0], $0xffff  }
0x72: {  	v35 =	vld.idx.msk [tilespmem:v31+s2+$0x0], $0xffff;
	v2 =	vadd.f32 v3, v2;
	v3 =	vmul.f32 v4, v30  }
0x73: {  	v36 =	vor.u32 $0x32, v1;
	v4 =	vld.idx.msk [tilespmem:v31+s7+$0x0], $0xffff  }
0x74: {  	v37 =	vld.idx.msk [tilespmem:v6+s2+$0x0], $0xffff;
	v2 =	vadd.f32 v3, v2;
	v3 =	vmul.f32 v5, v32  }
0x75: {  	v5 =	vld.idx.msk [tilespmem:v6+s7+$0x0], $0xffff;
	v6 =	vor.u32 $0x33, v1  }
0x76: {  	v38 =	vld.idx.msk [tilespmem:v34+s2+$0x0], $0xffff;
	v2 =	vadd.f32 v3, v2;
	v3 =	vmul.f32 v7, v33  }
0x77: {  	v39 =	vor.u32 $0x34, v1;
	v7 =	vld.idx.msk [tilespmem:v34+s7+$0x0], $0xffff  }
0x78: {  	v40 =	vld.idx.msk [tilespmem:v36+s2+$0x0], $0xffff;
	v2 =	vadd.f32 v3, v2;
	v3 =	vmul.f32 v4, v35  }
0x79: {  	v41 =	vor.u32 $0x35, v1;
	v4 =	vld.idx.msk [tilespmem:v36+s7+$0x0], $0xffff  }
0x7a: {  	v42 =	vld.idx.msk [tilespmem:v6+s2+$0x0], $0xffff;
	v2 =	vadd.f32 v3, v2;
	v3 =	vmul.f32 v5, v37  }
0x7b: {  	v5 =	vld.idx.msk [tilespmem:v6+s7+$0x0], $0xffff;
	v6 =	vor.u32 $0x36, v1  }
0x7c: {  	v43 =	vld.idx.msk [tilespmem:v39+s2+$0x0], $0xffff;
	v2 =	vadd.f32 v3, v2;
	v3 =	vmul.f32 v7, v38  }
0x7d: {  	v44 =	vor.u32 $0x37, v1;
	v7 =	vld.idx.msk [tilespmem:v39+s7+$0x0], $0xffff  }
0x7e: {  	v45 =	vld.idx.msk [tilespmem:v41+s2+$0x0], $0xffff;
	v2 =	vadd.f32 v3, v2;
	v3 =	vmul.f32 v4, v40  }
0x7f: {  	v46 =	vor.u32 $0x38, v1;
	v4 =	vld.idx.msk [tilespmem:v41+s7+$0x0], $0xffff  }
0x80: {  	v47 =	vld.idx.msk [tilespmem:v6+s2+$0x0], $0xffff;
	v2 =	vadd.f32 v3, v2;
	v3 =	vmul.f32 v5, v42  }
0x81: {  	v5 =	vld.idx.msk [tilespmem:v6+s7+$0x0], $0xffff;
	v6 =	vor.u32 $0x39, v1  }
0x82: {  	v48 =	vld.idx.msk [tilespmem:v44+s2+$0x0], $0xffff;
	v2 =	vadd.f32 v3, v2;
	v3 =	vmul.f32 v7, v43  }
0x83: {  	v49 =	vor.u32 $0x3A, v1;
	v7 =	vld.idx.msk [tilespmem:v44+s7+$0x0], $0xffff  }
0x84: {  	v50 =	vld.idx.msk [tilespmem:v46+s2+$0x0], $0xffff;
	v2 =	vadd.f32 v3, v2;
	v3 =	vmul.f32 v4, v45  }
0x85: {  	v51 =	vor.u32 $0x3B, v1;
	v4 =	vld.idx.msk [tilespmem:v46+s7+$0x0], $0xffff  }
0x86: {  	v52 =	vld.idx.msk [tilespmem:v6+s2+$0x0], $0xffff;
	v2 =	vadd.f32 v3, v2;
	v3 =	vmul.f32 v5, v47  }
0x87: {  	v5 =	vld.idx.msk [tilespmem:v6+s7+$0x0], $0xffff;
	v6 =	vor.u32 $0x3C, v1  }
0x88: {  	v53 =	vld.idx.msk [tilespmem:v49+s2+$0x0], $0xffff;
	v2 =	vadd.f32 v3, v2;
	v3 =	vmul.f32 v7, v48  }
0x89: {  	v54 =	vor.u32 $0x3D, v1;
	v7 =	vld.idx.msk [tilespmem:v49+s7+$0x0], $0xffff  }
0x8a: {  	v55 =	vld.idx.msk [tilespmem:v51+s2+$0x0], $0xffff;
	v2 =	vadd.f32 v3, v2;
	v3 =	vmul.f32 v4, v50  }
0x8b: {  	v56 =	vor.u32 $0x3E, v1;
	v4 =	vld.idx.msk [tilespmem:v51+s7+$0x0], $0xffff  }
0x8c: {  	v57 =	vld.idx.msk [tilespmem:v6+s2+$0x0], $0xffff;
	v2 =	vadd.f32 v3, v2;
	v3 =	vmul.f32 v5, v52  }
0x8d: {  	v1 =	vor.u32 $0x3F, v1;
	v5 =	vld.idx.msk [tilespmem:v6+s7+$0x0], $0xffff  }
0x8e: {  	v6 =	vld.idx.msk [tilespmem:v54+s2+$0x0], $0xffff;
	v2 =	vadd.f32 v3, v2;
	v3 =	vmul.f32 v7, v53  }
0x8f: {  	v7 =	vld.idx.msk [tilespmem:v54+s7+$0x0], $0xffff  }
0x90: {  	v58 =	vld.idx.msk [tilespmem:v56+s2+$0x0], $0xffff;
	v2 =	vadd.f32 v3, v2;
	v3 =	vmul.f32 v4, v55  }
0x91: {  	v4 =	vld.idx.msk [tilespmem:v56+s7+$0x0], $0xffff  }
0x92: {  	v59 =	vld.idx.msk [tilespmem:v1+s2+$0x0], $0xffff;
	v2 =	vadd.f32 v3, v2;
	v3 =	vmul.f32 v5, v57  }
0x93: {  	v5 =	vld.idx.msk [tilespmem:v1+s7+$0x0], $0xffff  }
0x94: {  	v1 =	vadd.f32 v3, v2;
	v2 =	vmul.f32 v7, v6  }
0x95: {  	s12 =	simm.s32 $0x10  }
0x96: {  	v3 =	vmov s12;
	v4 =	vmul.f32 v4, v58;
	v2 =	vadd.f32 v2, v1  }
0x97: {  	v1 =	vshll.u32 v3, $0x6  }
0x98: {  	v1 =	vor.u32 v0, v1;
	v3 =	vmul.f32 v5, v59;
	v2 =	vadd.f32 v4, v2;
	_ =	sdelay $0x1  }
0x99: {  	v4 =	vor.u32 $0x1, v1;
	v2 =	vadd.f32 v3, v2;
	_ =	sdelay $0x1  }
0x9a: {  	v3 =	vor.u32 $0x2, v1;
	[tilespmem:s9+$0x0] =	vst v2  }
0x9b: {  	v2 =	vld.idx.msk [tilespmem:v1+s7+$0x0], $0xffff  }
0x9c: {  	v6 =	vor.u32 $0x3, v1;
	v5 =	vld.idx.msk [tilespmem:v1+s2+$0x0], $0xffff  }
0x9d: {  	v7 =	vld.idx.msk [tilespmem:v4+s2+$0x0], $0xffff  }
0x9e: {  	v60 =	vor.u32 $0x4, v1;
	v4 =	vld.idx.msk [tilespmem:v4+s7+$0x0], $0xffff  }
0x9f: {  	v61 =	vld.idx.msk [tilespmem:v3+s2+$0x0], $0xffff  }
0xa0: {  	v62 =	vor.u32 $0x5, v1;
	v3 =	vld.idx.msk [tilespmem:v3+s7+$0x0], $0xffff  }
0xa1: {  	v63 =	vld.idx.msk [tilespmem:v6+s2+$0x0], $0xffff;
	v2 =	vmul.f32 v2, v5  }
0xa2: {  	v5 =	vld.idx.msk [tilespmem:v6+s7+$0x0], $0xffff;
	v6 =	vor.u32 $0x6, v1  }
0xa3: {  	v16 =	vld.idx.msk [tilespmem:v60+s2+$0x0], $0xffff;
	v4 =	vmul.f32 v4, v7;
	v2 =	vadd.f32 $0.0e+00, v2  }
0xa4: {  	v17 =	vor.u32 $0x7, v1;
	v7 =	vld.idx.msk [tilespmem:v60+s7+$0x0], $0xffff  }
0xa5: {  	v18 =	vld.idx.msk [tilespmem:v62+s2+$0x0], $0xffff;
	v3 =	vmul.f32 v3, v61;
	v2 =	vadd.f32 v4, v2  }
0xa6: {  	v19 =	vor.u32 $0x8, v1;
	v4 =	vld.idx.msk [tilespmem:v62+s7+$0x0], $0xffff  }
0xa7: {  	v20 =	vld.idx.msk [tilespmem:v6+s2+$0x0], $0xffff;
	v2 =	vadd.f32 v3, v2;
	v3 =	vmul.f32 v5, v63  }
0xa8: {  	v5 =	vld.idx.msk [tilespmem:v6+s7+$0x0], $0xffff;
	v6 =	vor.u32 $0x9, v1  }
0xa9: {  	v21 =	vld.idx.msk [tilespmem:v17+s2+$0x0], $0xffff;
	v2 =	vadd.f32 v3, v2;
	v3 =	vmul.f32 v7, v16  }
0xaa: {  	v22 =	vor.u32 $0xA, v1;
	v7 =	vld.idx.msk [tilespmem:v17+s7+$0x0], $0xffff  }
0xab: {  	v23 =	vld.idx.msk [tilespmem:v19+s2+$0x0], $0xffff;
	v2 =	vadd.f32 v3, v2;
	v3 =	vmul.f32 v4, v18  }
0xac: {  	v24 =	vor.u32 $0xB, v1;
	v4 =	vld.idx.msk [tilespmem:v19+s7+$0x0], $0xffff  }
0xad: {  	v25 =	vld.idx.msk [tilespmem:v6+s2+$0x0], $0xffff;
	v2 =	vadd.f32 v3, v2;
	v3 =	vmul.f32 v5, v20  }
0xae: {  	v5 =	vld.idx.msk [tilespmem:v6+s7+$0x0], $0xffff;
	v6 =	vor.u32 $0xC, v1  }
0xaf: {  	v26 =	vld.idx.msk [tilespmem:v22+s2+$0x0], $0xffff;
	v2 =	vadd.f32 v3, v2;
	v3 =	vmul.f32 v7, v21  }
0xb0: {  	v27 =	vor.u32 $0xD, v1;
	v7 =	vld.idx.msk [tilespmem:v22+s7+$0x0], $0xffff  }
0xb1: {  	v28 =	vld.idx.msk [tilespmem:v24+s2+$0x0], $0xffff;
	v2 =	vadd.f32 v3, v2;
	v3 =	vmul.f32 v4, v23  }
0xb2: {  	v29 =	vor.u32 $0xE, v1;
	v4 =	vld.idx.msk [tilespmem:v24+s7+$0x0], $0xffff  }
0xb3: {  	v30 =	vld.idx.msk [tilespmem:v6+s2+$0x0], $0xffff;
	v2 =	vadd.f32 v3, v2;
	v3 =	vmul.f32 v5, v25  }
0xb4: {  	v5 =	vld.idx.msk [tilespmem:v6+s7+$0x0], $0xffff;
	v6 =	vor.u32 $0xF, v1  }
0xb5: {  	v31 =	vld.idx.msk [tilespmem:v27+s2+$0x0], $0xffff;
	v2 =	vadd.f32 v3, v2;
	v3 =	vmul.f32 v7, v26  }
0xb6: {  	v32 =	vor.u32 $0x10, v1;
	v7 =	vld.idx.msk [tilespmem:v27+s7+$0x0], $0xffff  }
0xb7: {  	v33 =	vld.idx.msk [tilespmem:v29+s2+$0x0], $0xffff;
	v2 =	vadd.f32 v3, v2;
	v3 =	vmul.f32 v4, v28  }
0xb8: {  	v34 =	vor.u32 $0x11, v1;
	v4 =	vld.idx.msk [tilespmem:v29+s7+$0x0], $0xffff  }
0xb9: {  	v35 =	vld.idx.msk [tilespmem:v6+s2+$0x0], $0xffff;
	v2 =	vadd.f32 v3, v2;
	v3 =	vmul.f32 v5, v30  }
0xba: {  	v5 =	vld.idx.msk [tilespmem:v6+s7+$0x0], $0xffff;
	v6 =	vor.u32 $0x12, v1  }
0xbb: {  	v36 =	vld.idx.msk [tilespmem:v32+s2+$0x0], $0xffff;
	v2 =	vadd.f32 v3, v2;
	v3 =	vmul.f32 v7, v31  }
0xbc: {  	v37 =	vor.u32 $0x13, v1;
	v7 =	vld.idx.msk [tilespmem:v32+s7+$0x0], $0xffff  }
0xbd: {  	v38 =	vld.idx.msk [tilespmem:v34+s2+$0x0], $0xffff;
	v2 =	vadd.f32 v3, v2;
	v3 =	vmul.f32 v4, v33  }
0xbe: {  	v39 =	vor.u32 $0x14, v1;
	v4 =	vld.idx.msk [tilespmem:v34+s7+$0x0], $0xffff  }
0xbf: {  	v40 =	vld.idx.msk [tilespmem:v6+s2+$0x0], $0xffff;
	v2 =	vadd.f32 v3, v2;
	v3 =	vmul.f32 v5, v35  }
0xc0: {  	v5 =	vld.idx.msk [tilespmem:v6+s7+$0x0], $0xffff;
	v6 =	vor.u32 $0x15, v1  }
0xc1: {  	v41 =	vld.idx.msk [tilespmem:v37+s2+$0x0], $0xffff;
	v2 =	vadd.f32 v3, v2;
	v3 =	vmul.f32 v7, v36  }
0xc2: {  	v42 =	vor.u32 $0x16, v1;
	v7 =	vld.idx.msk [tilespmem:v37+s7+$0x0], $0xffff  }
0xc3: {  	v43 =	vld.idx.msk [tilespmem:v39+s2+$0x0], $0xffff;
	v2 =	vadd.f32 v3, v2;
	v3 =	vmul.f32 v4, v38  }
0xc4: {  	v44 =	vor.u32 $0x17, v1;
	v4 =	vld.idx.msk [tilespmem:v39+s7+$0x0], $0xffff  }
0xc5: {  	v45 =	vld.idx.msk [tilespmem:v6+s2+$0x0], $0xffff;
	v2 =	vadd.f32 v3, v2;
	v3 =	vmul.f32 v5, v40  }
0xc6: {  	v5 =	vld.idx.msk [tilespmem:v6+s7+$0x0], $0xffff;
	v6 =	vor.u32 $0x18, v1  }
0xc7: {  	v46 =	vld.idx.msk [tilespmem:v42+s2+$0x0], $0xffff;
	v2 =	vadd.f32 v3, v2;
	v3 =	vmul.f32 v7, v41  }
0xc8: {  	v47 =	vor.u32 $0x19, v1;
	v7 =	vld.idx.msk [tilespmem:v42+s7+$0x0], $0xffff  }
0xc9: {  	v48 =	vld.idx.msk [tilespmem:v44+s2+$0x0], $0xffff;
	v2 =	vadd.f32 v3, v2;
	v3 =	vmul.f32 v4, v43  }
0xca: {  	v49 =	vor.u32 $0x1A, v1;
	v4 =	vld.idx.msk [tilespmem:v44+s7+$0x0], $0xffff  }
0xcb: {  	v50 =	vld.idx.msk [tilespmem:v6+s2+$0x0], $0xffff;
	v2 =	vadd.f32 v3, v2;
	v3 =	vmul.f32 v5, v45  }
0xcc: {  	v5 =	vld.idx.msk [tilespmem:v6+s7+$0x0], $0xffff;
	v6 =	vor.u32 $0x1B, v1  }
0xcd: {  	v51 =	vld.idx.msk [tilespmem:v47+s2+$0x0], $0xffff;
	v2 =	vadd.f32 v3, v2;
	v3 =	vmul.f32 v7, v46  }
0xce: {  	v52 =	vor.u32 $0x1C, v1;
	v7 =	vld.idx.msk [tilespmem:v47+s7+$0x0], $0xffff  }
0xcf: {  	v53 =	vld.idx.msk [tilespmem:v49+s2+$0x0], $0xffff;
	v2 =	vadd.f32 v3, v2;
	v3 =	vmul.f32 v4, v48  }
0xd0: {  	v54 =	vor.u32 $0x1D, v1;
	v4 =	vld.idx.msk [tilespmem:v49+s7+$0x0], $0xffff  }
0xd1: {  	v55 =	vld.idx.msk [tilespmem:v6+s2+$0x0], $0xffff;
	v2 =	vadd.f32 v3, v2;
	v3 =	vmul.f32 v5, v50  }
0xd2: {  	v5 =	vld.idx.msk [tilespmem:v6+s7+$0x0], $0xffff;
	v6 =	vor.u32 $0x1E, v1  }
0xd3: {  	v56 =	vld.idx.msk [tilespmem:v52+s2+$0x0], $0xffff;
	v2 =	vadd.f32 v3, v2;
	v3 =	vmul.f32 v7, v51  }
0xd4: {  	v57 =	vor.u32 $0x1F, v1;
	v7 =	vld.idx.msk [tilespmem:v52+s7+$0x0], $0xffff  }
0xd5: {  	v58 =	vld.idx.msk [tilespmem:v54+s2+$0x0], $0xffff;
	v2 =	vadd.f32 v3, v2;
	v3 =	vmul.f32 v4, v53  }
0xd6: {  	v59 =	vor.u32 $0x20, v1;
	v4 =	vld.idx.msk [tilespmem:v54+s7+$0x0], $0xffff  }
0xd7: {  	v60 =	vld.idx.msk [tilespmem:v6+s2+$0x0], $0xffff;
	v2 =	vadd.f32 v3, v2;
	v3 =	vmul.f32 v5, v55  }
0xd8: {  	v5 =	vld.idx.msk [tilespmem:v6+s7+$0x0], $0xffff;
	v6 =	vor.u32 $0x21, v1  }
0xd9: {  	v61 =	vld.idx.msk [tilespmem:v57+s2+$0x0], $0xffff;
	v2 =	vadd.f32 v3, v2;
	v3 =	vmul.f32 v7, v56  }
0xda: {  	v62 =	vor.u32 $0x22, v1;
	v7 =	vld.idx.msk [tilespmem:v57+s7+$0x0], $0xffff  }
0xdb: {  	v63 =	vld.idx.msk [tilespmem:v59+s2+$0x0], $0xffff;
	v2 =	vadd.f32 v3, v2;
	v3 =	vmul.f32 v4, v58  }
0xdc: {  	v16 =	vor.u32 $0x23, v1;
	v4 =	vld.idx.msk [tilespmem:v59+s7+$0x0], $0xffff  }
0xdd: {  	v17 =	vld.idx.msk [tilespmem:v6+s2+$0x0], $0xffff;
	v2 =	vadd.f32 v3, v2;
	v3 =	vmul.f32 v5, v60  }
0xde: {  	v5 =	vld.idx.msk [tilespmem:v6+s7+$0x0], $0xffff;
	v6 =	vor.u32 $0x24, v1  }
0xdf: {  	v18 =	vld.idx.msk [tilespmem:v62+s2+$0x0], $0xffff;
	v2 =	vadd.f32 v3, v2;
	v3 =	vmul.f32 v7, v61  }
0xe0: {  	v19 =	vor.u32 $0x25, v1;
	v7 =	vld.idx.msk [tilespmem:v62+s7+$0x0], $0xffff  }
0xe1: {  	v20 =	vld.idx.msk [tilespmem:v16+s2+$0x0], $0xffff;
	v2 =	vadd.f32 v3, v2;
	v3 =	vmul.f32 v4, v63  }
0xe2: {  	v21 =	vor.u32 $0x26, v1;
	v4 =	vld.idx.msk [tilespmem:v16+s7+$0x0], $0xffff  }
0xe3: {  	v22 =	vld.idx.msk [tilespmem:v6+s2+$0x0], $0xffff;
	v2 =	vadd.f32 v3, v2;
	v3 =	vmul.f32 v5, v17  }
0xe4: {  	v5 =	vld.idx.msk [tilespmem:v6+s7+$0x0], $0xffff;
	v6 =	vor.u32 $0x27, v1  }
0xe5: {  	v23 =	vld.idx.msk [tilespmem:v19+s2+$0x0], $0xffff;
	v2 =	vadd.f32 v3, v2;
	v3 =	vmul.f32 v7, v18  }
0xe6: {  	v24 =	vor.u32 $0x28, v1;
	v7 =	vld.idx.msk [tilespmem:v19+s7+$0x0], $0xffff  }
0xe7: {  	v25 =	vld.idx.msk [tilespmem:v21+s2+$0x0], $0xffff;
	v2 =	vadd.f32 v3, v2;
	v3 =	vmul.f32 v4, v20  }
0xe8: {  	v26 =	vor.u32 $0x29, v1;
	v4 =	vld.idx.msk [tilespmem:v21+s7+$0x0], $0xffff  }
0xe9: {  	v27 =	vld.idx.msk [tilespmem:v6+s2+$0x0], $0xffff;
	v2 =	vadd.f32 v3, v2;
	v3 =	vmul.f32 v5, v22  }
0xea: {  	v5 =	vld.idx.msk [tilespmem:v6+s7+$0x0], $0xffff;
	v6 =	vor.u32 $0x2A, v1  }
0xeb: {  	v28 =	vld.idx.msk [tilespmem:v24+s2+$0x0], $0xffff;
	v2 =	vadd.f32 v3, v2;
	v3 =	vmul.f32 v7, v23  }
0xec: {  	v29 =	vor.u32 $0x2B, v1;
	v7 =	vld.idx.msk [tilespmem:v24+s7+$0x0], $0xffff  }
0xed: {  	v30 =	vld.idx.msk [tilespmem:v26+s2+$0x0], $0xffff;
	v2 =	vadd.f32 v3, v2;
	v3 =	vmul.f32 v4, v25  }
0xee: {  	v31 =	vor.u32 $0x2C, v1;
	v4 =	vld.idx.msk [tilespmem:v26+s7+$0x0], $0xffff  }
0xef: {  	v32 =	vld.idx.msk [tilespmem:v6+s2+$0x0], $0xffff;
	v2 =	vadd.f32 v3, v2;
	v3 =	vmul.f32 v5, v27  }
0xf0: {  	v5 =	vld.idx.msk [tilespmem:v6+s7+$0x0], $0xffff;
	v6 =	vor.u32 $0x2D, v1  }
0xf1: {  	v33 =	vld.idx.msk [tilespmem:v29+s2+$0x0], $0xffff;
	v2 =	vadd.f32 v3, v2;
	v3 =	vmul.f32 v7, v28  }
0xf2: {  	v34 =	vor.u32 $0x2E, v1;
	v7 =	vld.idx.msk [tilespmem:v29+s7+$0x0], $0xffff  }
0xf3: {  	v35 =	vld.idx.msk [tilespmem:v31+s2+$0x0], $0xffff;
	v2 =	vadd.f32 v3, v2;
	v3 =	vmul.f32 v4, v30  }
0xf4: {  	v36 =	vor.u32 $0x2F, v1;
	v4 =	vld.idx.msk [tilespmem:v31+s7+$0x0], $0xffff  }
0xf5: {  	v37 =	vld.idx.msk [tilespmem:v6+s2+$0x0], $0xffff;
	v2 =	vadd.f32 v3, v2;
	v3 =	vmul.f32 v5, v32  }
0xf6: {  	v5 =	vld.idx.msk [tilespmem:v6+s7+$0x0], $0xffff;
	v6 =	vor.u32 $0x30, v1  }
0xf7: {  	v38 =	vld.idx.msk [tilespmem:v34+s2+$0x0], $0xffff;
	v2 =	vadd.f32 v3, v2;
	v3 =	vmul.f32 v7, v33  }
0xf8: {  	v39 =	vor.u32 $0x31, v1;
	v7 =	vld.idx.msk [tilespmem:v34+s7+$0x0], $0xffff  }
0xf9: {  	v40 =	vld.idx.msk [tilespmem:v36+s2+$0x0], $0xffff;
	v2 =	vadd.f32 v3, v2;
	v3 =	vmul.f32 v4, v35  }
0xfa: {  	v41 =	vor.u32 $0x32, v1;
	v4 =	vld.idx.msk [tilespmem:v36+s7+$0x0], $0xffff  }
0xfb: {  	v42 =	vld.idx.msk [tilespmem:v6+s2+$0x0], $0xffff;
	v2 =	vadd.f32 v3, v2;
	v3 =	vmul.f32 v5, v37  }
0xfc: {  	v5 =	vld.idx.msk [tilespmem:v6+s7+$0x0], $0xffff;
	v6 =	vor.u32 $0x33, v1  }
0xfd: {  	v43 =	vld.idx.msk [tilespmem:v39+s2+$0x0], $0xffff;
	v2 =	vadd.f32 v3, v2;
	v3 =	vmul.f32 v7, v38  }
0xfe: {  	v44 =	vor.u32 $0x34, v1;
	v7 =	vld.idx.msk [tilespmem:v39+s7+$0x0], $0xffff  }
0xff: {  	v45 =	vld.idx.msk [tilespmem:v41+s2+$0x0], $0xffff;
	v2 =	vadd.f32 v3, v2;
	v3 =	vmul.f32 v4, v40  }
0x100: {  	v46 =	vor.u32 $0x35, v1;
	v4 =	vld.idx.msk [tilespmem:v41+s7+$0x0], $0xffff  }
0x101: {  	v47 =	vld.idx.msk [tilespmem:v6+s2+$0x0], $0xffff;
	v2 =	vadd.f32 v3, v2;
	v3 =	vmul.f32 v5, v42  }
0x102: {  	v5 =	vld.idx.msk [tilespmem:v6+s7+$0x0], $0xffff;
	v6 =	vor.u32 $0x36, v1  }
0x103: {  	v48 =	vld.idx.msk [tilespmem:v44+s2+$0x0], $0xffff;
	v2 =	vadd.f32 v3, v2;
	v3 =	vmul.f32 v7, v43  }
0x104: {  	v49 =	vor.u32 $0x37, v1;
	v7 =	vld.idx.msk [tilespmem:v44+s7+$0x0], $0xffff  }
0x105: {  	v50 =	vld.idx.msk [tilespmem:v46+s2+$0x0], $0xffff;
	v2 =	vadd.f32 v3, v2;
	v3 =	vmul.f32 v4, v45  }
0x106: {  	v51 =	vor.u32 $0x38, v1;
	v4 =	vld.idx.msk [tilespmem:v46+s7+$0x0], $0xffff  }
0x107: {  	v52 =	vld.idx.msk [tilespmem:v6+s2+$0x0], $0xffff;
	v2 =	vadd.f32 v3, v2;
	v3 =	vmul.f32 v5, v47  }
0x108: {  	v5 =	vld.idx.msk [tilespmem:v6+s7+$0x0], $0xffff;
	v6 =	vor.u32 $0x39, v1  }
0x109: {  	v53 =	vld.idx.msk [tilespmem:v49+s2+$0x0], $0xffff;
	v2 =	vadd.f32 v3, v2;
	v3 =	vmul.f32 v7, v48  }
0x10a: {  	v54 =	vor.u32 $0x3A, v1;
	v7 =	vld.idx.msk [tilespmem:v49+s7+$0x0], $0xffff  }
0x10b: {  	v55 =	vld.idx.msk [tilespmem:v51+s2+$0x0], $0xffff;
	v2 =	vadd.f32 v3, v2;
	v3 =	vmul.f32 v4, v50  }
0x10c: {  	v56 =	vor.u32 $0x3B, v1;
	v4 =	vld.idx.msk [tilespmem:v51+s7+$0x0], $0xffff  }
0x10d: {  	v57 =	vld.idx.msk [tilespmem:v6+s2+$0x0], $0xffff;
	v2 =	vadd.f32 v3, v2;
	v3 =	vmul.f32 v5, v52  }
0x10e: {  	v5 =	vld.idx.msk [tilespmem:v6+s7+$0x0], $0xffff;
	v6 =	vor.u32 $0x3C, v1  }
0x10f: {  	v58 =	vld.idx.msk [tilespmem:v54+s2+$0x0], $0xffff;
	v2 =	vadd.f32 v3, v2;
	v3 =	vmul.f32 v7, v53  }
0x110: {  	v7 =	vld.idx.msk [tilespmem:v54+s7+$0x0], $0xffff  }
0x111: {  	v60 =	vld.idx.msk [tilespmem:v56+s2+$0x0], $0xffff;
	v2 =	vadd.f32 v3, v2;
	v3 =	vmul.f32 v4, v55  }
0x112: {  	v59 =	vor.u32 $0x3D, v1;
	v4 =	vld.idx.msk [tilespmem:v56+s7+$0x0], $0xffff  }
0x113: {  	v62 =	vld.idx.msk [tilespmem:v6+s2+$0x0], $0xffff;
	v2 =	vadd.f32 v3, v2;
	v3 =	vmul.f32 v5, v57  }
0x114: {  	v61 =	vor.u32 $0x3E, v1;
	v5 =	vld.idx.msk [tilespmem:v6+s7+$0x0], $0xffff  }
0x115: {  	v2 =	vadd.f32 v3, v2;
	v3 =	vmul.f32 v7, v58  }
0x116: {  	v1 =	vor.u32 $0x3F, v1  }
0x117: {  	v6 =	vld.idx.msk [tilespmem:v59+s2+$0x0], $0xffff;
	v2 =	vadd.f32 v3, v2;
	v3 =	vmul.f32 v4, v60  }
0x118: {  	v7 =	vld.idx.msk [tilespmem:v59+s7+$0x0], $0xffff  }
0x119: {  	v63 =	vld.idx.msk [tilespmem:v61+s2+$0x0], $0xffff;
	v2 =	vadd.f32 v3, v2;
	v3 =	vmul.f32 v5, v62  }
0x11a: {  	v9 =	vld.idx.msk [tilespmem:v61+s7+$0x0], $0xffff  }
0x11b: {  	v4 =	vadd.f32 v3, v2;
	v2 =	vld.idx.msk [tilespmem:v1+s2+$0x0], $0xffff  }
0x11c: {  	v3 =	vld.idx.msk [tilespmem:v1+s7+$0x0], $0xffff  }
0x11d: {  	v5 =	vmul.f32 v7, v6  }
0x11e: {  	s31 =	simm.s32 $0x20  }
0x11f: {  	v6 =	vmov s31;
	v4 =	vadd.f32 v5, v4;
	v5 =	vmul.f32 v9, v63  }
0x120: {  	s13 =	simm.s32 $0x30;
	s12 =	simm.s32 $0x10000;
	v1 =	vshll.u32 v6, $0x6  }
.LBB2_2:
0x121: {  	p0 =	sne.s32 s13, $0x1F0;
	v1 =	vor.u32 v0, v1;
	v4 =	vadd.f32 v5, v4;
	v2 =	vmul.f32 v3, v2;
	_ =	sdelay $0x1  }
0x122: {  	v3 =	vor.u32 $0x1, v1;
	v2 =	vadd.f32 v2, v4  }
0x123: {  	s12 =	sadd.s32 $0x10, s12  }
0x124: {  	v4 =	vor.u32 $0x2, v1;
	[tilespmem:s12+$0x0] =	vst v2  }
0x125: {  	v2 =	vld.idx.msk [tilespmem:v1+s7+$0x0], $0xffff  }
0x126: {  	v6 =	vor.u32 $0x3, v1;
	v5 =	vld.idx.msk [tilespmem:v1+s2+$0x0], $0xffff  }
0x127: {  	v7 =	vld.idx.msk [tilespmem:v3+s2+$0x0], $0xffff  }
0x128: {  	v8 =	vor.u32 $0x4, v1;
	v3 =	vld.idx.msk [tilespmem:v3+s7+$0x0], $0xffff  }
0x129: {  	v9 =	vld.idx.msk [tilespmem:v4+s2+$0x0], $0xffff  }
0x12a: {  	v10 =	vor.u32 $0x5, v1;
	v4 =	vld.idx.msk [tilespmem:v4+s7+$0x0], $0xffff  }
0x12b: {  	v11 =	vld.idx.msk [tilespmem:v6+s2+$0x0], $0xffff  }
0x12c: {  	v2 =	vmul.f32 v2, v5;
	v5 =	vld.idx.msk [tilespmem:v6+s7+$0x0], $0xffff;
	v6 =	vor.u32 $0x6, v1  }
0x12d: {  	v12 =	vld.idx.msk [tilespmem:v8+s2+$0x0], $0xffff  }
0x12e: {  	v2 =	vadd.f32 $0.0e+00, v2;
	v3 =	vmul.f32 v3, v7;
	v7 =	vld.idx.msk [tilespmem:v8+s7+$0x0], $0xffff;
	v8 =	vor.u32 $0x7, v1  }
0x12f: {  	v13 =	vld.idx.msk [tilespmem:v10+s2+$0x0], $0xffff  }
0x130: {  	v2 =	vadd.f32 v3, v2;
	v3 =	vmul.f32 v4, v9;
	v9 =	vor.u32 $0x8, v1;
	v4 =	vld.idx.msk [tilespmem:v10+s7+$0x0], $0xffff  }
0x131: {  	v10 =	vld.idx.msk [tilespmem:v6+s2+$0x0], $0xffff  }
0x132: {  	v2 =	vadd.f32 v3, v2;
	v3 =	vmul.f32 v5, v11;
	v5 =	vld.idx.msk [tilespmem:v6+s7+$0x0], $0xffff;
	v6 =	vor.u32 $0x9, v1  }
0x133: {  	v11 =	vld.idx.msk [tilespmem:v8+s2+$0x0], $0xffff  }
0x134: {  	v2 =	vadd.f32 v3, v2;
	v3 =	vmul.f32 v7, v12;
	v7 =	vld.idx.msk [tilespmem:v8+s7+$0x0], $0xffff;
	v8 =	vor.u32 $0xA, v1  }
0x135: {  	v12 =	vld.idx.msk [tilespmem:v9+s2+$0x0], $0xffff  }
0x136: {  	v2 =	vadd.f32 v3, v2;
	v3 =	vmul.f32 v4, v13;
	v4 =	vld.idx.msk [tilespmem:v9+s7+$0x0], $0xffff;
	v9 =	vor.u32 $0xB, v1  }
0x137: {  	v13 =	vld.idx.msk [tilespmem:v6+s2+$0x0], $0xffff  }
0x138: {  	v2 =	vadd.f32 v3, v2;
	v3 =	vmul.f32 v5, v10;
	v5 =	vld.idx.msk [tilespmem:v6+s7+$0x0], $0xffff;
	v6 =	vor.u32 $0xC, v1  }
0x139: {  	v10 =	vld.idx.msk [tilespmem:v8+s2+$0x0], $0xffff  }
0x13a: {  	v2 =	vadd.f32 v3, v2;
	v3 =	vmul.f32 v7, v11;
	v7 =	vld.idx.msk [tilespmem:v8+s7+$0x0], $0xffff;
	v8 =	vor.u32 $0xD, v1  }
0x13b: {  	v11 =	vld.idx.msk [tilespmem:v9+s2+$0x0], $0xffff  }
0x13c: {  	v2 =	vadd.f32 v3, v2;
	v3 =	vmul.f32 v4, v12;
	v4 =	vld.idx.msk [tilespmem:v9+s7+$0x0], $0xffff;
	v9 =	vor.u32 $0xE, v1  }
0x13d: {  	v12 =	vld.idx.msk [tilespmem:v6+s2+$0x0], $0xffff  }
0x13e: {  	v2 =	vadd.f32 v3, v2;
	v3 =	vmul.f32 v5, v13;
	v5 =	vld.idx.msk [tilespmem:v6+s7+$0x0], $0xffff;
	v6 =	vor.u32 $0xF, v1  }
0x13f: {  	v13 =	vld.idx.msk [tilespmem:v8+s2+$0x0], $0xffff  }
0x140: {  	v2 =	vadd.f32 v3, v2;
	v3 =	vmul.f32 v7, v10;
	v7 =	vld.idx.msk [tilespmem:v8+s7+$0x0], $0xffff;
	v8 =	vor.u32 $0x10, v1  }
0x141: {  	v10 =	vld.idx.msk [tilespmem:v9+s2+$0x0], $0xffff  }
0x142: {  	v2 =	vadd.f32 v3, v2;
	v3 =	vmul.f32 v4, v11;
	v4 =	vld.idx.msk [tilespmem:v9+s7+$0x0], $0xffff;
	v9 =	vor.u32 $0x11, v1  }
0x143: {  	v11 =	vld.idx.msk [tilespmem:v6+s2+$0x0], $0xffff  }
0x144: {  	v2 =	vadd.f32 v3, v2;
	v3 =	vmul.f32 v5, v12;
	v5 =	vld.idx.msk [tilespmem:v6+s7+$0x0], $0xffff;
	v6 =	vor.u32 $0x12, v1  }
0x145: {  	v12 =	vld.idx.msk [tilespmem:v8+s2+$0x0], $0xffff  }
0x146: {  	v2 =	vadd.f32 v3, v2;
	v3 =	vmul.f32 v7, v13;
	v7 =	vld.idx.msk [tilespmem:v8+s7+$0x0], $0xffff;
	v8 =	vor.u32 $0x13, v1  }
0x147: {  	v13 =	vld.idx.msk [tilespmem:v9+s2+$0x0], $0xffff  }
0x148: {  	v2 =	vadd.f32 v3, v2;
	v3 =	vmul.f32 v4, v10;
	v4 =	vld.idx.msk [tilespmem:v9+s7+$0x0], $0xffff;
	v9 =	vor.u32 $0x14, v1  }
0x149: {  	v10 =	vld.idx.msk [tilespmem:v6+s2+$0x0], $0xffff  }
0x14a: {  	v2 =	vadd.f32 v3, v2;
	v3 =	vmul.f32 v5, v11;
	v5 =	vld.idx.msk [tilespmem:v6+s7+$0x0], $0xffff;
	v6 =	vor.u32 $0x15, v1  }
0x14b: {  	v11 =	vld.idx.msk [tilespmem:v8+s2+$0x0], $0xffff  }
0x14c: {  	v2 =	vadd.f32 v3, v2;
	v3 =	vmul.f32 v7, v12;
	v7 =	vld.idx.msk [tilespmem:v8+s7+$0x0], $0xffff;
	v8 =	vor.u32 $0x16, v1  }
0x14d: {  	v12 =	vld.idx.msk [tilespmem:v9+s2+$0x0], $0xffff  }
0x14e: {  	v2 =	vadd.f32 v3, v2;
	v3 =	vmul.f32 v4, v13;
	v4 =	vld.idx.msk [tilespmem:v9+s7+$0x0], $0xffff;
	v9 =	vor.u32 $0x17, v1  }
0x14f: {  	v13 =	vld.idx.msk [tilespmem:v6+s2+$0x0], $0xffff  }
0x150: {  	v2 =	vadd.f32 v3, v2;
	v3 =	vmul.f32 v5, v10;
	v5 =	vld.idx.msk [tilespmem:v6+s7+$0x0], $0xffff;
	v6 =	vor.u32 $0x18, v1  }
0x151: {  	v10 =	vld.idx.msk [tilespmem:v8+s2+$0x0], $0xffff  }
0x152: {  	v2 =	vadd.f32 v3, v2;
	v3 =	vmul.f32 v7, v11;
	v7 =	vld.idx.msk [tilespmem:v8+s7+$0x0], $0xffff;
	v8 =	vor.u32 $0x19, v1  }
0x153: {  	v11 =	vld.idx.msk [tilespmem:v9+s2+$0x0], $0xffff  }
0x154: {  	v2 =	vadd.f32 v3, v2;
	v3 =	vmul.f32 v4, v12;
	v4 =	vld.idx.msk [tilespmem:v9+s7+$0x0], $0xffff;
	v9 =	vor.u32 $0x1A, v1  }
0x155: {  	v12 =	vld.idx.msk [tilespmem:v6+s2+$0x0], $0xffff  }
0x156: {  	v2 =	vadd.f32 v3, v2;
	v3 =	vmul.f32 v5, v13;
	v5 =	vld.idx.msk [tilespmem:v6+s7+$0x0], $0xffff;
	v6 =	vor.u32 $0x1B, v1  }
0x157: {  	v13 =	vld.idx.msk [tilespmem:v8+s2+$0x0], $0xffff  }
0x158: {  	v2 =	vadd.f32 v3, v2;
	v3 =	vmul.f32 v7, v10;
	v7 =	vld.idx.msk [tilespmem:v8+s7+$0x0], $0xffff;
	v8 =	vor.u32 $0x1C, v1  }
0x159: {  	v10 =	vld.idx.msk [tilespmem:v9+s2+$0x0], $0xffff  }
0x15a: {  	v2 =	vadd.f32 v3, v2;
	v3 =	vmul.f32 v4, v11;
	v4 =	vld.idx.msk [tilespmem:v9+s7+$0x0], $0xffff;
	v9 =	vor.u32 $0x1D, v1  }
0x15b: {  	v11 =	vld.idx.msk [tilespmem:v6+s2+$0x0], $0xffff  }
0x15c: {  	v2 =	vadd.f32 v3, v2;
	v3 =	vmul.f32 v5, v12;
	v5 =	vld.idx.msk [tilespmem:v6+s7+$0x0], $0xffff;
	v6 =	vor.u32 $0x1E, v1  }
0x15d: {  	v12 =	vld.idx.msk [tilespmem:v8+s2+$0x0], $0xffff  }
0x15e: {  	v2 =	vadd.f32 v3, v2;
	v3 =	vmul.f32 v7, v13;
	v7 =	vld.idx.msk [tilespmem:v8+s7+$0x0], $0xffff;
	v8 =	vor.u32 $0x1F, v1  }
0x15f: {  	v13 =	vld.idx.msk [tilespmem:v9+s2+$0x0], $0xffff  }
0x160: {  	v2 =	vadd.f32 v3, v2;
	v3 =	vmul.f32 v4, v10;
	v4 =	vld.idx.msk [tilespmem:v9+s7+$0x0], $0xffff;
	v9 =	vor.u32 $0x20, v1  }
0x161: {  	v10 =	vld.idx.msk [tilespmem:v6+s2+$0x0], $0xffff  }
0x162: {  	v2 =	vadd.f32 v3, v2;
	v3 =	vmul.f32 v5, v11;
	v5 =	vld.idx.msk [tilespmem:v6+s7+$0x0], $0xffff;
	v6 =	vor.u32 $0x21, v1  }
0x163: {  	v11 =	vld.idx.msk [tilespmem:v8+s2+$0x0], $0xffff  }
0x164: {  	v2 =	vadd.f32 v3, v2;
	v3 =	vmul.f32 v7, v12;
	v7 =	vld.idx.msk [tilespmem:v8+s7+$0x0], $0xffff;
	v8 =	vor.u32 $0x22, v1  }
0x165: {  	v12 =	vld.idx.msk [tilespmem:v9+s2+$0x0], $0xffff  }
0x166: {  	v2 =	vadd.f32 v3, v2;
	v3 =	vmul.f32 v4, v13;
	v4 =	vld.idx.msk [tilespmem:v9+s7+$0x0], $0xffff;
	v9 =	vor.u32 $0x23, v1  }
0x167: {  	v13 =	vld.idx.msk [tilespmem:v6+s2+$0x0], $0xffff  }
0x168: {  	v2 =	vadd.f32 v3, v2;
	v3 =	vmul.f32 v5, v10;
	v5 =	vld.idx.msk [tilespmem:v6+s7+$0x0], $0xffff;
	v6 =	vor.u32 $0x24, v1  }
0x169: {  	v10 =	vld.idx.msk [tilespmem:v8+s2+$0x0], $0xffff  }
0x16a: {  	v2 =	vadd.f32 v3, v2;
	v3 =	vmul.f32 v7, v11;
	v7 =	vld.idx.msk [tilespmem:v8+s7+$0x0], $0xffff;
	v8 =	vor.u32 $0x25, v1  }
0x16b: {  	v11 =	vld.idx.msk [tilespmem:v9+s2+$0x0], $0xffff  }
0x16c: {  	v2 =	vadd.f32 v3, v2;
	v3 =	vmul.f32 v4, v12;
	v4 =	vld.idx.msk [tilespmem:v9+s7+$0x0], $0xffff;
	v9 =	vor.u32 $0x26, v1  }
0x16d: {  	v12 =	vld.idx.msk [tilespmem:v6+s2+$0x0], $0xffff  }
0x16e: {  	v2 =	vadd.f32 v3, v2;
	v3 =	vmul.f32 v5, v13;
	v5 =	vld.idx.msk [tilespmem:v6+s7+$0x0], $0xffff;
	v6 =	vor.u32 $0x27, v1  }
0x16f: {  	v13 =	vld.idx.msk [tilespmem:v8+s2+$0x0], $0xffff  }
0x170: {  	v2 =	vadd.f32 v3, v2;
	v3 =	vmul.f32 v7, v10;
	v7 =	vld.idx.msk [tilespmem:v8+s7+$0x0], $0xffff;
	v8 =	vor.u32 $0x28, v1  }
0x171: {  	v10 =	vld.idx.msk [tilespmem:v9+s2+$0x0], $0xffff  }
0x172: {  	v2 =	vadd.f32 v3, v2;
	v3 =	vmul.f32 v4, v11;
	v4 =	vld.idx.msk [tilespmem:v9+s7+$0x0], $0xffff;
	v9 =	vor.u32 $0x29, v1  }
0x173: {  	v11 =	vld.idx.msk [tilespmem:v6+s2+$0x0], $0xffff  }
0x174: {  	v2 =	vadd.f32 v3, v2;
	v3 =	vmul.f32 v5, v12;
	v5 =	vld.idx.msk [tilespmem:v6+s7+$0x0], $0xffff;
	v6 =	vor.u32 $0x2A, v1  }
0x175: {  	v12 =	vld.idx.msk [tilespmem:v8+s2+$0x0], $0xffff  }
0x176: {  	v2 =	vadd.f32 v3, v2;
	v3 =	vmul.f32 v7, v13;
	v7 =	vld.idx.msk [tilespmem:v8+s7+$0x0], $0xffff;
	v8 =	vor.u32 $0x2B, v1  }
0x177: {  	v13 =	vld.idx.msk [tilespmem:v9+s2+$0x0], $0xffff  }
0x178: {  	v2 =	vadd.f32 v3, v2;
	v3 =	vmul.f32 v4, v10;
	v4 =	vld.idx.msk [tilespmem:v9+s7+$0x0], $0xffff;
	v9 =	vor.u32 $0x2C, v1  }
0x179: {  	v10 =	vld.idx.msk [tilespmem:v6+s2+$0x0], $0xffff  }
0x17a: {  	v2 =	vadd.f32 v3, v2;
	v3 =	vmul.f32 v5, v11;
	v5 =	vld.idx.msk [tilespmem:v6+s7+$0x0], $0xffff;
	v6 =	vor.u32 $0x2D, v1  }
0x17b: {  	v11 =	vld.idx.msk [tilespmem:v8+s2+$0x0], $0xffff  }
0x17c: {  	v2 =	vadd.f32 v3, v2;
	v3 =	vmul.f32 v7, v12;
	v7 =	vld.idx.msk [tilespmem:v8+s7+$0x0], $0xffff;
	v8 =	vor.u32 $0x2E, v1  }
0x17d: {  	v12 =	vld.idx.msk [tilespmem:v9+s2+$0x0], $0xffff  }
0x17e: {  	v2 =	vadd.f32 v3, v2;
	v3 =	vmul.f32 v4, v13;
	v4 =	vld.idx.msk [tilespmem:v9+s7+$0x0], $0xffff;
	v9 =	vor.u32 $0x2F, v1  }
0x17f: {  	v13 =	vld.idx.msk [tilespmem:v6+s2+$0x0], $0xffff  }
0x180: {  	v2 =	vadd.f32 v3, v2;
	v3 =	vmul.f32 v5, v10;
	v5 =	vld.idx.msk [tilespmem:v6+s7+$0x0], $0xffff;
	v6 =	vor.u32 $0x30, v1  }
0x181: {  	v10 =	vld.idx.msk [tilespmem:v8+s2+$0x0], $0xffff  }
0x182: {  	v2 =	vadd.f32 v3, v2;
	v3 =	vmul.f32 v7, v11;
	v7 =	vld.idx.msk [tilespmem:v8+s7+$0x0], $0xffff;
	v8 =	vor.u32 $0x31, v1  }
0x183: {  	v11 =	vld.idx.msk [tilespmem:v9+s2+$0x0], $0xffff  }
0x184: {  	v2 =	vadd.f32 v3, v2;
	v3 =	vmul.f32 v4, v12;
	v4 =	vld.idx.msk [tilespmem:v9+s7+$0x0], $0xffff;
	v9 =	vor.u32 $0x32, v1  }
0x185: {  	v12 =	vld.idx.msk [tilespmem:v6+s2+$0x0], $0xffff  }
0x186: {  	v2 =	vadd.f32 v3, v2;
	v3 =	vmul.f32 v5, v13;
	v5 =	vld.idx.msk [tilespmem:v6+s7+$0x0], $0xffff;
	v6 =	vor.u32 $0x33, v1  }
0x187: {  	v13 =	vld.idx.msk [tilespmem:v8+s2+$0x0], $0xffff  }
0x188: {  	v2 =	vadd.f32 v3, v2;
	v3 =	vmul.f32 v7, v10;
	v7 =	vld.idx.msk [tilespmem:v8+s7+$0x0], $0xffff;
	v8 =	vor.u32 $0x34, v1  }
0x189: {  	v10 =	vld.idx.msk [tilespmem:v9+s2+$0x0], $0xffff  }
0x18a: {  	v2 =	vadd.f32 v3, v2;
	v3 =	vmul.f32 v4, v11;
	v4 =	vld.idx.msk [tilespmem:v9+s7+$0x0], $0xffff;
	v9 =	vor.u32 $0x35, v1  }
0x18b: {  	v11 =	vld.idx.msk [tilespmem:v6+s2+$0x0], $0xffff  }
0x18c: {  	v2 =	vadd.f32 v3, v2;
	v3 =	vmul.f32 v5, v12;
	v5 =	vld.idx.msk [tilespmem:v6+s7+$0x0], $0xffff;
	v6 =	vor.u32 $0x36, v1  }
0x18d: {  	v12 =	vld.idx.msk [tilespmem:v8+s2+$0x0], $0xffff  }
0x18e: {  	v2 =	vadd.f32 v3, v2;
	v3 =	vmul.f32 v7, v13;
	v7 =	vld.idx.msk [tilespmem:v8+s7+$0x0], $0xffff;
	v8 =	vor.u32 $0x37, v1  }
0x18f: {  	v13 =	vld.idx.msk [tilespmem:v9+s2+$0x0], $0xffff  }
0x190: {  	v2 =	vadd.f32 v3, v2;
	v3 =	vmul.f32 v4, v10;
	v4 =	vld.idx.msk [tilespmem:v9+s7+$0x0], $0xffff;
	v9 =	vor.u32 $0x38, v1  }
0x191: {  	v10 =	vld.idx.msk [tilespmem:v6+s2+$0x0], $0xffff  }
0x192: {  	v2 =	vadd.f32 v3, v2;
	v3 =	vmul.f32 v5, v11;
	v5 =	vld.idx.msk [tilespmem:v6+s7+$0x0], $0xffff;
	v6 =	vor.u32 $0x39, v1  }
0x193: {  	v11 =	vld.idx.msk [tilespmem:v8+s2+$0x0], $0xffff  }
0x194: {  	v2 =	vadd.f32 v3, v2;
	v3 =	vmul.f32 v7, v12;
	v7 =	vld.idx.msk [tilespmem:v8+s7+$0x0], $0xffff;
	v8 =	vor.u32 $0x3A, v1  }
0x195: {  	v12 =	vld.idx.msk [tilespmem:v9+s2+$0x0], $0xffff  }
0x196: {  	v2 =	vadd.f32 v3, v2;
	v3 =	vmul.f32 v4, v13;
	v4 =	vld.idx.msk [tilespmem:v9+s7+$0x0], $0xffff;
	v9 =	vor.u32 $0x3B, v1  }
0x197: {  	v13 =	vld.idx.msk [tilespmem:v6+s2+$0x0], $0xffff  }
0x198: {  	v2 =	vadd.f32 v3, v2;
	v3 =	vmul.f32 v5, v10;
	v5 =	vld.idx.msk [tilespmem:v6+s7+$0x0], $0xffff;
	v6 =	vor.u32 $0x3C, v1  }
0x199: {  	v10 =	vld.idx.msk [tilespmem:v8+s2+$0x0], $0xffff  }
0x19a: {  	v2 =	vadd.f32 v3, v2;
	v3 =	vmul.f32 v7, v11;
	v7 =	vld.idx.msk [tilespmem:v8+s7+$0x0], $0xffff;
	v8 =	vor.u32 $0x3D, v1  }
0x19b: {  	v11 =	vld.idx.msk [tilespmem:v9+s2+$0x0], $0xffff  }
0x19c: {  	v2 =	vadd.f32 v3, v2;
	v3 =	vmul.f32 v4, v12;
	v4 =	vld.idx.msk [tilespmem:v9+s7+$0x0], $0xffff;
	v9 =	vor.u32 $0x3E, v1  }
0x19d: {  	v12 =	vld.idx.msk [tilespmem:v6+s2+$0x0], $0xffff  }
0x19e: {  	v1 =	vor.u32 $0x3F, v1;
	v2 =	vadd.f32 v3, v2;
	v3 =	vmul.f32 v5, v13;
	v5 =	vld.idx.msk [tilespmem:v6+s7+$0x0], $0xffff  }
0x19f: {  	v6 =	vld.idx.msk [tilespmem:v8+s2+$0x0], $0xffff  }
0x1a0: {  	v2 =	vadd.f32 v3, v2;
	v3 =	vmul.f32 v7, v10;
	v7 =	vld.idx.msk [tilespmem:v8+s7+$0x0], $0xffff  }
0x1a1: {  	v8 =	vld.idx.msk [tilespmem:v9+s2+$0x0], $0xffff  }
0x1a2: {  	v3 =	vadd.f32 v3, v2;
	v4 =	vmul.f32 v4, v11;
	v9 =	vld.idx.msk [tilespmem:v9+s7+$0x0], $0xffff  }
0x1a3: {  	v2 =	vld.idx.msk [tilespmem:v1+s2+$0x0], $0xffff  }
0x1a4: {  	v4 =	vadd.f32 v4, v3;
	v5 =	vmul.f32 v5, v12;
	v3 =	vld.idx.msk [tilespmem:v1+s7+$0x0], $0xffff  }
.Ltmp0:
0x1a5: {  	(pc) =	sbr.rel @p0 .LBB2_2-.Ltmp0, $3  }
0x1a6: {  	v1 =	vadd.f32 v5, v4;
	v4 =	vmul.f32 v7, v6;
	_ =	sdelay $0x1  }
0x1a7: {  	v6 =	vmov s13;
	v4 =	vadd.f32 v4, v1;
	v5 =	vmul.f32 v9, v8  }
0x1a8: {  	s13 =	sadd.s32 $0x10, s13;
	v1 =	vshll.u32 v6, $0x6  }
0x1a9: {  	v1 =	vor.u32 v0, v1;
	v4 =	vadd.f32 v5, v4;
	v2 =	vmul.f32 v3, v2;
	_ =	sdelay $0x1  }
0x1aa: {  	v3 =	vor.u32 $0x1, v1;
	v2 =	vadd.f32 v2, v4  }
0x1ab: {  	s12 =	sadd.s32 $0x10, s12  }
0x1ac: {  	v31 =	vor.u32 $0x2, v1;
	[tilespmem:s12+$0x0] =	vst v2  }
0x1ad: {  	v2 =	vld.idx.msk [tilespmem:v1+s7+$0x0], $0xffff  }
0x1ae: {  	v6 =	vor.u32 $0x3, v1;
	v32 =	vld.idx.msk [tilespmem:v1+s2+$0x0], $0xffff  }
0x1af: {  	v7 =	vld.idx.msk [tilespmem:v3+s2+$0x0], $0xffff  }
0x1b0: {  	v8 =	vor.u32 $0x4, v1;
	v3 =	vld.idx.msk [tilespmem:v3+s7+$0x0], $0xffff  }
0x1b1: {  	v9 =	vld.idx.msk [tilespmem:v31+s2+$0x0], $0xffff  }
0x1b2: {  	v10 =	vor.u32 $0x5, v1;
	v4 =	vld.idx.msk [tilespmem:v31+s7+$0x0], $0xffff  }
0x1b3: {  	v11 =	vld.idx.msk [tilespmem:v6+s2+$0x0], $0xffff;
	v2 =	vmul.f32 v2, v32  }
0x1b4: {  	v34 =	vor.u32 $0x6, v1;
	v33 =	vld.idx.msk [tilespmem:v6+s7+$0x0], $0xffff  }
0x1b5: {  	v12 =	vld.idx.msk [tilespmem:v8+s2+$0x0], $0xffff;
	v3 =	vmul.f32 v3, v7;
	v2 =	vadd.f32 $0.0e+00, v2  }
0x1b6: {  	v36 =	vor.u32 $0x7, v1;
	v35 =	vld.idx.msk [tilespmem:v8+s7+$0x0], $0xffff  }
0x1b7: {  	v13 =	vld.idx.msk [tilespmem:v10+s2+$0x0], $0xffff;
	v2 =	vadd.f32 v3, v2;
	v3 =	vmul.f32 v4, v9  }
0x1b8: {  	v38 =	vor.u32 $0x8, v1;
	v37 =	vld.idx.msk [tilespmem:v10+s7+$0x0], $0xffff  }
0x1b9: {  	v39 =	vld.idx.msk [tilespmem:v34+s2+$0x0], $0xffff;
	v2 =	vadd.f32 v3, v2;
	v3 =	vmul.f32 v33, v11  }
0x1ba: {  	v41 =	vor.u32 $0x9, v1;
	v40 =	vld.idx.msk [tilespmem:v34+s7+$0x0], $0xffff  }
0x1bb: {  	v42 =	vld.idx.msk [tilespmem:v36+s2+$0x0], $0xffff;
	v2 =	vadd.f32 v3, v2;
	v3 =	vmul.f32 v35, v12  }
0x1bc: {  	v44 =	vor.u32 $0xA, v1;
	v43 =	vld.idx.msk [tilespmem:v36+s7+$0x0], $0xffff  }
0x1bd: {  	v45 =	vld.idx.msk [tilespmem:v38+s2+$0x0], $0xffff;
	v2 =	vadd.f32 v3, v2;
	v3 =	vmul.f32 v37, v13  }
0x1be: {  	v47 =	vor.u32 $0xB, v1;
	v46 =	vld.idx.msk [tilespmem:v38+s7+$0x0], $0xffff  }
0x1bf: {  	v48 =	vld.idx.msk [tilespmem:v41+s2+$0x0], $0xffff;
	v2 =	vadd.f32 v3, v2;
	v3 =	vmul.f32 v40, v39  }
0x1c0: {  	v50 =	vor.u32 $0xC, v1;
	v49 =	vld.idx.msk [tilespmem:v41+s7+$0x0], $0xffff  }
0x1c1: {  	v51 =	vld.idx.msk [tilespmem:v44+s2+$0x0], $0xffff;
	v2 =	vadd.f32 v3, v2;
	v3 =	vmul.f32 v43, v42  }
0x1c2: {  	v53 =	vor.u32 $0xD, v1;
	v52 =	vld.idx.msk [tilespmem:v44+s7+$0x0], $0xffff  }
0x1c3: {  	v54 =	vld.idx.msk [tilespmem:v47+s2+$0x0], $0xffff;
	v2 =	vadd.f32 v3, v2;
	v3 =	vmul.f32 v46, v45  }
0x1c4: {  	v56 =	vor.u32 $0xE, v1;
	v55 =	vld.idx.msk [tilespmem:v47+s7+$0x0], $0xffff  }
0x1c5: {  	v57 =	vld.idx.msk [tilespmem:v50+s2+$0x0], $0xffff;
	v2 =	vadd.f32 v3, v2;
	v3 =	vmul.f32 v49, v48  }
0x1c6: {  	v59 =	vor.u32 $0xF, v1;
	v58 =	vld.idx.msk [tilespmem:v50+s7+$0x0], $0xffff  }
0x1c7: {  	v60 =	vld.idx.msk [tilespmem:v53+s2+$0x0], $0xffff;
	v2 =	vadd.f32 v3, v2;
	v3 =	vmul.f32 v52, v51  }
0x1c8: {  	v62 =	vor.u32 $0x10, v1;
	v61 =	vld.idx.msk [tilespmem:v53+s7+$0x0], $0xffff  }
0x1c9: {  	v63 =	vld.idx.msk [tilespmem:v56+s2+$0x0], $0xffff;
	v2 =	vadd.f32 v3, v2;
	v3 =	vmul.f32 v55, v54  }
0x1ca: {  	v17 =	vor.u32 $0x11, v1;
	v16 =	vld.idx.msk [tilespmem:v56+s7+$0x0], $0xffff  }
0x1cb: {  	v18 =	vld.idx.msk [tilespmem:v59+s2+$0x0], $0xffff;
	v2 =	vadd.f32 v3, v2;
	v3 =	vmul.f32 v58, v57  }
0x1cc: {  	v20 =	vor.u32 $0x12, v1;
	v19 =	vld.idx.msk [tilespmem:v59+s7+$0x0], $0xffff  }
0x1cd: {  	v21 =	vld.idx.msk [tilespmem:v62+s2+$0x0], $0xffff;
	v2 =	vadd.f32 v3, v2;
	v3 =	vmul.f32 v61, v60  }
0x1ce: {  	v23 =	vor.u32 $0x13, v1;
	v22 =	vld.idx.msk [tilespmem:v62+s7+$0x0], $0xffff  }
0x1cf: {  	v24 =	vld.idx.msk [tilespmem:v17+s2+$0x0], $0xffff;
	v2 =	vadd.f32 v3, v2;
	v3 =	vmul.f32 v16, v63  }
0x1d0: {  	v26 =	vor.u32 $0x14, v1;
	v25 =	vld.idx.msk [tilespmem:v17+s7+$0x0], $0xffff  }
0x1d1: {  	v27 =	vld.idx.msk [tilespmem:v20+s2+$0x0], $0xffff;
	v2 =	vadd.f32 v3, v2;
	v3 =	vmul.f32 v19, v18  }
0x1d2: {  	v29 =	vor.u32 $0x15, v1;
	v28 =	vld.idx.msk [tilespmem:v20+s7+$0x0], $0xffff  }
0x1d3: {  	v30 =	vld.idx.msk [tilespmem:v23+s2+$0x0], $0xffff;
	v2 =	vadd.f32 v3, v2;
	v3 =	vmul.f32 v22, v21  }
0x1d4: {  	v31 =	vld.idx.msk [tilespmem:v23+s7+$0x0], $0xffff;
	v32 =	vor.u32 $0x16, v1  }
0x1d5: {  	v34 =	vld.idx.msk [tilespmem:v26+s7+$0x0], $0xffff;
	v2 =	vadd.f32 v3, v2;
	v3 =	vmul.f32 v25, v24  }
0x1d6: {  	v33 =	vld.idx.msk [tilespmem:v26+s2+$0x0], $0xffff;
	v35 =	vor.u32 $0x17, v1  }
0x1d7: {  	v36 =	vld.idx.msk [tilespmem:v29+s2+$0x0], $0xffff;
	v2 =	vadd.f32 v3, v2;
	v3 =	vmul.f32 v28, v27  }
0x1d8: {  	v38 =	vor.u32 $0x18, v1;
	v37 =	vld.idx.msk [tilespmem:v29+s7+$0x0], $0xffff  }
0x1d9: {  	v39 =	vld.idx.msk [tilespmem:v32+s2+$0x0], $0xffff;
	v2 =	vadd.f32 v3, v2;
	v3 =	vmul.f32 v31, v30  }
0x1da: {  	v41 =	vor.u32 $0x19, v1;
	v40 =	vld.idx.msk [tilespmem:v32+s7+$0x0], $0xffff  }
0x1db: {  	v42 =	vld.idx.msk [tilespmem:v35+s2+$0x0], $0xffff;
	v2 =	vadd.f32 v3, v2;
	v3 =	vmul.f32 v34, v33  }
0x1dc: {  	v44 =	vor.u32 $0x1A, v1;
	v43 =	vld.idx.msk [tilespmem:v35+s7+$0x0], $0xffff  }
0x1dd: {  	v45 =	vld.idx.msk [tilespmem:v38+s2+$0x0], $0xffff;
	v2 =	vadd.f32 v3, v2;
	v3 =	vmul.f32 v37, v36  }
0x1de: {  	v47 =	vor.u32 $0x1B, v1;
	v46 =	vld.idx.msk [tilespmem:v38+s7+$0x0], $0xffff  }
0x1df: {  	v48 =	vld.idx.msk [tilespmem:v41+s2+$0x0], $0xffff;
	v2 =	vadd.f32 v3, v2;
	v3 =	vmul.f32 v40, v39  }
0x1e0: {  	v50 =	vor.u32 $0x1C, v1;
	v49 =	vld.idx.msk [tilespmem:v41+s7+$0x0], $0xffff  }
0x1e1: {  	v51 =	vld.idx.msk [tilespmem:v44+s2+$0x0], $0xffff;
	v2 =	vadd.f32 v3, v2;
	v3 =	vmul.f32 v43, v42  }
0x1e2: {  	v53 =	vor.u32 $0x1D, v1;
	v52 =	vld.idx.msk [tilespmem:v44+s7+$0x0], $0xffff  }
0x1e3: {  	v54 =	vld.idx.msk [tilespmem:v47+s2+$0x0], $0xffff;
	v2 =	vadd.f32 v3, v2;
	v3 =	vmul.f32 v46, v45  }
0x1e4: {  	v56 =	vor.u32 $0x1E, v1;
	v55 =	vld.idx.msk [tilespmem:v47+s7+$0x0], $0xffff  }
0x1e5: {  	v57 =	vld.idx.msk [tilespmem:v50+s2+$0x0], $0xffff;
	v2 =	vadd.f32 v3, v2;
	v3 =	vmul.f32 v49, v48  }
0x1e6: {  	v59 =	vor.u32 $0x1F, v1;
	v58 =	vld.idx.msk [tilespmem:v50+s7+$0x0], $0xffff  }
0x1e7: {  	v60 =	vld.idx.msk [tilespmem:v53+s2+$0x0], $0xffff;
	v2 =	vadd.f32 v3, v2;
	v3 =	vmul.f32 v52, v51  }
0x1e8: {  	v62 =	vor.u32 $0x20, v1;
	v61 =	vld.idx.msk [tilespmem:v53+s7+$0x0], $0xffff  }
0x1e9: {  	v63 =	vld.idx.msk [tilespmem:v56+s2+$0x0], $0xffff;
	v2 =	vadd.f32 v3, v2;
	v3 =	vmul.f32 v55, v54  }
0x1ea: {  	v17 =	vor.u32 $0x21, v1;
	v16 =	vld.idx.msk [tilespmem:v56+s7+$0x0], $0xffff  }
0x1eb: {  	v18 =	vld.idx.msk [tilespmem:v59+s2+$0x0], $0xffff;
	v2 =	vadd.f32 v3, v2;
	v3 =	vmul.f32 v58, v57  }
0x1ec: {  	v20 =	vor.u32 $0x22, v1;
	v19 =	vld.idx.msk [tilespmem:v59+s7+$0x0], $0xffff  }
0x1ed: {  	v21 =	vld.idx.msk [tilespmem:v62+s2+$0x0], $0xffff;
	v2 =	vadd.f32 v3, v2;
	v3 =	vmul.f32 v61, v60  }
0x1ee: {  	v23 =	vor.u32 $0x23, v1;
	v22 =	vld.idx.msk [tilespmem:v62+s7+$0x0], $0xffff  }
0x1ef: {  	v24 =	vld.idx.msk [tilespmem:v17+s2+$0x0], $0xffff;
	v2 =	vadd.f32 v3, v2;
	v3 =	vmul.f32 v16, v63  }
0x1f0: {  	v26 =	vor.u32 $0x24, v1;
	v25 =	vld.idx.msk [tilespmem:v17+s7+$0x0], $0xffff  }
0x1f1: {  	v27 =	vld.idx.msk [tilespmem:v20+s2+$0x0], $0xffff;
	v2 =	vadd.f32 v3, v2;
	v3 =	vmul.f32 v19, v18  }
0x1f2: {  	v29 =	vor.u32 $0x25, v1;
	v28 =	vld.idx.msk [tilespmem:v20+s7+$0x0], $0xffff  }
0x1f3: {  	v30 =	vld.idx.msk [tilespmem:v23+s2+$0x0], $0xffff;
	v2 =	vadd.f32 v3, v2;
	v3 =	vmul.f32 v22, v21  }
0x1f4: {  	v32 =	vor.u32 $0x26, v1;
	v31 =	vld.idx.msk [tilespmem:v23+s7+$0x0], $0xffff  }
0x1f5: {  	v33 =	vld.idx.msk [tilespmem:v26+s2+$0x0], $0xffff;
	v2 =	vadd.f32 v3, v2;
	v3 =	vmul.f32 v25, v24  }
0x1f6: {  	v35 =	vor.u32 $0x27, v1;
	v34 =	vld.idx.msk [tilespmem:v26+s7+$0x0], $0xffff  }
0x1f7: {  	v36 =	vld.idx.msk [tilespmem:v29+s2+$0x0], $0xffff;
	v2 =	vadd.f32 v3, v2;
	v3 =	vmul.f32 v28, v27  }
0x1f8: {  	v38 =	vor.u32 $0x28, v1;
	v37 =	vld.idx.msk [tilespmem:v29+s7+$0x0], $0xffff  }
0x1f9: {  	v39 =	vld.idx.msk [tilespmem:v32+s2+$0x0], $0xffff;
	v2 =	vadd.f32 v3, v2;
	v3 =	vmul.f32 v31, v30  }
0x1fa: {  	v41 =	vor.u32 $0x29, v1;
	v40 =	vld.idx.msk [tilespmem:v32+s7+$0x0], $0xffff  }
0x1fb: {  	v42 =	vld.idx.msk [tilespmem:v35+s2+$0x0], $0xffff;
	v2 =	vadd.f32 v3, v2;
	v3 =	vmul.f32 v34, v33  }
0x1fc: {  	v44 =	vor.u32 $0x2A, v1;
	v43 =	vld.idx.msk [tilespmem:v35+s7+$0x0], $0xffff  }
0x1fd: {  	v45 =	vld.idx.msk [tilespmem:v38+s2+$0x0], $0xffff;
	v2 =	vadd.f32 v3, v2;
	v3 =	vmul.f32 v37, v36  }
0x1fe: {  	v47 =	vor.u32 $0x2B, v1;
	v46 =	vld.idx.msk [tilespmem:v38+s7+$0x0], $0xffff  }
0x1ff: {  	v48 =	vld.idx.msk [tilespmem:v41+s2+$0x0], $0xffff;
	v2 =	vadd.f32 v3, v2;
	v3 =	vmul.f32 v40, v39  }
0x200: {  	v50 =	vor.u32 $0x2C, v1;
	v49 =	vld.idx.msk [tilespmem:v41+s7+$0x0], $0xffff  }
0x201: {  	v51 =	vld.idx.msk [tilespmem:v44+s2+$0x0], $0xffff;
	v2 =	vadd.f32 v3, v2;
	v3 =	vmul.f32 v43, v42  }
0x202: {  	v53 =	vor.u32 $0x2D, v1;
	v52 =	vld.idx.msk [tilespmem:v44+s7+$0x0], $0xffff  }
0x203: {  	v54 =	vld.idx.msk [tilespmem:v47+s2+$0x0], $0xffff;
	v2 =	vadd.f32 v3, v2;
	v3 =	vmul.f32 v46, v45  }
0x204: {  	v56 =	vor.u32 $0x2E, v1;
	v55 =	vld.idx.msk [tilespmem:v47+s7+$0x0], $0xffff  }
0x205: {  	v57 =	vld.idx.msk [tilespmem:v50+s2+$0x0], $0xffff;
	v2 =	vadd.f32 v3, v2;
	v3 =	vmul.f32 v49, v48  }
0x206: {  	v59 =	vor.u32 $0x2F, v1;
	v58 =	vld.idx.msk [tilespmem:v50+s7+$0x0], $0xffff  }
0x207: {  	v60 =	vld.idx.msk [tilespmem:v53+s2+$0x0], $0xffff;
	v2 =	vadd.f32 v3, v2;
	v3 =	vmul.f32 v52, v51  }
0x208: {  	v62 =	vor.u32 $0x30, v1;
	v61 =	vld.idx.msk [tilespmem:v53+s7+$0x0], $0xffff  }
0x209: {  	v63 =	vld.idx.msk [tilespmem:v56+s2+$0x0], $0xffff;
	v2 =	vadd.f32 v3, v2;
	v3 =	vmul.f32 v55, v54  }
0x20a: {  	v17 =	vor.u32 $0x31, v1;
	v16 =	vld.idx.msk [tilespmem:v56+s7+$0x0], $0xffff  }
0x20b: {  	v18 =	vld.idx.msk [tilespmem:v59+s2+$0x0], $0xffff;
	v2 =	vadd.f32 v3, v2;
	v3 =	vmul.f32 v58, v57  }
0x20c: {  	v20 =	vor.u32 $0x32, v1;
	v19 =	vld.idx.msk [tilespmem:v59+s7+$0x0], $0xffff  }
0x20d: {  	v21 =	vld.idx.msk [tilespmem:v62+s2+$0x0], $0xffff;
	v2 =	vadd.f32 v3, v2;
	v3 =	vmul.f32 v61, v60  }
0x20e: {  	v23 =	vor.u32 $0x33, v1;
	v22 =	vld.idx.msk [tilespmem:v62+s7+$0x0], $0xffff  }
0x20f: {  	v24 =	vld.idx.msk [tilespmem:v17+s2+$0x0], $0xffff;
	v2 =	vadd.f32 v3, v2;
	v3 =	vmul.f32 v16, v63  }
0x210: {  	v26 =	vor.u32 $0x34, v1;
	v25 =	vld.idx.msk [tilespmem:v17+s7+$0x0], $0xffff  }
0x211: {  	v27 =	vld.idx.msk [tilespmem:v20+s2+$0x0], $0xffff;
	v2 =	vadd.f32 v3, v2;
	v3 =	vmul.f32 v19, v18  }
0x212: {  	v29 =	vor.u32 $0x35, v1;
	v28 =	vld.idx.msk [tilespmem:v20+s7+$0x0], $0xffff  }
0x213: {  	v30 =	vld.idx.msk [tilespmem:v23+s2+$0x0], $0xffff;
	v2 =	vadd.f32 v3, v2;
	v3 =	vmul.f32 v22, v21  }
0x214: {  	v32 =	vor.u32 $0x36, v1;
	v31 =	vld.idx.msk [tilespmem:v23+s7+$0x0], $0xffff  }
0x215: {  	v33 =	vld.idx.msk [tilespmem:v26+s2+$0x0], $0xffff;
	v2 =	vadd.f32 v3, v2;
	v3 =	vmul.f32 v25, v24  }
0x216: {  	v35 =	vor.u32 $0x37, v1;
	v34 =	vld.idx.msk [tilespmem:v26+s7+$0x0], $0xffff  }
0x217: {  	v36 =	vld.idx.msk [tilespmem:v29+s2+$0x0], $0xffff;
	v2 =	vadd.f32 v3, v2;
	v3 =	vmul.f32 v28, v27  }
0x218: {  	v38 =	vor.u32 $0x38, v1;
	v37 =	vld.idx.msk [tilespmem:v29+s7+$0x0], $0xffff  }
0x219: {  	v39 =	vld.idx.msk [tilespmem:v32+s2+$0x0], $0xffff;
	v2 =	vadd.f32 v3, v2;
	v3 =	vmul.f32 v31, v30  }
0x21a: {  	v41 =	vor.u32 $0x39, v1;
	v40 =	vld.idx.msk [tilespmem:v32+s7+$0x0], $0xffff  }
0x21b: {  	v42 =	vld.idx.msk [tilespmem:v35+s2+$0x0], $0xffff;
	v2 =	vadd.f32 v3, v2;
	v3 =	vmul.f32 v34, v33  }
0x21c: {  	v44 =	vor.u32 $0x3A, v1;
	v43 =	vld.idx.msk [tilespmem:v35+s7+$0x0], $0xffff  }
0x21d: {  	v45 =	vld.idx.msk [tilespmem:v38+s2+$0x0], $0xffff;
	v2 =	vadd.f32 v3, v2;
	v3 =	vmul.f32 v37, v36  }
0x21e: {  	v47 =	vor.u32 $0x3B, v1;
	v46 =	vld.idx.msk [tilespmem:v38+s7+$0x0], $0xffff  }
0x21f: {  	v48 =	vld.idx.msk [tilespmem:v41+s2+$0x0], $0xffff;
	v2 =	vadd.f32 v3, v2;
	v3 =	vmul.f32 v40, v39  }
0x220: {  	v50 =	vor.u32 $0x3C, v1;
	v49 =	vld.idx.msk [tilespmem:v41+s7+$0x0], $0xffff  }
0x221: {  	v51 =	vld.idx.msk [tilespmem:v44+s2+$0x0], $0xffff;
	v2 =	vadd.f32 v3, v2;
	v3 =	vmul.f32 v43, v42  }
0x222: {  	v53 =	vor.u32 $0x3D, v1;
	v52 =	vld.idx.msk [tilespmem:v44+s7+$0x0], $0xffff  }
0x223: {  	v54 =	vld.idx.msk [tilespmem:v47+s2+$0x0], $0xffff;
	v2 =	vadd.f32 v3, v2;
	v3 =	vmul.f32 v46, v45  }
0x224: {  	v56 =	vor.u32 $0x3E, v1;
	v55 =	vld.idx.msk [tilespmem:v47+s7+$0x0], $0xffff  }
0x225: {  	v57 =	vld.idx.msk [tilespmem:v50+s2+$0x0], $0xffff;
	v2 =	vadd.f32 v3, v2;
	v3 =	vmul.f32 v49, v48  }
0x226: {  	v1 =	vor.u32 $0x3F, v1;
	v58 =	vld.idx.msk [tilespmem:v50+s7+$0x0], $0xffff  }
0x227: {  	v59 =	vld.idx.msk [tilespmem:v53+s2+$0x0], $0xffff;
	v2 =	vadd.f32 v3, v2;
	v3 =	vmul.f32 v52, v51  }
0x228: {  	v60 =	vld.idx.msk [tilespmem:v53+s7+$0x0], $0xffff  }
0x229: {  	v62 =	vld.idx.msk [tilespmem:v56+s7+$0x0], $0xffff;
	v2 =	vadd.f32 v3, v2;
	v3 =	vmul.f32 v55, v54  }
0x22a: {  	v61 =	vld.idx.msk [tilespmem:v56+s2+$0x0], $0xffff  }
0x22b: {  	v63 =	vld.idx.msk [tilespmem:v1+s2+$0x0], $0xffff;
	v2 =	vadd.f32 v3, v2;
	v3 =	vmul.f32 v58, v57  }
0x22c: {  	v1 =	vld.idx.msk [tilespmem:v1+s7+$0x0], $0xffff  }
0x22d: {  	v2 =	vadd.f32 v3, v2;
	v3 =	vmul.f32 v60, v59;
	_ =	sdelay $0x1  }
0x22e: {  	v2 =	vadd.f32 v3, v2;
	v3 =	vmul.f32 v62, v61;
	_ =	sdelay $0x1  }
0x22f: {  	v1 =	vmul.f32 v1, v63;
	v2 =	vadd.f32 v3, v2;
	_ =	sdelay $0x1  }
0x230: {  	s11 =	sadd.s32 $0x1, s11;
	v1 =	vadd.f32 v1, v2  }
0x231: {  	p0 =	sne.s32 s11, s6;
	s12 =	sadd.s32 $0x10, s12  }
.Ltmp1:
0x232: {  	[tilespmem:s12+$0x0] =	vst v1;
	(pc) =	sbr.rel @p0 .LBB2_1-.Ltmp1, $4  }
0x233: {  	[hbm4b:s5+s2] =	stream.linear.scatter [tilespmem:s9], [sflag:$0x2], $0x200, $0x38;
	[tilespmem:$0x10200] =	vst v63  }
0x234: {  	_ =	swait.ge [sflag:s10], $0x200  }
0x235: {  	[sflag:s10] =	ssyncset.done $0x0  }
0x236: {  	[sflag:s10] =	ssyncadd.s32 $0xFFFFFE00  }
0x237: {  	_ =	sfence.sel $0x180000  }
0x238: {  	[bflag:$0x0] =	sbarrier.arrive $0xFFFF  }
0x239: {  	p0 =	sne.s32 s1, $0x0;
	_ =	strace $0x9000004A  }
0x23a: {  	s0 =	sadd.s32 @!p0 $0x100000, s0;
	[bflag:$0x2] =	sbarrier.arrive $0xFFFF  }
0x23b: {  	[sflag:s0] =	ssyncadd.tile.s32 @!p0 $0x1;
	_ =	shalt  }
.Lfunc_end2:
_tile_overlayer_lowered:
.L_overlay_start_2:
0x23c: {  	(tag) =	ssettag $0x2  }
0x23d: {  	s0 =	rddreg [dreg:$0x0];
	s2 =	stileid.u32  }
0x23e: {  	s1 =	rddreg [dreg:$0x1];
	p0 =	sne.s32 s2, $0x0  }
0x23f: {  	s3 =	rddreg [dreg:$0x2];
	[bflag:$0x3] =	sbarrier.arrive $0xFFFF;
	s2 =	simm.s32 @!p0 $0x1C02  }
0x240: {  	[timem:s3], [sflag:s2] =	dma.local @!p0 [hbm:s0], s1  }
0x241: {  	s0 =	simm.s32 @!p0 $0x2  }
0x242: {  	_ =	swait.ge @!p0 [sflag:s0], s1  }
0x243: {  	s1 =	ssub.s32 @!p0 $0x0, s1;
	[sflag:s0] =	ssyncset.done @!p0 $0x0  }
0x244: {  	[sflag:s0] =	ssyncadd.s32 @!p0 s1  }
0x245: {  	[bflag:$0x3] =	sbarrier.arrive $0xFFFF  }
0x246: {  	_ =	shalt  }

</sc_bundles>
